<compile_context>
chip_gen: v7x
topology: tpu7x:2x2x1
jax: 0.10.2.dev20260603
libtpu: 0.0.44.dev20260713+nightly
codegen_flags: <defaults>
</compile_context>

<pallas_src>
import functools
import jax
import jax.numpy as jnp
from jax import lax
from jax.experimental import pallas as pl
from jax.experimental.pallas import tpu as pltpu
from jax.experimental.pallas import tpu_sc as plsc

K = 10
KPAD = 16


def _pre_body(x_ref, mean_ref, s_ref, gamma_ref, beta_ref, w_ref, b_ref, o_ref):
    x = x_ref[...]
    xn = (x - mean_ref[...]) / s_ref[...] * gamma_ref[...] + beta_ref[...]
    h = jax.nn.relu(jnp.dot(xn, w_ref[...]) + b_ref[...])
    o_ref[...] = jnp.concatenate(
        [h, jnp.zeros((h.shape[0], 128 - h.shape[1]), jnp.float32)], axis=-1)


def _pre_call(x2d, mean, s, gamma, beta, w, b):
    M, C = x2d.shape
    CO = w.shape[1]
    R = 512
    vec = lambda: pl.BlockSpec((1, C), lambda i: (0, 0))
    return pl.pallas_call(
        _pre_body,
        grid=(M // R,),
        in_specs=[
            pl.BlockSpec((R, C), lambda i: (i, 0)),
            vec(), vec(), vec(), vec(),
            pl.BlockSpec((C, CO), lambda i: (0, 0)),
            pl.BlockSpec((1, CO), lambda i: (0, 0)),
        ],
        out_specs=pl.BlockSpec((R, 128), lambda i: (i, 0)),
        out_shape=jax.ShapeDtypeStruct((M, 128), jnp.float32),
    )(x2d, mean, s, gamma, beta, w, b)


def _knn_body(xr_ref, xc_ref, sqr_ref, sqc_ref, idx_ref, *, n_total, c):
    b = pl.program_id(0)
    xr = xr_ref[0][:, :c]
    xc = xc_ref[0][:, :c]
    sq_r = sqr_ref[0, 0]
    sq_c = sqc_ref[0, 0]
    inner = lax.dot_general(xr, xc, (((1,), (1,)), ((), ())),
                            preferred_element_type=jnp.float32)
    dist = sq_r[:, None] - 2.0 * inner + sq_c[None, :]
    cols = lax.broadcasted_iota(jnp.int32, dist.shape, 1)
    base = b * n_total
    for j in range(K):
        idxj = jnp.argmin(dist, axis=1).astype(jnp.int32)
        idx_ref[0, j, :] = idxj + base
        dist = jnp.where(cols == idxj[:, None], jnp.float32(jnp.inf), dist)


def _knn_call(x128, sq, c):
    B, N, _ = x128.shape
    R = 256
    return pl.pallas_call(
        functools.partial(_knn_body, n_total=N, c=c),
        grid=(B, N // R),
        in_specs=[
            pl.BlockSpec((1, R, 128), lambda b, r: (b, r, 0)),
            pl.BlockSpec((1, N, 128), lambda b, r: (b, 0, 0)),
            pl.BlockSpec((1, 1, R), lambda b, r: (b, 0, r)),
            pl.BlockSpec((1, 1, N), lambda b, r: (b, 0, 0)),
        ],
        out_specs=pl.BlockSpec((1, KPAD, R), lambda b, r: (b, 0, r)),
        out_shape=jax.ShapeDtypeStruct((B, KPAD, N), jnp.int32),
    )(x128, x128, sq, sq)


def _gather_call(table, idx3):
    V, C = table.shape
    NW, NCHUNK, CH = idx3.shape
    E = NW * NCHUNK * CH
    info = plsc.get_sparse_core_info()
    assert NW == info.num_cores * info.num_subcores

    mesh = plsc.VectorSubcoreMesh(core_axis_name="c", subcore_axis_name="s")

    @functools.partial(
        pl.kernel,
        mesh=mesh,
        out_type=jax.ShapeDtypeStruct((E, C), jnp.float32),
        scratch_types=[
            pltpu.VMEM_SHARED((V, C), jnp.float32),
            pltpu.VMEM((NCHUNK, CH), jnp.int32),
            pltpu.VMEM((CH, C), jnp.float32),
            pltpu.VMEM((CH, C), jnp.float32),
            pltpu.SemaphoreType.DMA,
            pltpu.SemaphoreType.DMA,
        ],
    )
    def gk(table_hbm, idx_hbm, out_hbm, table_sp, idx_v, rows_a, rows_b, sem_a,
           sem_b):
        sid = lax.axis_index("s")
        cid = lax.axis_index("c")
        wid = sid * info.num_cores + cid

        @pl.when(sid == 0)
        def _():
            pltpu.sync_copy(table_hbm, table_sp)

        pltpu.sync_copy(idx_hbm.at[wid], idx_v)
        plsc.subcore_barrier()
        base = wid * (NCHUNK * CH)

        pltpu.async_copy(table_sp.at[idx_v.at[0]], rows_a, sem_a)

        def body(p, carry):
            ci = 2 * p
            pltpu.make_async_copy(table_sp.at[idx_v.at[ci]], rows_a,
                                  sem_a).wait()
            pltpu.async_copy(table_sp.at[idx_v.at[ci + 1]], rows_b, sem_b)
            pltpu.sync_copy(rows_a, out_hbm.at[pl.ds(base + ci * CH, CH)])
            pltpu.make_async_copy(table_sp.at[idx_v.at[ci + 1]], rows_b,
                                  sem_b).wait()

            @pl.when(ci + 2 < NCHUNK)
            def _():
                pltpu.async_copy(table_sp.at[idx_v.at[ci + 2]], rows_a, sem_a)

            pltpu.sync_copy(rows_b, out_hbm.at[pl.ds(base + (ci + 1) * CH, CH)])
            return carry

        lax.fori_loop(0, NCHUNK // 2, body, 0)

    return gk(table, idx3)


def _edge_body(x_ref, g_ref, w1_ref, b1_ref, w2_ref, b2_ref, w3_ref, b3_ref,
               o_ref, *, c):
    xc = x_ref[0][:, :c]
    acc = None
    for j in range(K):
        nb = g_ref[0, j][:, :c]
        h = jnp.concatenate([xc, nb - xc], axis=-1)
        h = jax.nn.relu(jnp.dot(h, w1_ref[...]) + b1_ref[...])
        h = jax.nn.relu(jnp.dot(h, w2_ref[...]) + b2_ref[...])
        h = jax.nn.relu(jnp.dot(h, w3_ref[...]) + b3_ref[...])
        acc = h if acc is None else jnp.maximum(acc, h)
    co = acc.shape[-1]
    o_ref[0] = jnp.concatenate(
        [acc, jnp.zeros((acc.shape[0], 128 - co), jnp.float32)], axis=-1)


def _edge_call(x128, G4, layers, c):
    B, N, _ = x128.shape
    R = 512
    CO = layers[2]['W'].shape[1]
    w1, w2, w3 = layers[0]['W'], layers[1]['W'], layers[2]['W']
    b1 = layers[0]['b'].reshape(1, -1)
    b2 = layers[1]['b'].reshape(1, -1)
    b3 = layers[2]['b'].reshape(1, -1)
    wspec = lambda w: pl.BlockSpec(w.shape, lambda b, r: (0, 0))
    return pl.pallas_call(
        functools.partial(_edge_body, c=c),
        grid=(B, N // R),
        in_specs=[
            pl.BlockSpec((1, R, 128), lambda b, r: (b, r, 0)),
            pl.BlockSpec((1, K, R, 128), lambda b, r: (b, 0, r, 0)),
            wspec(w1), wspec(b1), wspec(w2), wspec(b2), wspec(w3), wspec(b3),
        ],
        out_specs=pl.BlockSpec((1, R, 128), lambda b, r: (b, r, 0)),
        out_shape=jax.ShapeDtypeStruct((B, N, 128), jnp.float32),
    )(x128, G4, w1, b1, w2, b2, w3, b3)


def _final_body(f1_ref, f2_ref, f3_ref, w1_ref, b1_ref, w2_ref, b2_ref, o_ref,
                *, c):
    h = jnp.concatenate(
        [f1_ref[0][:, :c], f2_ref[0][:, :c], f3_ref[0][:, :c]], axis=-1)
    h = jax.nn.relu(jnp.dot(h, w1_ref[...]) + b1_ref[...])
    o_ref[0] = jax.nn.relu(jnp.dot(h, w2_ref[...]) + b2_ref[...])


def _final_call(f1, f2, f3, mlp2, c):
    B, N, _ = f1.shape
    R = 512
    w1, w2 = mlp2[0]['W'], mlp2[1]['W']
    b1 = mlp2[0]['b'].reshape(1, -1)
    b2 = mlp2[1]['b'].reshape(1, -1)
    CO = w2.shape[1]
    fspec = pl.BlockSpec((1, R, 128), lambda b, r: (b, r, 0))
    wspec = lambda w: pl.BlockSpec(w.shape, lambda b, r: (0, 0))
    return pl.pallas_call(
        functools.partial(_final_body, c=c),
        grid=(B, N // R),
        in_specs=[fspec, fspec, fspec,
                  wspec(w1), wspec(b1), wspec(w2), wspec(b2)],
        out_specs=pl.BlockSpec((1, R, CO), lambda b, r: (b, r, 0)),
        out_shape=jax.ShapeDtypeStruct((B, N, CO), jnp.float32),
    )(f1, f2, f3, w1, b1, w2, b2)


def _edge_layer(x128, layers, c):
    B, N, _ = x128.shape
    xs = x128[:, :, :c]
    sq = jnp.sum(xs * xs, axis=-1).reshape(B, 1, N)
    idx = _knn_call(x128, sq, c)
    idx3 = idx[:, :K, :].reshape(32, -1, 128)
    g = _gather_call(x128.reshape(B * N, 128), idx3)
    G4 = g.reshape(B, K, N, 128)
    return _edge_call(x128, G4, layers, c)


def kernel(feat, params):
    B, N, C0 = feat.shape
    CH = 64
    bn = params['bn']
    mean = bn['mean'].reshape(1, -1)
    s = jnp.sqrt(bn['var'] + 1e-5).reshape(1, -1)
    gamma = bn['gamma'].reshape(1, -1)
    beta = bn['beta'].reshape(1, -1)
    x0 = _pre_call(feat.reshape(B * N, C0), mean, s, gamma, beta,
                   params['pre']['W'], params['pre']['b'].reshape(1, -1))
    x0 = x0.reshape(B, N, 128)
    x1 = _edge_layer(x0, params['ec'][0], CH)
    f1 = _edge_layer(x1, params['ec'][1], CH)
    f2 = _edge_layer(f1, params['ec'][2], CH)
    f3 = _edge_layer(f2, params['ec'][3], CH)
    return _final_call(f1, f2, f3, params['mlp2'], CH)

# --- scband reference (transcript-rebuilt; emitter-appended) ---
"""Pipeline reference for scband-dgcnn-segment-43619687858603 (READ-ONLY COPY).

The authoritative reference and input builder live on the scoring server;
editing this copy changes nothing except your own understanding.
"""

import jax, jax.numpy as jnp
import numpy as np

K_NEIGHBORS = 10


def _knn_idx(x, k):
    # x: [B, N, C] -> idx: [B, N, k] nearest neighbors in feature space
    sq = jnp.sum(x * x, axis=-1)                      # [B, N]
    inner = jnp.einsum('bnc,bmc->bnm', x, x)          # [B, N, N]
    dist = sq[:, :, None] - 2.0 * inner + sq[:, None, :]
    _, idx = jax.lax.top_k(-dist, k)                  # smallest distances
    return idx


def _edge_conv(x, layers, k):
    # x: [B, N, C]; layers: list of {'W','b'} (128->128->64->64 with 2C=128 input)
    idx = _knn_idx(x, k)                              # [B, N, k]
    nb = jax.vmap(lambda xb, ib: xb[ib])(x, idx)      # gather: [B, N, k, C]
    center = jnp.broadcast_to(x[:, :, None, :], nb.shape)
    h = jnp.concatenate([center, nb - center], axis=-1)  # [B, N, k, 2C]
    for l in layers:
        h = jax.nn.relu(h @ l['W'] + l['b'])
    return jnp.max(h, axis=2)                         # [B, N, out]


def _forward(feat, params):
    B, N, C = feat.shape
    bn = params['bn']
    x = feat.reshape(-1, C)
    x = (x - bn['mean']) / jnp.sqrt(bn['var'] + 1e-5) * bn['gamma'] + bn['beta']
    x = x.reshape(B, N, C)
    x = jax.nn.relu(x @ params['pre']['W'] + params['pre']['b'])  # [B,N,64]
    x = _edge_conv(x, params['ec'][0], K_NEIGHBORS)
    f1 = _edge_conv(x, params['ec'][1], K_NEIGHBORS)
    f2 = _edge_conv(x, params['ec'][2], K_NEIGHBORS)
    f3 = _edge_conv(x, params['ec'][3], K_NEIGHBORS)
    h = jnp.concatenate([f1, f2, f3], axis=-1)        # [B,N,192]
    for l in params['mlp2']:
        h = jax.nn.relu(h @ l['W'] + l['b'])
    return h


def setup_inputs(seed: int = 0) -> dict:
    key = jax.random.key(seed)
    keys = iter(jax.random.split(key, 64))
    feat = jax.random.normal(next(keys), (2, 4096, 128), dtype=jnp.float32)

    def lin(kin, kout):
        return {'W': jax.random.normal(next(keys), (kin, kout), dtype=jnp.float32) * 0.05,
                'b': jax.random.normal(next(keys), (kout,), dtype=jnp.float32) * 0.05}

    params = {
        'bn': {'gamma': jnp.ones((128,), jnp.float32),
               'beta': jnp.zeros((128,), jnp.float32),
               'mean': jax.random.normal(next(keys), (128,), dtype=jnp.float32) * 0.05,
               'var': jnp.ones((128,), jnp.float32)},
        'pre': lin(128, 64),
        'ec': [[lin(128, 128), lin(128, 64), lin(64, 64)] for _ in range(4)],
        'mlp2': [lin(192, 192), lin(192, 192)],
    }
    return {'feat': feat, 'params': params}


def reference(feat, params):
    return _forward(feat, params)

if __name__ == "__main__":
    import jax
    _d = setup_inputs()
    print(jax.jit(kernel)(*tuple(_d.values())))

</pallas_src>

<mosaic_0001>
#map = affine_map<(d0, d1) -> (0, 0)>
#map1 = affine_map<(d0, d1) -> (0, 0, 0)>
module attributes {stable_mosaic.version = 14 : i64} {
  func.func @gk(%arg0: i32, %arg1: i32, %arg2: memref<8192x128xf32, #tpu.memory_space<hbm>>, %arg3: memref<32x20x128xi32, #tpu.memory_space<hbm>>, %arg4: memref<81920x128xf32, #tpu.memory_space<hbm>>, %arg5: memref<8192x128xf32, #tpu.memory_space<vmem_shared>>, %arg6: memref<20x128xi32, #tpu.memory_space<vmem>>, %arg7: memref<128x128xf32, #tpu.memory_space<vmem>>, %arg8: memref<128x128xf32, #tpu.memory_space<vmem>>, %arg9: memref<!tpu.dma_semaphore, #tpu.memory_space<semaphore_mem>>, %arg10: memref<!tpu.dma_semaphore, #tpu.memory_space<semaphore_mem>>) attributes {dimension_semantics = [#tpu.dimension_semantics<core_parallel>, #tpu.dimension_semantics<subcore_parallel>], iteration_bounds = array<i64: 2, 16>, scalar_prefetch = 0 : i64, scratch_operands = 6 : i64, tpu.core_type = #tpu.core_type<sc_vector_subcore>, window_params = [{transform_indices = #map}, {transform_indices = #map1}, {transform_indices = #map}]} {
    %mul3A = arith.constant 2 : i32
    %mul3A_0 = arith.muli %arg1, %mul3A : i32
    %add3A = arith.addi %mul3A_0, %arg0 : i32
    %eq3A = arith.constant 0 : i32
    %eq3A_1 = arith.cmpi eq, %arg1, %eq3A : i32
    %convert_element_type3A = arith.extui %eq3A_1 : i1 to i32
    %cond3A = arith.constant 0 : i32
    %cond3A_2 = arith.cmpi ne, %convert_element_type3A, %cond3A : i32
    scf.if %cond3A_2 {
      "tpu.region"() ({
        %run_scoped3A = tpu.sem_alloc : memref<!tpu.dma_semaphore, #tpu.memory_space<semaphore_mem>>
        tpu.enqueue_dma source(%arg2 : memref<8192x128xf32, #tpu.memory_space<hbm>>) target(%arg5 : memref<8192x128xf32, #tpu.memory_space<vmem_shared>>) target_semaphore(%run_scoped3A : memref<!tpu.dma_semaphore, #tpu.memory_space<semaphore_mem>>)
        tpu.wait_dma2 semaphore(%run_scoped3A : memref<!tpu.dma_semaphore, #tpu.memory_space<semaphore_mem>>) src(%arg2 : memref<8192x128xf32, #tpu.memory_space<hbm>>) dst(%arg5 : memref<8192x128xf32, #tpu.memory_space<vmem_shared>>)
        tpu.yield
      }) : () -> ()
    } else {
    }
    "tpu.region"() ({
      %run_scoped3A = tpu.sem_alloc : memref<!tpu.dma_semaphore, #tpu.memory_space<semaphore_mem>>
      %dma_start3A_16 = arith.constant 0 : i32
      %dma_start3A_17 = arith.constant 0 : i32
      %dma_start3A_18 = tpu.memref_slice %arg3[%add3A, %dma_start3A_16, %dma_start3A_17] : memref<32x20x128xi32, #tpu.memory_space<hbm>> -> memref<1x20x128xi32, #tpu.memory_space<hbm>>
      %dma_start3A_19 = tpu.memref_squeeze %dma_start3A_18 : memref<1x20x128xi32, #tpu.memory_space<hbm>> -> memref<20x128xi32, #tpu.memory_space<hbm>>
      %dma_start3A_20 = arith.constant 0 : i32
      %dma_start3A_21 = arith.constant 0 : i32
      %dma_start3A_22 = tpu.memref_slice %arg3[%add3A, %dma_start3A_20, %dma_start3A_21] : memref<32x20x128xi32, #tpu.memory_space<hbm>> -> memref<1x20x128xi32, #tpu.memory_space<hbm>>
      %dma_start3A_23 = tpu.memref_squeeze %dma_start3A_22 : memref<1x20x128xi32, #tpu.memory_space<hbm>> -> memref<20x128xi32, #tpu.memory_space<hbm>>
      tpu.enqueue_dma source(%dma_start3A_23 : memref<20x128xi32, #tpu.memory_space<hbm>>) target(%arg6 : memref<20x128xi32, #tpu.memory_space<vmem>>) target_semaphore(%run_scoped3A : memref<!tpu.dma_semaphore, #tpu.memory_space<semaphore_mem>>)
      %dma_wait3A = arith.constant 0 : i32
      %dma_wait3A_24 = arith.constant 0 : i32
      %dma_wait3A_25 = tpu.memref_slice %arg3[%add3A, %dma_wait3A, %dma_wait3A_24] : memref<32x20x128xi32, #tpu.memory_space<hbm>> -> memref<1x20x128xi32, #tpu.memory_space<hbm>>
      %dma_wait3A_26 = tpu.memref_squeeze %dma_wait3A_25 : memref<1x20x128xi32, #tpu.memory_space<hbm>> -> memref<20x128xi32, #tpu.memory_space<hbm>>
      %dma_wait3A_27 = arith.constant 0 : i32
      %dma_wait3A_28 = arith.constant 0 : i32
      %dma_wait3A_29 = tpu.memref_slice %arg3[%add3A, %dma_wait3A_27, %dma_wait3A_28] : memref<32x20x128xi32, #tpu.memory_space<hbm>> -> memref<1x20x128xi32, #tpu.memory_space<hbm>>
      %dma_wait3A_30 = tpu.memref_squeeze %dma_wait3A_29 : memref<1x20x128xi32, #tpu.memory_space<hbm>> -> memref<20x128xi32, #tpu.memory_space<hbm>>
      tpu.wait_dma2 semaphore(%run_scoped3A : memref<!tpu.dma_semaphore, #tpu.memory_space<semaphore_mem>>) src(%dma_wait3A_30 : memref<20x128xi32, #tpu.memory_space<hbm>>) dst(%arg6 : memref<20x128xi32, #tpu.memory_space<vmem>>)
      tpu.yield
    }) : () -> ()
    %barrier3A = arith.constant 0 : index
    tpu.barrier barrier_id(%barrier3A)
    %mul3A_3 = arith.constant 2560 : i32
    %mul3A_4 = arith.muli %add3A, %mul3A_3 : i32
    %dma_start3A = arith.constant 0 : i32
    %dma_start3A_5 = arith.constant 0 : i32
    %dma_start3A_6 = tpu.memref_slice %arg6[%dma_start3A, %dma_start3A_5] : memref<20x128xi32, #tpu.memory_space<vmem>> -> memref<1x128xi32, #tpu.memory_space<vmem>>
    %dma_start3A_7 = tpu.memref_squeeze %dma_start3A_6 : memref<1x128xi32, #tpu.memory_space<vmem>> -> memref<128xi32, #tpu.memory_space<vmem>>
    %dma_start3A_8 = arith.constant 0 : i32
    %dma_start3A_9 = arith.constant 0 : i32
    %dma_start3A_10 = tpu.memref_slice %arg5[%dma_start3A_8, %dma_start3A_9] : memref<8192x128xf32, #tpu.memory_space<vmem_shared>> -> memref<8192x128xf32, #tpu.memory_space<vmem_shared>>
    tpu.enqueue_indirect_dma source(%dma_start3A_10 : memref<8192x128xf32, #tpu.memory_space<vmem_shared>>) target(%arg7 : memref<128x128xf32, #tpu.memory_space<vmem>>) offsets(%dma_start3A_7 : memref<128xi32, #tpu.memory_space<vmem>>) semaphore(%arg9 : memref<!tpu.dma_semaphore, #tpu.memory_space<semaphore_mem>>)
    %scan3A = arith.constant 0 : i32
    %scan3A_11 = arith.constant 0 : i32
    %scan3A_12 = arith.constant 10 : i32
    %scan3A_13 = arith.addi %scan3A_11, %scan3A_12 : i32
    %scan3A_14 = arith.constant 1 : i32
    scf.for %scan3A_16 = %scan3A_11 to %scan3A_13 step %scan3A_14  : i32 {
      %mul3A_17 = arith.constant 2 : i32
      %mul3A_18 = arith.muli %mul3A_17, %scan3A_16 : i32
      %dma_wait3A = arith.constant 0 : i32
      %dma_wait3A_19 = tpu.memref_slice %arg6[%mul3A_18, %dma_wait3A] : memref<20x128xi32, #tpu.memory_space<vmem>> -> memref<1x128xi32, #tpu.memory_space<vmem>>
      %dma_wait3A_20 = tpu.memref_squeeze %dma_wait3A_19 : memref<1x128xi32, #tpu.memory_space<vmem>> -> memref<128xi32, #tpu.memory_space<vmem>>
      %dma_wait3A_21 = arith.constant 0 : i32
      %dma_wait3A_22 = arith.constant 0 : i32
      %dma_wait3A_23 = tpu.memref_slice %arg5[%dma_wait3A_21, %dma_wait3A_22] : memref<8192x128xf32, #tpu.memory_space<vmem_shared>> -> memref<8192x128xf32, #tpu.memory_space<vmem_shared>>
      tpu.wait_indirect_dma semaphore(%arg9 : memref<!tpu.dma_semaphore, #tpu.memory_space<semaphore_mem>>) src(%dma_wait3A_23 : memref<8192x128xf32, #tpu.memory_space<vmem_shared>>) dst(%arg7 : memref<128x128xf32, #tpu.memory_space<vmem>>)
      %add3A_24 = arith.constant 1 : i32
      %add3A_25 = arith.addi %mul3A_18, %add3A_24 : i32
      %dma_start3A_26 = arith.constant 0 : i32
      %dma_start3A_27 = tpu.memref_slice %arg6[%add3A_25, %dma_start3A_26] : memref<20x128xi32, #tpu.memory_space<vmem>> -> memref<1x128xi32, #tpu.memory_space<vmem>>
      %dma_start3A_28 = tpu.memref_squeeze %dma_start3A_27 : memref<1x128xi32, #tpu.memory_space<vmem>> -> memref<128xi32, #tpu.memory_space<vmem>>
      %dma_start3A_29 = arith.constant 0 : i32
      %dma_start3A_30 = arith.constant 0 : i32
      %dma_start3A_31 = tpu.memref_slice %arg5[%dma_start3A_29, %dma_start3A_30] : memref<8192x128xf32, #tpu.memory_space<vmem_shared>> -> memref<8192x128xf32, #tpu.memory_space<vmem_shared>>
      tpu.enqueue_indirect_dma source(%dma_start3A_31 : memref<8192x128xf32, #tpu.memory_space<vmem_shared>>) target(%arg8 : memref<128x128xf32, #tpu.memory_space<vmem>>) offsets(%dma_start3A_28 : memref<128xi32, #tpu.memory_space<vmem>>) semaphore(%arg10 : memref<!tpu.dma_semaphore, #tpu.memory_space<semaphore_mem>>)
      %mul3A_32 = arith.constant 128 : i32
      %mul3A_33 = arith.muli %mul3A_18, %mul3A_32 : i32
      %add3A_34 = arith.addi %mul3A_4, %mul3A_33 : i32
      "tpu.region"() ({
        %run_scoped3A = tpu.sem_alloc : memref<!tpu.dma_semaphore, #tpu.memory_space<semaphore_mem>>
        %dma_start3A_54 = arith.constant 0 : i32
        %dma_start3A_55 = tpu.memref_slice %arg4[%add3A_34, %dma_start3A_54] : memref<81920x128xf32, #tpu.memory_space<hbm>> -> memref<128x128xf32, #tpu.memory_space<hbm>>
        %dma_start3A_56 = arith.constant 0 : i32
        %dma_start3A_57 = tpu.memref_slice %arg4[%add3A_34, %dma_start3A_56] : memref<81920x128xf32, #tpu.memory_space<hbm>> -> memref<128x128xf32, #tpu.memory_space<hbm>>
        tpu.enqueue_dma source(%arg7 : memref<128x128xf32, #tpu.memory_space<vmem>>) target(%dma_start3A_57 : memref<128x128xf32, #tpu.memory_space<hbm>>) target_semaphore(%run_scoped3A : memref<!tpu.dma_semaphore, #tpu.memory_space<semaphore_mem>>)
        %dma_wait3A_58 = arith.constant 0 : i32
        %dma_wait3A_59 = tpu.memref_slice %arg4[%add3A_34, %dma_wait3A_58] : memref<81920x128xf32, #tpu.memory_space<hbm>> -> memref<128x128xf32, #tpu.memory_space<hbm>>
        %dma_wait3A_60 = arith.constant 0 : i32
        %dma_wait3A_61 = tpu.memref_slice %arg4[%add3A_34, %dma_wait3A_60] : memref<81920x128xf32, #tpu.memory_space<hbm>> -> memref<128x128xf32, #tpu.memory_space<hbm>>
        tpu.wait_dma2 semaphore(%run_scoped3A : memref<!tpu.dma_semaphore, #tpu.memory_space<semaphore_mem>>) src(%arg7 : memref<128x128xf32, #tpu.memory_space<vmem>>) dst(%dma_wait3A_61 : memref<128x128xf32, #tpu.memory_space<hbm>>)
        tpu.yield
      }) : () -> ()
      %add3A_35 = arith.constant 1 : i32
      %add3A_36 = arith.addi %mul3A_18, %add3A_35 : i32
      %dma_wait3A_37 = arith.constant 0 : i32
      %dma_wait3A_38 = tpu.memref_slice %arg6[%add3A_36, %dma_wait3A_37] : memref<20x128xi32, #tpu.memory_space<vmem>> -> memref<1x128xi32, #tpu.memory_space<vmem>>
      %dma_wait3A_39 = tpu.memref_squeeze %dma_wait3A_38 : memref<1x128xi32, #tpu.memory_space<vmem>> -> memref<128xi32, #tpu.memory_space<vmem>>
      %dma_wait3A_40 = arith.constant 0 : i32
      %dma_wait3A_41 = arith.constant 0 : i32
      %dma_wait3A_42 = tpu.memref_slice %arg5[%dma_wait3A_40, %dma_wait3A_41] : memref<8192x128xf32, #tpu.memory_space<vmem_shared>> -> memref<8192x128xf32, #tpu.memory_space<vmem_shared>>
      tpu.wait_indirect_dma semaphore(%arg10 : memref<!tpu.dma_semaphore, #tpu.memory_space<semaphore_mem>>) src(%dma_wait3A_42 : memref<8192x128xf32, #tpu.memory_space<vmem_shared>>) dst(%arg8 : memref<128x128xf32, #tpu.memory_space<vmem>>)
      %add3A_43 = arith.constant 2 : i32
      %add3A_44 = arith.addi %mul3A_18, %add3A_43 : i32
      %lt3A = arith.constant 20 : i32
      %lt3A_45 = arith.cmpi slt, %add3A_44, %lt3A : i32
      %convert_element_type3A_46 = arith.extui %lt3A_45 : i1 to i32
      %cond3A_47 = arith.constant 0 : i32
      %cond3A_48 = arith.cmpi ne, %convert_element_type3A_46, %cond3A_47 : i32
      scf.if %cond3A_48 {
        %add3A_54 = arith.constant 2 : i32
        %add3A_55 = arith.addi %mul3A_18, %add3A_54 : i32
        %dma_start3A_56 = arith.constant 0 : i32
        %dma_start3A_57 = tpu.memref_slice %arg6[%add3A_55, %dma_start3A_56] : memref<20x128xi32, #tpu.memory_space<vmem>> -> memref<1x128xi32, #tpu.memory_space<vmem>>
        %dma_start3A_58 = tpu.memref_squeeze %dma_start3A_57 : memref<1x128xi32, #tpu.memory_space<vmem>> -> memref<128xi32, #tpu.memory_space<vmem>>
        %dma_start3A_59 = arith.constant 0 : i32
        %dma_start3A_60 = arith.constant 0 : i32
        %dma_start3A_61 = tpu.memref_slice %arg5[%dma_start3A_59, %dma_start3A_60] : memref<8192x128xf32, #tpu.memory_space<vmem_shared>> -> memref<8192x128xf32, #tpu.memory_space<vmem_shared>>
        tpu.enqueue_indirect_dma source(%dma_start3A_61 : memref<8192x128xf32, #tpu.memory_space<vmem_shared>>) target(%arg7 : memref<128x128xf32, #tpu.memory_space<vmem>>) offsets(%dma_start3A_58 : memref<128xi32, #tpu.memory_space<vmem>>) semaphore(%arg9 : memref<!tpu.dma_semaphore, #tpu.memory_space<semaphore_mem>>)
      } else {
      }
      %add3A_49 = arith.constant 1 : i32
      %add3A_50 = arith.addi %mul3A_18, %add3A_49 : i32
      %mul3A_51 = arith.constant 128 : i32
      %mul3A_52 = arith.muli %add3A_50, %mul3A_51 : i32
      %add3A_53 = arith.addi %mul3A_4, %mul3A_52 : i32
      "tpu.region"() ({
        %run_scoped3A = tpu.sem_alloc : memref<!tpu.dma_semaphore, #tpu.memory_space<semaphore_mem>>
        %dma_start3A_54 = arith.constant 0 : i32
        %dma_start3A_55 = tpu.memref_slice %arg4[%add3A_53, %dma_start3A_54] : memref<81920x128xf32, #tpu.memory_space<hbm>> -> memref<128x128xf32, #tpu.memory_space<hbm>>
        %dma_start3A_56 = arith.constant 0 : i32
        %dma_start3A_57 = tpu.memref_slice %arg4[%add3A_53, %dma_start3A_56] : memref<81920x128xf32, #tpu.memory_space<hbm>> -> memref<128x128xf32, #tpu.memory_space<hbm>>
        tpu.enqueue_dma source(%arg8 : memref<128x128xf32, #tpu.memory_space<vmem>>) target(%dma_start3A_57 : memref<128x128xf32, #tpu.memory_space<hbm>>) target_semaphore(%run_scoped3A : memref<!tpu.dma_semaphore, #tpu.memory_space<semaphore_mem>>)
        %dma_wait3A_58 = arith.constant 0 : i32
        %dma_wait3A_59 = tpu.memref_slice %arg4[%add3A_53, %dma_wait3A_58] : memref<81920x128xf32, #tpu.memory_space<hbm>> -> memref<128x128xf32, #tpu.memory_space<hbm>>
        %dma_wait3A_60 = arith.constant 0 : i32
        %dma_wait3A_61 = tpu.memref_slice %arg4[%add3A_53, %dma_wait3A_60] : memref<81920x128xf32, #tpu.memory_space<hbm>> -> memref<128x128xf32, #tpu.memory_space<hbm>>
        tpu.wait_dma2 semaphore(%run_scoped3A : memref<!tpu.dma_semaphore, #tpu.memory_space<semaphore_mem>>) src(%arg8 : memref<128x128xf32, #tpu.memory_space<vmem>>) dst(%dma_wait3A_61 : memref<128x128xf32, #tpu.memory_space<hbm>>)
        tpu.yield
      }) : () -> ()
    }
    %scan3A_15 = arith.constant 10 : i32
    return
  }
}

#map = affine_map<(d0, d1) -> (0, 0)>
#map1 = affine_map<(d0, d1) -> (0, 0, 0)>
module attributes {stable_mosaic.version = 14 : i64} {
  func.func @gk(%arg0: i32, %arg1: i32, %arg2: memref<8192x128xf32, #tpu.memory_space<hbm>>, %arg3: memref<32x20x128xi32, #tpu.memory_space<hbm>>, %arg4: memref<81920x128xf32, #tpu.memory_space<hbm>>, %arg5: memref<8192x128xf32, #tpu.memory_space<vmem_shared>>, %arg6: memref<20x128xi32, #tpu.memory_space<vmem>>, %arg7: memref<128x128xf32, #tpu.memory_space<vmem>>, %arg8: memref<128x128xf32, #tpu.memory_space<vmem>>, %arg9: memref<!tpu.dma_semaphore, #tpu.memory_space<semaphore_mem>>, %arg10: memref<!tpu.dma_semaphore, #tpu.memory_space<semaphore_mem>>) attributes {dimension_semantics = [#tpu.dimension_semantics<core_parallel>, #tpu.dimension_semantics<subcore_parallel>], iteration_bounds = array<i64: 2, 16>, scalar_prefetch = 0 : i64, scratch_operands = 6 : i64, tpu.core_type = #tpu.core_type<sc_vector_subcore>, window_params = [{transform_indices = #map}, {transform_indices = #map1}, {transform_indices = #map}]} {
    %mul3A = arith.constant 2 : i32
    %mul3A_0 = arith.muli %arg1, %mul3A : i32
    %add3A = arith.addi %mul3A_0, %arg0 : i32
    %eq3A = arith.constant 0 : i32
    %eq3A_1 = arith.cmpi eq, %arg1, %eq3A : i32
    %convert_element_type3A = arith.extui %eq3A_1 : i1 to i32
    %cond3A = arith.constant 0 : i32
    %cond3A_2 = arith.cmpi ne, %convert_element_type3A, %cond3A : i32
    scf.if %cond3A_2 {
      "tpu.region"() ({
        %run_scoped3A = tpu.sem_alloc : memref<!tpu.dma_semaphore, #tpu.memory_space<semaphore_mem>>
        tpu.enqueue_dma source(%arg2 : memref<8192x128xf32, #tpu.memory_space<hbm>>) target(%arg5 : memref<8192x128xf32, #tpu.memory_space<vmem_shared>>) target_semaphore(%run_scoped3A : memref<!tpu.dma_semaphore, #tpu.memory_space<semaphore_mem>>)
        tpu.wait_dma2 semaphore(%run_scoped3A : memref<!tpu.dma_semaphore, #tpu.memory_space<semaphore_mem>>) src(%arg2 : memref<8192x128xf32, #tpu.memory_space<hbm>>) dst(%arg5 : memref<8192x128xf32, #tpu.memory_space<vmem_shared>>)
        tpu.yield
      }) : () -> ()
    } else {
    }
    "tpu.region"() ({
      %run_scoped3A = tpu.sem_alloc : memref<!tpu.dma_semaphore, #tpu.memory_space<semaphore_mem>>
      %dma_start3A_16 = arith.constant 0 : i32
      %dma_start3A_17 = arith.constant 0 : i32
      %dma_start3A_18 = tpu.memref_slice %arg3[%add3A, %dma_start3A_16, %dma_start3A_17] : memref<32x20x128xi32, #tpu.memory_space<hbm>> -> memref<1x20x128xi32, #tpu.memory_space<hbm>>
      %dma_start3A_19 = tpu.memref_squeeze %dma_start3A_18 : memref<1x20x128xi32, #tpu.memory_space<hbm>> -> memref<20x128xi32, #tpu.memory_space<hbm>>
      %dma_start3A_20 = arith.constant 0 : i32
      %dma_start3A_21 = arith.constant 0 : i32
      %dma_start3A_22 = tpu.memref_slice %arg3[%add3A, %dma_start3A_20, %dma_start3A_21] : memref<32x20x128xi32, #tpu.memory_space<hbm>> -> memref<1x20x128xi32, #tpu.memory_space<hbm>>
      %dma_start3A_23 = tpu.memref_squeeze %dma_start3A_22 : memref<1x20x128xi32, #tpu.memory_space<hbm>> -> memref<20x128xi32, #tpu.memory_space<hbm>>
      tpu.enqueue_dma source(%dma_start3A_23 : memref<20x128xi32, #tpu.memory_space<hbm>>) target(%arg6 : memref<20x128xi32, #tpu.memory_space<vmem>>) target_semaphore(%run_scoped3A : memref<!tpu.dma_semaphore, #tpu.memory_space<semaphore_mem>>)
      %dma_wait3A = arith.constant 0 : i32
      %dma_wait3A_24 = arith.constant 0 : i32
      %dma_wait3A_25 = tpu.memref_slice %arg3[%add3A, %dma_wait3A, %dma_wait3A_24] : memref<32x20x128xi32, #tpu.memory_space<hbm>> -> memref<1x20x128xi32, #tpu.memory_space<hbm>>
      %dma_wait3A_26 = tpu.memref_squeeze %dma_wait3A_25 : memref<1x20x128xi32, #tpu.memory_space<hbm>> -> memref<20x128xi32, #tpu.memory_space<hbm>>
      %dma_wait3A_27 = arith.constant 0 : i32
      %dma_wait3A_28 = arith.constant 0 : i32
      %dma_wait3A_29 = tpu.memref_slice %arg3[%add3A, %dma_wait3A_27, %dma_wait3A_28] : memref<32x20x128xi32, #tpu.memory_space<hbm>> -> memref<1x20x128xi32, #tpu.memory_space<hbm>>
      %dma_wait3A_30 = tpu.memref_squeeze %dma_wait3A_29 : memref<1x20x128xi32, #tpu.memory_space<hbm>> -> memref<20x128xi32, #tpu.memory_space<hbm>>
      tpu.wait_dma2 semaphore(%run_scoped3A : memref<!tpu.dma_semaphore, #tpu.memory_space<semaphore_mem>>) src(%dma_wait3A_30 : memref<20x128xi32, #tpu.memory_space<hbm>>) dst(%arg6 : memref<20x128xi32, #tpu.memory_space<vmem>>)
      tpu.yield
    }) : () -> ()
    %barrier3A = arith.constant 0 : index
    tpu.barrier barrier_id(%barrier3A)
    %mul3A_3 = arith.constant 2560 : i32
    %mul3A_4 = arith.muli %add3A, %mul3A_3 : i32
    %dma_start3A = arith.constant 0 : i32
    %dma_start3A_5 = arith.constant 0 : i32
    %dma_start3A_6 = tpu.memref_slice %arg6[%dma_start3A, %dma_start3A_5] : memref<20x128xi32, #tpu.memory_space<vmem>> -> memref<1x128xi32, #tpu.memory_space<vmem>>
    %dma_start3A_7 = tpu.memref_squeeze %dma_start3A_6 : memref<1x128xi32, #tpu.memory_space<vmem>> -> memref<128xi32, #tpu.memory_space<vmem>>
    %dma_start3A_8 = arith.constant 0 : i32
    %dma_start3A_9 = arith.constant 0 : i32
    %dma_start3A_10 = tpu.memref_slice %arg5[%dma_start3A_8, %dma_start3A_9] : memref<8192x128xf32, #tpu.memory_space<vmem_shared>> -> memref<8192x128xf32, #tpu.memory_space<vmem_shared>>
    tpu.enqueue_indirect_dma source(%dma_start3A_10 : memref<8192x128xf32, #tpu.memory_space<vmem_shared>>) target(%arg7 : memref<128x128xf32, #tpu.memory_space<vmem>>) offsets(%dma_start3A_7 : memref<128xi32, #tpu.memory_space<vmem>>) semaphore(%arg9 : memref<!tpu.dma_semaphore, #tpu.memory_space<semaphore_mem>>)
    %scan3A = arith.constant 0 : i32
    %scan3A_11 = arith.constant 0 : i32
    %scan3A_12 = arith.constant 10 : i32
    %scan3A_13 = arith.addi %scan3A_11, %scan3A_12 : i32
    %scan3A_14 = arith.constant 1 : i32
    scf.for %scan3A_16 = %scan3A_11 to %scan3A_13 step %scan3A_14  : i32 {
      %mul3A_17 = arith.constant 2 : i32
      %mul3A_18 = arith.muli %mul3A_17, %scan3A_16 : i32
      %dma_wait3A = arith.constant 0 : i32
      %dma_wait3A_19 = tpu.memref_slice %arg6[%mul3A_18, %dma_wait3A] : memref<20x128xi32, #tpu.memory_space<vmem>> -> memref<1x128xi32, #tpu.memory_space<vmem>>
      %dma_wait3A_20 = tpu.memref_squeeze %dma_wait3A_19 : memref<1x128xi32, #tpu.memory_space<vmem>> -> memref<128xi32, #tpu.memory_space<vmem>>
      %dma_wait3A_21 = arith.constant 0 : i32
      %dma_wait3A_22 = arith.constant 0 : i32
      %dma_wait3A_23 = tpu.memref_slice %arg5[%dma_wait3A_21, %dma_wait3A_22] : memref<8192x128xf32, #tpu.memory_space<vmem_shared>> -> memref<8192x128xf32, #tpu.memory_space<vmem_shared>>
      tpu.wait_indirect_dma semaphore(%arg9 : memref<!tpu.dma_semaphore, #tpu.memory_space<semaphore_mem>>) src(%dma_wait3A_23 : memref<8192x128xf32, #tpu.memory_space<vmem_shared>>) dst(%arg7 : memref<128x128xf32, #tpu.memory_space<vmem>>)
      %add3A_24 = arith.constant 1 : i32
      %add3A_25 = arith.addi %mul3A_18, %add3A_24 : i32
      %dma_start3A_26 = arith.constant 0 : i32
      %dma_start3A_27 = tpu.memref_slice %arg6[%add3A_25, %dma_start3A_26] : memref<20x128xi32, #tpu.memory_space<vmem>> -> memref<1x128xi32, #tpu.memory_space<vmem>>
      %dma_start3A_28 = tpu.memref_squeeze %dma_start3A_27 : memref<1x128xi32, #tpu.memory_space<vmem>> -> memref<128xi32, #tpu.memory_space<vmem>>
      %dma_start3A_29 = arith.constant 0 : i32
      %dma_start3A_30 = arith.constant 0 : i32
      %dma_start3A_31 = tpu.memref_slice %arg5[%dma_start3A_29, %dma_start3A_30] : memref<8192x128xf32, #tpu.memory_space<vmem_shared>> -> memref<8192x128xf32, #tpu.memory_space<vmem_shared>>
      tpu.enqueue_indirect_dma source(%dma_start3A_31 : memref<8192x128xf32, #tpu.memory_space<vmem_shared>>) target(%arg8 : memref<128x128xf32, #tpu.memory_space<vmem>>) offsets(%dma_start3A_28 : memref<128xi32, #tpu.memory_space<vmem>>) semaphore(%arg10 : memref<!tpu.dma_semaphore, #tpu.memory_space<semaphore_mem>>)
      %mul3A_32 = arith.constant 128 : i32
      %mul3A_33 = arith.muli %mul3A_18, %mul3A_32 : i32
      %add3A_34 = arith.addi %mul3A_4, %mul3A_33 : i32
      "tpu.region"() ({
        %run_scoped3A = tpu.sem_alloc : memref<!tpu.dma_semaphore, #tpu.memory_space<semaphore_mem>>
        %dma_start3A_54 = arith.constant 0 : i32
        %dma_start3A_55 = tpu.memref_slice %arg4[%add3A_34, %dma_start3A_54] : memref<81920x128xf32, #tpu.memory_space<hbm>> -> memref<128x128xf32, #tpu.memory_space<hbm>>
        %dma_start3A_56 = arith.constant 0 : i32
        %dma_start3A_57 = tpu.memref_slice %arg4[%add3A_34, %dma_start3A_56] : memref<81920x128xf32, #tpu.memory_space<hbm>> -> memref<128x128xf32, #tpu.memory_space<hbm>>
        tpu.enqueue_dma source(%arg7 : memref<128x128xf32, #tpu.memory_space<vmem>>) target(%dma_start3A_57 : memref<128x128xf32, #tpu.memory_space<hbm>>) target_semaphore(%run_scoped3A : memref<!tpu.dma_semaphore, #tpu.memory_space<semaphore_mem>>)
        %dma_wait3A_58 = arith.constant 0 : i32
        %dma_wait3A_59 = tpu.memref_slice %arg4[%add3A_34, %dma_wait3A_58] : memref<81920x128xf32, #tpu.memory_space<hbm>> -> memref<128x128xf32, #tpu.memory_space<hbm>>
        %dma_wait3A_60 = arith.constant 0 : i32
        %dma_wait3A_61 = tpu.memref_slice %arg4[%add3A_34, %dma_wait3A_60] : memref<81920x128xf32, #tpu.memory_space<hbm>> -> memref<128x128xf32, #tpu.memory_space<hbm>>
        tpu.wait_dma2 semaphore(%run_scoped3A : memref<!tpu.dma_semaphore, #tpu.memory_space<semaphore_mem>>) src(%arg7 : memref<128x128xf32, #tpu.memory_space<vmem>>) dst(%dma_wait3A_61 : memref<128x128xf32, #tpu.memory_space<hbm>>)
        tpu.yield
      }) : () -> ()
      %add3A_35 = arith.constant 1 : i32
      %add3A_36 = arith.addi %mul3A_18, %add3A_35 : i32
      %dma_wait3A_37 = arith.constant 0 : i32
      %dma_wait3A_38 = tpu.memref_slice %arg6[%add3A_36, %dma_wait3A_37] : memref<20x128xi32, #tpu.memory_space<vmem>> -> memref<1x128xi32, #tpu.memory_space<vmem>>
      %dma_wait3A_39 = tpu.memref_squeeze %dma_wait3A_38 : memref<1x128xi32, #tpu.memory_space<vmem>> -> memref<128xi32, #tpu.memory_space<vmem>>
      %dma_wait3A_40 = arith.constant 0 : i32
      %dma_wait3A_41 = arith.constant 0 : i32
      %dma_wait3A_42 = tpu.memref_slice %arg5[%dma_wait3A_40, %dma_wait3A_41] : memref<8192x128xf32, #tpu.memory_space<vmem_shared>> -> memref<8192x128xf32, #tpu.memory_space<vmem_shared>>
      tpu.wait_indirect_dma semaphore(%arg10 : memref<!tpu.dma_semaphore, #tpu.memory_space<semaphore_mem>>) src(%dma_wait3A_42 : memref<8192x128xf32, #tpu.memory_space<vmem_shared>>) dst(%arg8 : memref<128x128xf32, #tpu.memory_space<vmem>>)
      %add3A_43 = arith.constant 2 : i32
      %add3A_44 = arith.addi %mul3A_18, %add3A_43 : i32
      %lt3A = arith.constant 20 : i32
      %lt3A_45 = arith.cmpi slt, %add3A_44, %lt3A : i32
      %convert_element_type3A_46 = arith.extui %lt3A_45 : i1 to i32
      %cond3A_47 = arith.constant 0 : i32
      %cond3A_48 = arith.cmpi ne, %convert_element_type3A_46, %cond3A_47 : i32
      scf.if %cond3A_48 {
        %add3A_54 = arith.constant 2 : i32
        %add3A_55 = arith.addi %mul3A_18, %add3A_54 : i32
        %dma_start3A_56 = arith.constant 0 : i32
        %dma_start3A_57 = tpu.memref_slice %arg6[%add3A_55, %dma_start3A_56] : memref<20x128xi32, #tpu.memory_space<vmem>> -> memref<1x128xi32, #tpu.memory_space<vmem>>
        %dma_start3A_58 = tpu.memref_squeeze %dma_start3A_57 : memref<1x128xi32, #tpu.memory_space<vmem>> -> memref<128xi32, #tpu.memory_space<vmem>>
        %dma_start3A_59 = arith.constant 0 : i32
        %dma_start3A_60 = arith.constant 0 : i32
        %dma_start3A_61 = tpu.memref_slice %arg5[%dma_start3A_59, %dma_start3A_60] : memref<8192x128xf32, #tpu.memory_space<vmem_shared>> -> memref<8192x128xf32, #tpu.memory_space<vmem_shared>>
        tpu.enqueue_indirect_dma source(%dma_start3A_61 : memref<8192x128xf32, #tpu.memory_space<vmem_shared>>) target(%arg7 : memref<128x128xf32, #tpu.memory_space<vmem>>) offsets(%dma_start3A_58 : memref<128xi32, #tpu.memory_space<vmem>>) semaphore(%arg9 : memref<!tpu.dma_semaphore, #tpu.memory_space<semaphore_mem>>)
      } else {
      }
      %add3A_49 = arith.constant 1 : i32
      %add3A_50 = arith.addi %mul3A_18, %add3A_49 : i32
      %mul3A_51 = arith.constant 128 : i32
      %mul3A_52 = arith.muli %add3A_50, %mul3A_51 : i32
      %add3A_53 = arith.addi %mul3A_4, %mul3A_52 : i32
      "tpu.region"() ({
        %run_scoped3A = tpu.sem_alloc : memref<!tpu.dma_semaphore, #tpu.memory_space<semaphore_mem>>
        %dma_start3A_54 = arith.constant 0 : i32
        %dma_start3A_55 = tpu.memref_slice %arg4[%add3A_53, %dma_start3A_54] : memref<81920x128xf32, #tpu.memory_space<hbm>> -> memref<128x128xf32, #tpu.memory_space<hbm>>
        %dma_start3A_56 = arith.constant 0 : i32
        %dma_start3A_57 = tpu.memref_slice %arg4[%add3A_53, %dma_start3A_56] : memref<81920x128xf32, #tpu.memory_space<hbm>> -> memref<128x128xf32, #tpu.memory_space<hbm>>
        tpu.enqueue_dma source(%arg8 : memref<128x128xf32, #tpu.memory_space<vmem>>) target(%dma_start3A_57 : memref<128x128xf32, #tpu.memory_space<hbm>>) target_semaphore(%run_scoped3A : memref<!tpu.dma_semaphore, #tpu.memory_space<semaphore_mem>>)
        %dma_wait3A_58 = arith.constant 0 : i32
        %dma_wait3A_59 = tpu.memref_slice %arg4[%add3A_53, %dma_wait3A_58] : memref<81920x128xf32, #tpu.memory_space<hbm>> -> memref<128x128xf32, #tpu.memory_space<hbm>>
        %dma_wait3A_60 = arith.constant 0 : i32
        %dma_wait3A_61 = tpu.memref_slice %arg4[%add3A_53, %dma_wait3A_60] : memref<81920x128xf32, #tpu.memory_space<hbm>> -> memref<128x128xf32, #tpu.memory_space<hbm>>
        tpu.wait_dma2 semaphore(%run_scoped3A : memref<!tpu.dma_semaphore, #tpu.memory_space<semaphore_mem>>) src(%arg8 : memref<128x128xf32, #tpu.memory_space<vmem>>) dst(%dma_wait3A_61 : memref<128x128xf32, #tpu.memory_space<hbm>>)
        tpu.yield
      }) : () -> ()
    }
    %scan3A_15 = arith.constant 10 : i32
    return
  }
}

#map = affine_map<(d0, d1) -> (0, 0)>
#map1 = affine_map<(d0, d1) -> (0, 0, 0)>
module attributes {stable_mosaic.version = 14 : i64} {
  func.func @gk(%arg0: i32, %arg1: i32, %arg2: memref<8192x128xf32, #tpu.memory_space<hbm>>, %arg3: memref<32x20x128xi32, #tpu.memory_space<hbm>>, %arg4: memref<81920x128xf32, #tpu.memory_space<hbm>>, %arg5: memref<8192x128xf32, #tpu.memory_space<vmem_shared>>, %arg6: memref<20x128xi32, #tpu.memory_space<vmem>>, %arg7: memref<128x128xf32, #tpu.memory_space<vmem>>, %arg8: memref<128x128xf32, #tpu.memory_space<vmem>>, %arg9: memref<!tpu.dma_semaphore, #tpu.memory_space<semaphore_mem>>, %arg10: memref<!tpu.dma_semaphore, #tpu.memory_space<semaphore_mem>>) attributes {dimension_semantics = [#tpu.dimension_semantics<core_parallel>, #tpu.dimension_semantics<subcore_parallel>], iteration_bounds = array<i64: 2, 16>, scalar_prefetch = 0 : i64, scratch_operands = 6 : i64, tpu.core_type = #tpu.core_type<sc_vector_subcore>, window_params = [{transform_indices = #map}, {transform_indices = #map1}, {transform_indices = #map}]} {
    %mul3A = arith.constant 2 : i32
    %mul3A_0 = arith.muli %arg1, %mul3A : i32
    %add3A = arith.addi %mul3A_0, %arg0 : i32
    %eq3A = arith.constant 0 : i32
    %eq3A_1 = arith.cmpi eq, %arg1, %eq3A : i32
    %convert_element_type3A = arith.extui %eq3A_1 : i1 to i32
    %cond3A = arith.constant 0 : i32
    %cond3A_2 = arith.cmpi ne, %convert_element_type3A, %cond3A : i32
    scf.if %cond3A_2 {
      "tpu.region"() ({
        %run_scoped3A = tpu.sem_alloc : memref<!tpu.dma_semaphore, #tpu.memory_space<semaphore_mem>>
        tpu.enqueue_dma source(%arg2 : memref<8192x128xf32, #tpu.memory_space<hbm>>) target(%arg5 : memref<8192x128xf32, #tpu.memory_space<vmem_shared>>) target_semaphore(%run_scoped3A : memref<!tpu.dma_semaphore, #tpu.memory_space<semaphore_mem>>)
        tpu.wait_dma2 semaphore(%run_scoped3A : memref<!tpu.dma_semaphore, #tpu.memory_space<semaphore_mem>>) src(%arg2 : memref<8192x128xf32, #tpu.memory_space<hbm>>) dst(%arg5 : memref<8192x128xf32, #tpu.memory_space<vmem_shared>>)
        tpu.yield
      }) : () -> ()
    } else {
    }
    "tpu.region"() ({
      %run_scoped3A = tpu.sem_alloc : memref<!tpu.dma_semaphore, #tpu.memory_space<semaphore_mem>>
      %dma_start3A_16 = arith.constant 0 : i32
      %dma_start3A_17 = arith.constant 0 : i32
      %dma_start3A_18 = tpu.memref_slice %arg3[%add3A, %dma_start3A_16, %dma_start3A_17] : memref<32x20x128xi32, #tpu.memory_space<hbm>> -> memref<1x20x128xi32, #tpu.memory_space<hbm>>
      %dma_start3A_19 = tpu.memref_squeeze %dma_start3A_18 : memref<1x20x128xi32, #tpu.memory_space<hbm>> -> memref<20x128xi32, #tpu.memory_space<hbm>>
      %dma_start3A_20 = arith.constant 0 : i32
      %dma_start3A_21 = arith.constant 0 : i32
      %dma_start3A_22 = tpu.memref_slice %arg3[%add3A, %dma_start3A_20, %dma_start3A_21] : memref<32x20x128xi32, #tpu.memory_space<hbm>> -> memref<1x20x128xi32, #tpu.memory_space<hbm>>
      %dma_start3A_23 = tpu.memref_squeeze %dma_start3A_22 : memref<1x20x128xi32, #tpu.memory_space<hbm>> -> memref<20x128xi32, #tpu.memory_space<hbm>>
      tpu.enqueue_dma source(%dma_start3A_23 : memref<20x128xi32, #tpu.memory_space<hbm>>) target(%arg6 : memref<20x128xi32, #tpu.memory_space<vmem>>) target_semaphore(%run_scoped3A : memref<!tpu.dma_semaphore, #tpu.memory_space<semaphore_mem>>)
      %dma_wait3A = arith.constant 0 : i32
      %dma_wait3A_24 = arith.constant 0 : i32
      %dma_wait3A_25 = tpu.memref_slice %arg3[%add3A, %dma_wait3A, %dma_wait3A_24] : memref<32x20x128xi32, #tpu.memory_space<hbm>> -> memref<1x20x128xi32, #tpu.memory_space<hbm>>
      %dma_wait3A_26 = tpu.memref_squeeze %dma_wait3A_25 : memref<1x20x128xi32, #tpu.memory_space<hbm>> -> memref<20x128xi32, #tpu.memory_space<hbm>>
      %dma_wait3A_27 = arith.constant 0 : i32
      %dma_wait3A_28 = arith.constant 0 : i32
      %dma_wait3A_29 = tpu.memref_slice %arg3[%add3A, %dma_wait3A_27, %dma_wait3A_28] : memref<32x20x128xi32, #tpu.memory_space<hbm>> -> memref<1x20x128xi32, #tpu.memory_space<hbm>>
      %dma_wait3A_30 = tpu.memref_squeeze %dma_wait3A_29 : memref<1x20x128xi32, #tpu.memory_space<hbm>> -> memref<20x128xi32, #tpu.memory_space<hbm>>
      tpu.wait_dma2 semaphore(%run_scoped3A : memref<!tpu.dma_semaphore, #tpu.memory_space<semaphore_mem>>) src(%dma_wait3A_30 : memref<20x128xi32, #tpu.memory_space<hbm>>) dst(%arg6 : memref<20x128xi32, #tpu.memory_space<vmem>>)
      tpu.yield
    }) : () -> ()
    %barrier3A = arith.constant 0 : index
    tpu.barrier barrier_id(%barrier3A)
    %mul3A_3 = arith.constant 2560 : i32
    %mul3A_4 = arith.muli %add3A, %mul3A_3 : i32
    %dma_start3A = arith.constant 0 : i32
    %dma_start3A_5 = arith.constant 0 : i32
    %dma_start3A_6 = tpu.memref_slice %arg6[%dma_start3A, %dma_start3A_5] : memref<20x128xi32, #tpu.memory_space<vmem>> -> memref<1x128xi32, #tpu.memory_space<vmem>>
    %dma_start3A_7 = tpu.memref_squeeze %dma_start3A_6 : memref<1x128xi32, #tpu.memory_space<vmem>> -> memref<128xi32, #tpu.memory_space<vmem>>
    %dma_start3A_8 = arith.constant 0 : i32
    %dma_start3A_9 = arith.constant 0 : i32
    %dma_start3A_10 = tpu.memref_slice %arg5[%dma_start3A_8, %dma_start3A_9] : memref<8192x128xf32, #tpu.memory_space<vmem_shared>> -> memref<8192x128xf32, #tpu.memory_space<vmem_shared>>
    tpu.enqueue_indirect_dma source(%dma_start3A_10 : memref<8192x128xf32, #tpu.memory_space<vmem_shared>>) target(%arg7 : memref<128x128xf32, #tpu.memory_space<vmem>>) offsets(%dma_start3A_7 : memref<128xi32, #tpu.memory_space<vmem>>) semaphore(%arg9 : memref<!tpu.dma_semaphore, #tpu.memory_space<semaphore_mem>>)
    %scan3A = arith.constant 0 : i32
    %scan3A_11 = arith.constant 0 : i32
    %scan3A_12 = arith.constant 10 : i32
    %scan3A_13 = arith.addi %scan3A_11, %scan3A_12 : i32
    %scan3A_14 = arith.constant 1 : i32
    scf.for %scan3A_16 = %scan3A_11 to %scan3A_13 step %scan3A_14  : i32 {
      %mul3A_17 = arith.constant 2 : i32
      %mul3A_18 = arith.muli %mul3A_17, %scan3A_16 : i32
      %dma_wait3A = arith.constant 0 : i32
      %dma_wait3A_19 = tpu.memref_slice %arg6[%mul3A_18, %dma_wait3A] : memref<20x128xi32, #tpu.memory_space<vmem>> -> memref<1x128xi32, #tpu.memory_space<vmem>>
      %dma_wait3A_20 = tpu.memref_squeeze %dma_wait3A_19 : memref<1x128xi32, #tpu.memory_space<vmem>> -> memref<128xi32, #tpu.memory_space<vmem>>
      %dma_wait3A_21 = arith.constant 0 : i32
      %dma_wait3A_22 = arith.constant 0 : i32
      %dma_wait3A_23 = tpu.memref_slice %arg5[%dma_wait3A_21, %dma_wait3A_22] : memref<8192x128xf32, #tpu.memory_space<vmem_shared>> -> memref<8192x128xf32, #tpu.memory_space<vmem_shared>>
      tpu.wait_indirect_dma semaphore(%arg9 : memref<!tpu.dma_semaphore, #tpu.memory_space<semaphore_mem>>) src(%dma_wait3A_23 : memref<8192x128xf32, #tpu.memory_space<vmem_shared>>) dst(%arg7 : memref<128x128xf32, #tpu.memory_space<vmem>>)
      %add3A_24 = arith.constant 1 : i32
      %add3A_25 = arith.addi %mul3A_18, %add3A_24 : i32
      %dma_start3A_26 = arith.constant 0 : i32
      %dma_start3A_27 = tpu.memref_slice %arg6[%add3A_25, %dma_start3A_26] : memref<20x128xi32, #tpu.memory_space<vmem>> -> memref<1x128xi32, #tpu.memory_space<vmem>>
      %dma_start3A_28 = tpu.memref_squeeze %dma_start3A_27 : memref<1x128xi32, #tpu.memory_space<vmem>> -> memref<128xi32, #tpu.memory_space<vmem>>
      %dma_start3A_29 = arith.constant 0 : i32
      %dma_start3A_30 = arith.constant 0 : i32
      %dma_start3A_31 = tpu.memref_slice %arg5[%dma_start3A_29, %dma_start3A_30] : memref<8192x128xf32, #tpu.memory_space<vmem_shared>> -> memref<8192x128xf32, #tpu.memory_space<vmem_shared>>
      tpu.enqueue_indirect_dma source(%dma_start3A_31 : memref<8192x128xf32, #tpu.memory_space<vmem_shared>>) target(%arg8 : memref<128x128xf32, #tpu.memory_space<vmem>>) offsets(%dma_start3A_28 : memref<128xi32, #tpu.memory_space<vmem>>) semaphore(%arg10 : memref<!tpu.dma_semaphore, #tpu.memory_space<semaphore_mem>>)
      %mul3A_32 = arith.constant 128 : i32
      %mul3A_33 = arith.muli %mul3A_18, %mul3A_32 : i32
      %add3A_34 = arith.addi %mul3A_4, %mul3A_33 : i32
      "tpu.region"() ({
        %run_scoped3A = tpu.sem_alloc : memref<!tpu.dma_semaphore, #tpu.memory_space<semaphore_mem>>
        %dma_start3A_54 = arith.constant 0 : i32
        %dma_start3A_55 = tpu.memref_slice %arg4[%add3A_34, %dma_start3A_54] : memref<81920x128xf32, #tpu.memory_space<hbm>> -> memref<128x128xf32, #tpu.memory_space<hbm>>
        %dma_start3A_56 = arith.constant 0 : i32
        %dma_start3A_57 = tpu.memref_slice %arg4[%add3A_34, %dma_start3A_56] : memref<81920x128xf32, #tpu.memory_space<hbm>> -> memref<128x128xf32, #tpu.memory_space<hbm>>
        tpu.enqueue_dma source(%arg7 : memref<128x128xf32, #tpu.memory_space<vmem>>) target(%dma_start3A_57 : memref<128x128xf32, #tpu.memory_space<hbm>>) target_semaphore(%run_scoped3A : memref<!tpu.dma_semaphore, #tpu.memory_space<semaphore_mem>>)
        %dma_wait3A_58 = arith.constant 0 : i32
        %dma_wait3A_59 = tpu.memref_slice %arg4[%add3A_34, %dma_wait3A_58] : memref<81920x128xf32, #tpu.memory_space<hbm>> -> memref<128x128xf32, #tpu.memory_space<hbm>>
        %dma_wait3A_60 = arith.constant 0 : i32
        %dma_wait3A_61 = tpu.memref_slice %arg4[%add3A_34, %dma_wait3A_60] : memref<81920x128xf32, #tpu.memory_space<hbm>> -> memref<128x128xf32, #tpu.memory_space<hbm>>
        tpu.wait_dma2 semaphore(%run_scoped3A : memref<!tpu.dma_semaphore, #tpu.memory_space<semaphore_mem>>) src(%arg7 : memref<128x128xf32, #tpu.memory_space<vmem>>) dst(%dma_wait3A_61 : memref<128x128xf32, #tpu.memory_space<hbm>>)
        tpu.yield
      }) : () -> ()
      %add3A_35 = arith.constant 1 : i32
      %add3A_36 = arith.addi %mul3A_18, %add3A_35 : i32
      %dma_wait3A_37 = arith.constant 0 : i32
      %dma_wait3A_38 = tpu.memref_slice %arg6[%add3A_36, %dma_wait3A_37] : memref<20x128xi32, #tpu.memory_space<vmem>> -> memref<1x128xi32, #tpu.memory_space<vmem>>
      %dma_wait3A_39 = tpu.memref_squeeze %dma_wait3A_38 : memref<1x128xi32, #tpu.memory_space<vmem>> -> memref<128xi32, #tpu.memory_space<vmem>>
      %dma_wait3A_40 = arith.constant 0 : i32
      %dma_wait3A_41 = arith.constant 0 : i32
      %dma_wait3A_42 = tpu.memref_slice %arg5[%dma_wait3A_40, %dma_wait3A_41] : memref<8192x128xf32, #tpu.memory_space<vmem_shared>> -> memref<8192x128xf32, #tpu.memory_space<vmem_shared>>
      tpu.wait_indirect_dma semaphore(%arg10 : memref<!tpu.dma_semaphore, #tpu.memory_space<semaphore_mem>>) src(%dma_wait3A_42 : memref<8192x128xf32, #tpu.memory_space<vmem_shared>>) dst(%arg8 : memref<128x128xf32, #tpu.memory_space<vmem>>)
      %add3A_43 = arith.constant 2 : i32
      %add3A_44 = arith.addi %mul3A_18, %add3A_43 : i32
      %lt3A = arith.constant 20 : i32
      %lt3A_45 = arith.cmpi slt, %add3A_44, %lt3A : i32
      %convert_element_type3A_46 = arith.extui %lt3A_45 : i1 to i32
      %cond3A_47 = arith.constant 0 : i32
      %cond3A_48 = arith.cmpi ne, %convert_element_type3A_46, %cond3A_47 : i32
      scf.if %cond3A_48 {
        %add3A_54 = arith.constant 2 : i32
        %add3A_55 = arith.addi %mul3A_18, %add3A_54 : i32
        %dma_start3A_56 = arith.constant 0 : i32
        %dma_start3A_57 = tpu.memref_slice %arg6[%add3A_55, %dma_start3A_56] : memref<20x128xi32, #tpu.memory_space<vmem>> -> memref<1x128xi32, #tpu.memory_space<vmem>>
        %dma_start3A_58 = tpu.memref_squeeze %dma_start3A_57 : memref<1x128xi32, #tpu.memory_space<vmem>> -> memref<128xi32, #tpu.memory_space<vmem>>
        %dma_start3A_59 = arith.constant 0 : i32
        %dma_start3A_60 = arith.constant 0 : i32
        %dma_start3A_61 = tpu.memref_slice %arg5[%dma_start3A_59, %dma_start3A_60] : memref<8192x128xf32, #tpu.memory_space<vmem_shared>> -> memref<8192x128xf32, #tpu.memory_space<vmem_shared>>
        tpu.enqueue_indirect_dma source(%dma_start3A_61 : memref<8192x128xf32, #tpu.memory_space<vmem_shared>>) target(%arg7 : memref<128x128xf32, #tpu.memory_space<vmem>>) offsets(%dma_start3A_58 : memref<128xi32, #tpu.memory_space<vmem>>) semaphore(%arg9 : memref<!tpu.dma_semaphore, #tpu.memory_space<semaphore_mem>>)
      } else {
      }
      %add3A_49 = arith.constant 1 : i32
      %add3A_50 = arith.addi %mul3A_18, %add3A_49 : i32
      %mul3A_51 = arith.constant 128 : i32
      %mul3A_52 = arith.muli %add3A_50, %mul3A_51 : i32
      %add3A_53 = arith.addi %mul3A_4, %mul3A_52 : i32
      "tpu.region"() ({
        %run_scoped3A = tpu.sem_alloc : memref<!tpu.dma_semaphore, #tpu.memory_space<semaphore_mem>>
        %dma_start3A_54 = arith.constant 0 : i32
        %dma_start3A_55 = tpu.memref_slice %arg4[%add3A_53, %dma_start3A_54] : memref<81920x128xf32, #tpu.memory_space<hbm>> -> memref<128x128xf32, #tpu.memory_space<hbm>>
        %dma_start3A_56 = arith.constant 0 : i32
        %dma_start3A_57 = tpu.memref_slice %arg4[%add3A_53, %dma_start3A_56] : memref<81920x128xf32, #tpu.memory_space<hbm>> -> memref<128x128xf32, #tpu.memory_space<hbm>>
        tpu.enqueue_dma source(%arg8 : memref<128x128xf32, #tpu.memory_space<vmem>>) target(%dma_start3A_57 : memref<128x128xf32, #tpu.memory_space<hbm>>) target_semaphore(%run_scoped3A : memref<!tpu.dma_semaphore, #tpu.memory_space<semaphore_mem>>)
        %dma_wait3A_58 = arith.constant 0 : i32
        %dma_wait3A_59 = tpu.memref_slice %arg4[%add3A_53, %dma_wait3A_58] : memref<81920x128xf32, #tpu.memory_space<hbm>> -> memref<128x128xf32, #tpu.memory_space<hbm>>
        %dma_wait3A_60 = arith.constant 0 : i32
        %dma_wait3A_61 = tpu.memref_slice %arg4[%add3A_53, %dma_wait3A_60] : memref<81920x128xf32, #tpu.memory_space<hbm>> -> memref<128x128xf32, #tpu.memory_space<hbm>>
        tpu.wait_dma2 semaphore(%run_scoped3A : memref<!tpu.dma_semaphore, #tpu.memory_space<semaphore_mem>>) src(%arg8 : memref<128x128xf32, #tpu.memory_space<vmem>>) dst(%dma_wait3A_61 : memref<128x128xf32, #tpu.memory_space<hbm>>)
        tpu.yield
      }) : () -> ()
    }
    %scan3A_15 = arith.constant 10 : i32
    return
  }
}

#map = affine_map<(d0, d1) -> (0, 0)>
#map1 = affine_map<(d0, d1) -> (0, 0, 0)>
module attributes {stable_mosaic.version = 14 : i64} {
  func.func @gk(%arg0: i32, %arg1: i32, %arg2: memref<8192x128xf32, #tpu.memory_space<hbm>>, %arg3: memref<32x20x128xi32, #tpu.memory_space<hbm>>, %arg4: memref<81920x128xf32, #tpu.memory_space<hbm>>, %arg5: memref<8192x128xf32, #tpu.memory_space<vmem_shared>>, %arg6: memref<20x128xi32, #tpu.memory_space<vmem>>, %arg7: memref<128x128xf32, #tpu.memory_space<vmem>>, %arg8: memref<128x128xf32, #tpu.memory_space<vmem>>, %arg9: memref<!tpu.dma_semaphore, #tpu.memory_space<semaphore_mem>>, %arg10: memref<!tpu.dma_semaphore, #tpu.memory_space<semaphore_mem>>) attributes {dimension_semantics = [#tpu.dimension_semantics<core_parallel>, #tpu.dimension_semantics<subcore_parallel>], iteration_bounds = array<i64: 2, 16>, scalar_prefetch = 0 : i64, scratch_operands = 6 : i64, tpu.core_type = #tpu.core_type<sc_vector_subcore>, window_params = [{transform_indices = #map}, {transform_indices = #map1}, {transform_indices = #map}]} {
    %mul3A = arith.constant 2 : i32
    %mul3A_0 = arith.muli %arg1, %mul3A : i32
    %add3A = arith.addi %mul3A_0, %arg0 : i32
    %eq3A = arith.constant 0 : i32
    %eq3A_1 = arith.cmpi eq, %arg1, %eq3A : i32
    %convert_element_type3A = arith.extui %eq3A_1 : i1 to i32
    %cond3A = arith.constant 0 : i32
    %cond3A_2 = arith.cmpi ne, %convert_element_type3A, %cond3A : i32
    scf.if %cond3A_2 {
      "tpu.region"() ({
        %run_scoped3A = tpu.sem_alloc : memref<!tpu.dma_semaphore, #tpu.memory_space<semaphore_mem>>
        tpu.enqueue_dma source(%arg2 : memref<8192x128xf32, #tpu.memory_space<hbm>>) target(%arg5 : memref<8192x128xf32, #tpu.memory_space<vmem_shared>>) target_semaphore(%run_scoped3A : memref<!tpu.dma_semaphore, #tpu.memory_space<semaphore_mem>>)
        tpu.wait_dma2 semaphore(%run_scoped3A : memref<!tpu.dma_semaphore, #tpu.memory_space<semaphore_mem>>) src(%arg2 : memref<8192x128xf32, #tpu.memory_space<hbm>>) dst(%arg5 : memref<8192x128xf32, #tpu.memory_space<vmem_shared>>)
        tpu.yield
      }) : () -> ()
    } else {
    }
    "tpu.region"() ({
      %run_scoped3A = tpu.sem_alloc : memref<!tpu.dma_semaphore, #tpu.memory_space<semaphore_mem>>
      %dma_start3A_16 = arith.constant 0 : i32
      %dma_start3A_17 = arith.constant 0 : i32
      %dma_start3A_18 = tpu.memref_slice %arg3[%add3A, %dma_start3A_16, %dma_start3A_17] : memref<32x20x128xi32, #tpu.memory_space<hbm>> -> memref<1x20x128xi32, #tpu.memory_space<hbm>>
      %dma_start3A_19 = tpu.memref_squeeze %dma_start3A_18 : memref<1x20x128xi32, #tpu.memory_space<hbm>> -> memref<20x128xi32, #tpu.memory_space<hbm>>
      %dma_start3A_20 = arith.constant 0 : i32
      %dma_start3A_21 = arith.constant 0 : i32
      %dma_start3A_22 = tpu.memref_slice %arg3[%add3A, %dma_start3A_20, %dma_start3A_21] : memref<32x20x128xi32, #tpu.memory_space<hbm>> -> memref<1x20x128xi32, #tpu.memory_space<hbm>>
      %dma_start3A_23 = tpu.memref_squeeze %dma_start3A_22 : memref<1x20x128xi32, #tpu.memory_space<hbm>> -> memref<20x128xi32, #tpu.memory_space<hbm>>
      tpu.enqueue_dma source(%dma_start3A_23 : memref<20x128xi32, #tpu.memory_space<hbm>>) target(%arg6 : memref<20x128xi32, #tpu.memory_space<vmem>>) target_semaphore(%run_scoped3A : memref<!tpu.dma_semaphore, #tpu.memory_space<semaphore_mem>>)
      %dma_wait3A = arith.constant 0 : i32
      %dma_wait3A_24 = arith.constant 0 : i32
      %dma_wait3A_25 = tpu.memref_slice %arg3[%add3A, %dma_wait3A, %dma_wait3A_24] : memref<32x20x128xi32, #tpu.memory_space<hbm>> -> memref<1x20x128xi32, #tpu.memory_space<hbm>>
      %dma_wait3A_26 = tpu.memref_squeeze %dma_wait3A_25 : memref<1x20x128xi32, #tpu.memory_space<hbm>> -> memref<20x128xi32, #tpu.memory_space<hbm>>
      %dma_wait3A_27 = arith.constant 0 : i32
      %dma_wait3A_28 = arith.constant 0 : i32
      %dma_wait3A_29 = tpu.memref_slice %arg3[%add3A, %dma_wait3A_27, %dma_wait3A_28] : memref<32x20x128xi32, #tpu.memory_space<hbm>> -> memref<1x20x128xi32, #tpu.memory_space<hbm>>
      %dma_wait3A_30 = tpu.memref_squeeze %dma_wait3A_29 : memref<1x20x128xi32, #tpu.memory_space<hbm>> -> memref<20x128xi32, #tpu.memory_space<hbm>>
      tpu.wait_dma2 semaphore(%run_scoped3A : memref<!tpu.dma_semaphore, #tpu.memory_space<semaphore_mem>>) src(%dma_wait3A_30 : memref<20x128xi32, #tpu.memory_space<hbm>>) dst(%arg6 : memref<20x128xi32, #tpu.memory_space<vmem>>)
      tpu.yield
    }) : () -> ()
    %barrier3A = arith.constant 0 : index
    tpu.barrier barrier_id(%barrier3A)
    %mul3A_3 = arith.constant 2560 : i32
    %mul3A_4 = arith.muli %add3A, %mul3A_3 : i32
    %dma_start3A = arith.constant 0 : i32
    %dma_start3A_5 = arith.constant 0 : i32
    %dma_start3A_6 = tpu.memref_slice %arg6[%dma_start3A, %dma_start3A_5] : memref<20x128xi32, #tpu.memory_space<vmem>> -> memref<1x128xi32, #tpu.memory_space<vmem>>
    %dma_start3A_7 = tpu.memref_squeeze %dma_start3A_6 : memref<1x128xi32, #tpu.memory_space<vmem>> -> memref<128xi32, #tpu.memory_space<vmem>>
    %dma_start3A_8 = arith.constant 0 : i32
    %dma_start3A_9 = arith.constant 0 : i32
    %dma_start3A_10 = tpu.memref_slice %arg5[%dma_start3A_8, %dma_start3A_9] : memref<8192x128xf32, #tpu.memory_space<vmem_shared>> -> memref<8192x128xf32, #tpu.memory_space<vmem_shared>>
    tpu.enqueue_indirect_dma source(%dma_start3A_10 : memref<8192x128xf32, #tpu.memory_space<vmem_shared>>) target(%arg7 : memref<128x128xf32, #tpu.memory_space<vmem>>) offsets(%dma_start3A_7 : memref<128xi32, #tpu.memory_space<vmem>>) semaphore(%arg9 : memref<!tpu.dma_semaphore, #tpu.memory_space<semaphore_mem>>)
    %scan3A = arith.constant 0 : i32
    %scan3A_11 = arith.constant 0 : i32
    %scan3A_12 = arith.constant 10 : i32
    %scan3A_13 = arith.addi %scan3A_11, %scan3A_12 : i32
    %scan3A_14 = arith.constant 1 : i32
    scf.for %scan3A_16 = %scan3A_11 to %scan3A_13 step %scan3A_14  : i32 {
      %mul3A_17 = arith.constant 2 : i32
      %mul3A_18 = arith.muli %mul3A_17, %scan3A_16 : i32
      %dma_wait3A = arith.constant 0 : i32
      %dma_wait3A_19 = tpu.memref_slice %arg6[%mul3A_18, %dma_wait3A] : memref<20x128xi32, #tpu.memory_space<vmem>> -> memref<1x128xi32, #tpu.memory_space<vmem>>
      %dma_wait3A_20 = tpu.memref_squeeze %dma_wait3A_19 : memref<1x128xi32, #tpu.memory_space<vmem>> -> memref<128xi32, #tpu.memory_space<vmem>>
      %dma_wait3A_21 = arith.constant 0 : i32
      %dma_wait3A_22 = arith.constant 0 : i32
      %dma_wait3A_23 = tpu.memref_slice %arg5[%dma_wait3A_21, %dma_wait3A_22] : memref<8192x128xf32, #tpu.memory_space<vmem_shared>> -> memref<8192x128xf32, #tpu.memory_space<vmem_shared>>
      tpu.wait_indirect_dma semaphore(%arg9 : memref<!tpu.dma_semaphore, #tpu.memory_space<semaphore_mem>>) src(%dma_wait3A_23 : memref<8192x128xf32, #tpu.memory_space<vmem_shared>>) dst(%arg7 : memref<128x128xf32, #tpu.memory_space<vmem>>)
      %add3A_24 = arith.constant 1 : i32
      %add3A_25 = arith.addi %mul3A_18, %add3A_24 : i32
      %dma_start3A_26 = arith.constant 0 : i32
      %dma_start3A_27 = tpu.memref_slice %arg6[%add3A_25, %dma_start3A_26] : memref<20x128xi32, #tpu.memory_space<vmem>> -> memref<1x128xi32, #tpu.memory_space<vmem>>
      %dma_start3A_28 = tpu.memref_squeeze %dma_start3A_27 : memref<1x128xi32, #tpu.memory_space<vmem>> -> memref<128xi32, #tpu.memory_space<vmem>>
      %dma_start3A_29 = arith.constant 0 : i32
      %dma_start3A_30 = arith.constant 0 : i32
      %dma_start3A_31 = tpu.memref_slice %arg5[%dma_start3A_29, %dma_start3A_30] : memref<8192x128xf32, #tpu.memory_space<vmem_shared>> -> memref<8192x128xf32, #tpu.memory_space<vmem_shared>>
      tpu.enqueue_indirect_dma source(%dma_start3A_31 : memref<8192x128xf32, #tpu.memory_space<vmem_shared>>) target(%arg8 : memref<128x128xf32, #tpu.memory_space<vmem>>) offsets(%dma_start3A_28 : memref<128xi32, #tpu.memory_space<vmem>>) semaphore(%arg10 : memref<!tpu.dma_semaphore, #tpu.memory_space<semaphore_mem>>)
      %mul3A_32 = arith.constant 128 : i32
      %mul3A_33 = arith.muli %mul3A_18, %mul3A_32 : i32
      %add3A_34 = arith.addi %mul3A_4, %mul3A_33 : i32
      "tpu.region"() ({
        %run_scoped3A = tpu.sem_alloc : memref<!tpu.dma_semaphore, #tpu.memory_space<semaphore_mem>>
        %dma_start3A_54 = arith.constant 0 : i32
        %dma_start3A_55 = tpu.memref_slice %arg4[%add3A_34, %dma_start3A_54] : memref<81920x128xf32, #tpu.memory_space<hbm>> -> memref<128x128xf32, #tpu.memory_space<hbm>>
        %dma_start3A_56 = arith.constant 0 : i32
        %dma_start3A_57 = tpu.memref_slice %arg4[%add3A_34, %dma_start3A_56] : memref<81920x128xf32, #tpu.memory_space<hbm>> -> memref<128x128xf32, #tpu.memory_space<hbm>>
        tpu.enqueue_dma source(%arg7 : memref<128x128xf32, #tpu.memory_space<vmem>>) target(%dma_start3A_57 : memref<128x128xf32, #tpu.memory_space<hbm>>) target_semaphore(%run_scoped3A : memref<!tpu.dma_semaphore, #tpu.memory_space<semaphore_mem>>)
        %dma_wait3A_58 = arith.constant 0 : i32
        %dma_wait3A_59 = tpu.memref_slice %arg4[%add3A_34, %dma_wait3A_58] : memref<81920x128xf32, #tpu.memory_space<hbm>> -> memref<128x128xf32, #tpu.memory_space<hbm>>
        %dma_wait3A_60 = arith.constant 0 : i32
        %dma_wait3A_61 = tpu.memref_slice %arg4[%add3A_34, %dma_wait3A_60] : memref<81920x128xf32, #tpu.memory_space<hbm>> -> memref<128x128xf32, #tpu.memory_space<hbm>>
        tpu.wait_dma2 semaphore(%run_scoped3A : memref<!tpu.dma_semaphore, #tpu.memory_space<semaphore_mem>>) src(%arg7 : memref<128x128xf32, #tpu.memory_space<vmem>>) dst(%dma_wait3A_61 : memref<128x128xf32, #tpu.memory_space<hbm>>)
        tpu.yield
      }) : () -> ()
      %add3A_35 = arith.constant 1 : i32
      %add3A_36 = arith.addi %mul3A_18, %add3A_35 : i32
      %dma_wait3A_37 = arith.constant 0 : i32
      %dma_wait3A_38 = tpu.memref_slice %arg6[%add3A_36, %dma_wait3A_37] : memref<20x128xi32, #tpu.memory_space<vmem>> -> memref<1x128xi32, #tpu.memory_space<vmem>>
      %dma_wait3A_39 = tpu.memref_squeeze %dma_wait3A_38 : memref<1x128xi32, #tpu.memory_space<vmem>> -> memref<128xi32, #tpu.memory_space<vmem>>
      %dma_wait3A_40 = arith.constant 0 : i32
      %dma_wait3A_41 = arith.constant 0 : i32
      %dma_wait3A_42 = tpu.memref_slice %arg5[%dma_wait3A_40, %dma_wait3A_41] : memref<8192x128xf32, #tpu.memory_space<vmem_shared>> -> memref<8192x128xf32, #tpu.memory_space<vmem_shared>>
      tpu.wait_indirect_dma semaphore(%arg10 : memref<!tpu.dma_semaphore, #tpu.memory_space<semaphore_mem>>) src(%dma_wait3A_42 : memref<8192x128xf32, #tpu.memory_space<vmem_shared>>) dst(%arg8 : memref<128x128xf32, #tpu.memory_space<vmem>>)
      %add3A_43 = arith.constant 2 : i32
      %add3A_44 = arith.addi %mul3A_18, %add3A_43 : i32
      %lt3A = arith.constant 20 : i32
      %lt3A_45 = arith.cmpi slt, %add3A_44, %lt3A : i32
      %convert_element_type3A_46 = arith.extui %lt3A_45 : i1 to i32
      %cond3A_47 = arith.constant 0 : i32
      %cond3A_48 = arith.cmpi ne, %convert_element_type3A_46, %cond3A_47 : i32
      scf.if %cond3A_48 {
        %add3A_54 = arith.constant 2 : i32
        %add3A_55 = arith.addi %mul3A_18, %add3A_54 : i32
        %dma_start3A_56 = arith.constant 0 : i32
        %dma_start3A_57 = tpu.memref_slice %arg6[%add3A_55, %dma_start3A_56] : memref<20x128xi32, #tpu.memory_space<vmem>> -> memref<1x128xi32, #tpu.memory_space<vmem>>
        %dma_start3A_58 = tpu.memref_squeeze %dma_start3A_57 : memref<1x128xi32, #tpu.memory_space<vmem>> -> memref<128xi32, #tpu.memory_space<vmem>>
        %dma_start3A_59 = arith.constant 0 : i32
        %dma_start3A_60 = arith.constant 0 : i32
        %dma_start3A_61 = tpu.memref_slice %arg5[%dma_start3A_59, %dma_start3A_60] : memref<8192x128xf32, #tpu.memory_space<vmem_shared>> -> memref<8192x128xf32, #tpu.memory_space<vmem_shared>>
        tpu.enqueue_indirect_dma source(%dma_start3A_61 : memref<8192x128xf32, #tpu.memory_space<vmem_shared>>) target(%arg7 : memref<128x128xf32, #tpu.memory_space<vmem>>) offsets(%dma_start3A_58 : memref<128xi32, #tpu.memory_space<vmem>>) semaphore(%arg9 : memref<!tpu.dma_semaphore, #tpu.memory_space<semaphore_mem>>)
      } else {
      }
      %add3A_49 = arith.constant 1 : i32
      %add3A_50 = arith.addi %mul3A_18, %add3A_49 : i32
      %mul3A_51 = arith.constant 128 : i32
      %mul3A_52 = arith.muli %add3A_50, %mul3A_51 : i32
      %add3A_53 = arith.addi %mul3A_4, %mul3A_52 : i32
      "tpu.region"() ({
        %run_scoped3A = tpu.sem_alloc : memref<!tpu.dma_semaphore, #tpu.memory_space<semaphore_mem>>
        %dma_start3A_54 = arith.constant 0 : i32
        %dma_start3A_55 = tpu.memref_slice %arg4[%add3A_53, %dma_start3A_54] : memref<81920x128xf32, #tpu.memory_space<hbm>> -> memref<128x128xf32, #tpu.memory_space<hbm>>
        %dma_start3A_56 = arith.constant 0 : i32
        %dma_start3A_57 = tpu.memref_slice %arg4[%add3A_53, %dma_start3A_56] : memref<81920x128xf32, #tpu.memory_space<hbm>> -> memref<128x128xf32, #tpu.memory_space<hbm>>
        tpu.enqueue_dma source(%arg8 : memref<128x128xf32, #tpu.memory_space<vmem>>) target(%dma_start3A_57 : memref<128x128xf32, #tpu.memory_space<hbm>>) target_semaphore(%run_scoped3A : memref<!tpu.dma_semaphore, #tpu.memory_space<semaphore_mem>>)
        %dma_wait3A_58 = arith.constant 0 : i32
        %dma_wait3A_59 = tpu.memref_slice %arg4[%add3A_53, %dma_wait3A_58] : memref<81920x128xf32, #tpu.memory_space<hbm>> -> memref<128x128xf32, #tpu.memory_space<hbm>>
        %dma_wait3A_60 = arith.constant 0 : i32
        %dma_wait3A_61 = tpu.memref_slice %arg4[%add3A_53, %dma_wait3A_60] : memref<81920x128xf32, #tpu.memory_space<hbm>> -> memref<128x128xf32, #tpu.memory_space<hbm>>
        tpu.wait_dma2 semaphore(%run_scoped3A : memref<!tpu.dma_semaphore, #tpu.memory_space<semaphore_mem>>) src(%arg8 : memref<128x128xf32, #tpu.memory_space<vmem>>) dst(%dma_wait3A_61 : memref<128x128xf32, #tpu.memory_space<hbm>>)
        tpu.yield
      }) : () -> ()
    }
    %scan3A_15 = arith.constant 10 : i32
    return
  }
}

module attributes {stable_mosaic.version = 14 : i64} {
  func.func @_pre_body(%arg0: i32, %arg1: memref<512x128xf32, #tpu.memory_space<vmem>>, %arg2: memref<1x128xf32, #tpu.memory_space<vmem>>, %arg3: memref<1x128xf32, #tpu.memory_space<vmem>>, %arg4: memref<1x128xf32, #tpu.memory_space<vmem>>, %arg5: memref<1x128xf32, #tpu.memory_space<vmem>>, %arg6: memref<128x64xf32, #tpu.memory_space<vmem>>, %arg7: memref<1x64xf32, #tpu.memory_space<vmem>>, %arg8: memref<512x128xf32, #tpu.memory_space<vmem>>) attributes {dimension_semantics = [#tpu.dimension_semantics<arbitrary>], iteration_bounds = array<i64: 16>, scalar_prefetch = 0 : i64, scratch_operands = 0 : i64, tpu.core_type = #tpu.core_type<tc>, window_params = [{transform_indices = @transform_0, window_bounds = array<i64: 512, 128>}, {pipeline_mode = #tpu.pipeline_mode<synchronous>, transform_indices = @transform_1, window_bounds = array<i64: 1, 128>}, {pipeline_mode = #tpu.pipeline_mode<synchronous>, transform_indices = @transform_2, window_bounds = array<i64: 1, 128>}, {pipeline_mode = #tpu.pipeline_mode<synchronous>, transform_indices = @transform_3, window_bounds = array<i64: 1, 128>}, {pipeline_mode = #tpu.pipeline_mode<synchronous>, transform_indices = @transform_4, window_bounds = array<i64: 1, 128>}, {pipeline_mode = #tpu.pipeline_mode<synchronous>, transform_indices = @transform_5, window_bounds = array<i64: 128, 64>}, {pipeline_mode = #tpu.pipeline_mode<synchronous>, transform_indices = @transform_6, window_bounds = array<i64: 1, 64>}, {transform_indices = @transform_7, window_bounds = array<i64: 512, 128>}]} {
    %get3A = arith.constant 0 : index
    %get3A_0 = arith.constant 0 : index
    %get3A_1 = vector.load %arg1[%get3A, %get3A_0] : memref<512x128xf32, #tpu.memory_space<vmem>>, vector<512x128xf32>
    %get3A_2 = arith.constant 0 : index
    %get3A_3 = arith.constant 0 : index
    %get3A_4 = vector.load %arg2[%get3A_2, %get3A_3] : memref<1x128xf32, #tpu.memory_space<vmem>>, vector<1x128xf32>
    %sub3A = vector.broadcast %get3A_4 : vector<1x128xf32> to vector<512x128xf32>
    %sub3A_5 = arith.subf %get3A_1, %sub3A : vector<512x128xf32>
    %get3A_6 = arith.constant 0 : index
    %get3A_7 = arith.constant 0 : index
    %get3A_8 = vector.load %arg3[%get3A_6, %get3A_7] : memref<1x128xf32, #tpu.memory_space<vmem>>, vector<1x128xf32>
    %div3A = vector.broadcast %get3A_8 : vector<1x128xf32> to vector<512x128xf32>
    %div3A_9 = arith.divf %sub3A_5, %div3A : vector<512x128xf32>
    %get3A_10 = arith.constant 0 : index
    %get3A_11 = arith.constant 0 : index
    %get3A_12 = vector.load %arg4[%get3A_10, %get3A_11] : memref<1x128xf32, #tpu.memory_space<vmem>>, vector<1x128xf32>
    %mul3A = vector.broadcast %get3A_12 : vector<1x128xf32> to vector<512x128xf32>
    %mul3A_13 = arith.mulf %div3A_9, %mul3A : vector<512x128xf32>
    %get3A_14 = arith.constant 0 : index
    %get3A_15 = arith.constant 0 : index
    %get3A_16 = vector.load %arg5[%get3A_14, %get3A_15] : memref<1x128xf32, #tpu.memory_space<vmem>>, vector<1x128xf32>
    %add3A = vector.broadcast %get3A_16 : vector<1x128xf32> to vector<512x128xf32>
    %add3A_17 = arith.addf %mul3A_13, %add3A : vector<512x128xf32>
    %get3A_18 = arith.constant 0 : index
    %get3A_19 = arith.constant 0 : index
    %get3A_20 = vector.load %arg6[%get3A_18, %get3A_19] : memref<128x64xf32, #tpu.memory_space<vmem>>, vector<128x64xf32>
    %dot_general3A = arith.constant dense<0.000000e+00> : vector<512x64xf32>
    %dot_general3A_21 = tpu.matmul %add3A_17, %get3A_20, %dot_general3A {dimension_numbers = #tpu.dot_dimension_numbers<[1], [0], [0], [1], [0, 0, 1, 1], [], []>, transpose_lhs_hint = false} : vector<512x128xf32>, vector<128x64xf32>, vector<512x64xf32> -> vector<512x64xf32>
    %get3A_22 = arith.constant 0 : index
    %get3A_23 = arith.constant 0 : index
    %get3A_24 = vector.load %arg7[%get3A_22, %get3A_23] : memref<1x64xf32, #tpu.memory_space<vmem>>, vector<1x64xf32>
    %add3A_25 = vector.broadcast %get3A_24 : vector<1x64xf32> to vector<512x64xf32>
    %add3A_26 = arith.addf %dot_general3A_21, %add3A_25 : vector<512x64xf32>
    %max3A = arith.constant 0.000000e+00 : f32
    %max3A_27 = vector.broadcast %max3A : f32 to vector<512x64xf32>
    %max3A_28 = arith.maximumf %add3A_26, %max3A_27 : vector<512x64xf32>
    %broadcast_in_dim3A = arith.constant 0.000000e+00 : f32
    %broadcast_in_dim3A_29 = vector.broadcast %broadcast_in_dim3A : f32 to vector<512x64xf32>
    %concatenate3A = tpu.concatenate %max3A_28, %broadcast_in_dim3A_29 in 1 : vector<512x64xf32>, vector<512x64xf32> -> vector<512x128xf32>
    %swap3A = arith.constant 0 : index
    %swap3A_30 = arith.constant 0 : index
    %swap3A_31 = vector.load %arg8[%swap3A, %swap3A_30] : memref<512x128xf32, #tpu.memory_space<vmem>>, vector<512x128xf32>
    tpu.vector_store %arg8[%swap3A, %swap3A_30], %concatenate3A {strides = array<i32>} : memref<512x128xf32, #tpu.memory_space<vmem>>, vector<512x128xf32>,
    return
  }
  func.func @transform_0(%arg0: i32) -> (i32, i32) {
    %c0_i32 = arith.constant 0 : i32
    %c0_i32_0 = arith.constant 0 : i32
    return %arg0, %c0_i32 : i32, i32
  }
  func.func @transform_1(%arg0: i32) -> (i32, i32) {
    %c0_i32 = arith.constant 0 : i32
    %c0_i32_0 = arith.constant 0 : i32
    %c0_i32_1 = arith.constant 0 : i32
    return %c0_i32, %c0_i32_0 : i32, i32
  }
  func.func @transform_2(%arg0: i32) -> (i32, i32) {
    %c0_i32 = arith.constant 0 : i32
    %c0_i32_0 = arith.constant 0 : i32
    %c0_i32_1 = arith.constant 0 : i32
    return %c0_i32, %c0_i32_0 : i32, i32
  }
  func.func @transform_3(%arg0: i32) -> (i32, i32) {
    %c0_i32 = arith.constant 0 : i32
    %c0_i32_0 = arith.constant 0 : i32
    %c0_i32_1 = arith.constant 0 : i32
    return %c0_i32, %c0_i32_0 : i32, i32
  }
  func.func @transform_4(%arg0: i32) -> (i32, i32) {
    %c0_i32 = arith.constant 0 : i32
    %c0_i32_0 = arith.constant 0 : i32
    %c0_i32_1 = arith.constant 0 : i32
    return %c0_i32, %c0_i32_0 : i32, i32
  }
  func.func @transform_5(%arg0: i32) -> (i32, i32) {
    %c0_i32 = arith.constant 0 : i32
    %c0_i32_0 = arith.constant 0 : i32
    %c0_i32_1 = arith.constant 0 : i32
    return %c0_i32, %c0_i32_0 : i32, i32
  }
  func.func @transform_6(%arg0: i32) -> (i32, i32) {
    %c0_i32 = arith.constant 0 : i32
    %c0_i32_0 = arith.constant 0 : i32
    %c0_i32_1 = arith.constant 0 : i32
    return %c0_i32, %c0_i32_0 : i32, i32
  }
  func.func @transform_7(%arg0: i32) -> (i32, i32) {
    %c0_i32 = arith.constant 0 : i32
    %c0_i32_0 = arith.constant 0 : i32
    return %arg0, %c0_i32 : i32, i32
  }
}

module attributes {stable_mosaic.version = 14 : i64} {
  func.func @_knn_body(%arg0: i32, %arg1: i32, %arg2: memref<1x256x128xf32, #tpu.memory_space<vmem>>, %arg3: memref<1x4096x128xf32, #tpu.memory_space<vmem>>, %arg4: memref<1x1x256xf32, #tpu.memory_space<vmem>>, %arg5: memref<1x1x4096xf32, #tpu.memory_space<vmem>>, %arg6: memref<1x16x256xi32, #tpu.memory_space<vmem>>) attributes {dimension_semantics = [#tpu.dimension_semantics<arbitrary>, #tpu.dimension_semantics<arbitrary>], iteration_bounds = array<i64: 2, 16>, scalar_prefetch = 0 : i64, scratch_operands = 0 : i64, tpu.core_type = #tpu.core_type<tc>, window_params = [{transform_indices = @transform_0, window_bounds = array<i64: 1, 256, 128>}, {transform_indices = @transform_1, window_bounds = array<i64: 1, 4096, 128>}, {transform_indices = @transform_2, window_bounds = array<i64: 1, 1, 256>}, {transform_indices = @transform_3, window_bounds = array<i64: 1, 1, 4096>}, {transform_indices = @transform_4, window_bounds = array<i64: 1, 16, 256>}]} {
    %get3A = arith.constant 0 : index
    %get3A_0 = arith.constant 0 : index
    %get3A_1 = arith.constant 0 : index
    %get3A_2 = vector.load %arg2[%get3A, %get3A_0, %get3A_1] : memref<1x256x128xf32, #tpu.memory_space<vmem>>, vector<1x256x128xf32>
    %get3A_3 = vector.shape_cast %get3A_2 : vector<1x256x128xf32> to vector<256x128xf32>
    %slice3A = vector.extract_strided_slice %get3A_3 {offsets = [0, 0], sizes = [256, 64], strides = [1, 1]} : vector<256x128xf32> to vector<256x64xf32>
    %get3A_4 = arith.constant 0 : index
    %get3A_5 = arith.constant 0 : index
    %get3A_6 = arith.constant 0 : index
    %get3A_7 = vector.load %arg3[%get3A_4, %get3A_5, %get3A_6] : memref<1x4096x128xf32, #tpu.memory_space<vmem>>, vector<1x4096x128xf32>
    %get3A_8 = vector.shape_cast %get3A_7 : vector<1x4096x128xf32> to vector<4096x128xf32>
    %slice3A_9 = vector.extract_strided_slice %get3A_8 {offsets = [0, 0], sizes = [4096, 64], strides = [1, 1]} : vector<4096x128xf32> to vector<4096x64xf32>
    %get3A_10 = arith.constant 0 : index
    %get3A_11 = arith.constant 0 : index
    %get3A_12 = arith.constant 0 : index
    %get3A_13 = vector.load %arg4[%get3A_10, %get3A_11, %get3A_12] : memref<1x1x256xf32, #tpu.memory_space<vmem>>, vector<1x1x256xf32>
    %get3A_14 = vector.shape_cast %get3A_13 : vector<1x1x256xf32> to vector<256xf32>
    %get3A_15 = arith.constant 0 : index
    %get3A_16 = arith.constant 0 : index
    %get3A_17 = arith.constant 0 : index
    %get3A_18 = vector.load %arg5[%get3A_15, %get3A_16, %get3A_17] : memref<1x1x4096xf32, #tpu.memory_space<vmem>>, vector<1x1x4096xf32>
    %get3A_19 = vector.shape_cast %get3A_18 : vector<1x1x4096xf32> to vector<4096xf32>
    %dot_general3A = arith.constant dense<0.000000e+00> : vector<256x4096xf32>
    %dot_general3A_20 = tpu.matmul %slice3A, %slice3A_9, %dot_general3A {dimension_numbers = #tpu.dot_dimension_numbers<[1], [1], [0], [0], [0, 0, 1, 0], [], []>, transpose_lhs_hint = false} : vector<256x64xf32>, vector<4096x64xf32>, vector<256x4096xf32> -> vector<256x4096xf32>
    %broadcast_in_dim3A = vector.shape_cast %get3A_14 : vector<256xf32> to vector<256x1xf32>
    %mul3A = arith.constant 2.000000e+00 : f32
    %mul3A_21 = vector.broadcast %mul3A : f32 to vector<256x4096xf32>
    %mul3A_22 = arith.mulf %mul3A_21, %dot_general3A_20 : vector<256x4096xf32>
    %sub3A = vector.broadcast %broadcast_in_dim3A : vector<256x1xf32> to vector<256x4096xf32>
    %sub3A_23 = arith.subf %sub3A, %mul3A_22 : vector<256x4096xf32>
    %broadcast_in_dim3A_24 = vector.shape_cast %get3A_19 : vector<4096xf32> to vector<1x4096xf32>
    %add3A = vector.broadcast %broadcast_in_dim3A_24 : vector<1x4096xf32> to vector<256x4096xf32>
    %add3A_25 = arith.addf %sub3A_23, %add3A : vector<256x4096xf32>
    %iota3A = tpu.iota {dimensions = array<i32: 1>} : vector<256x4096xi32>
    %mul3A_26 = arith.constant 4096 : i32
    %mul3A_27 = arith.muli %arg0, %mul3A_26 : i32
    %argmin3A = tpu.reduce_index %add3A_25 {axis = 1 : i32, kind = #tpu.reduction_kind<arg_min>} : vector<256x4096xf32> -> vector<256xi32>
    %add3A_28 = vector.broadcast %mul3A_27 : i32 to vector<256xi32>
    %add3A_29 = arith.addi %argmin3A, %add3A_28 : vector<256xi32>
    %swap3A = arith.constant 0 : index
    %swap3A_30 = arith.constant 0 : index
    %swap3A_31 = arith.constant 0 : index
    %swap3A_32 = vector.load %arg6[%swap3A, %swap3A_30, %swap3A_31] : memref<1x16x256xi32, #tpu.memory_space<vmem>>, vector<1x1x256xi32>
    %swap3A_33 = vector.shape_cast %swap3A_32 : vector<1x1x256xi32> to vector<256xi32>
    %swap3A_34 = vector.shape_cast %add3A_29 : vector<256xi32> to vector<1x1x256xi32>
    tpu.vector_store %arg6[%swap3A, %swap3A_30, %swap3A_31], %swap3A_34 {strides = array<i32>} : memref<1x16x256xi32, #tpu.memory_space<vmem>>, vector<1x1x256xi32>,
    %broadcast_in_dim3A_35 = vector.shape_cast %argmin3A : vector<256xi32> to vector<256x1xi32>
    %eq3A = vector.broadcast %broadcast_in_dim3A_35 : vector<256x1xi32> to vector<256x4096xi32>
    %eq3A_36 = arith.cmpi eq, %iota3A, %eq3A : vector<256x4096xi32>
    %jit3A = arith.constant 0x7F800000 : f32
    %broadcast_in_dim3A_37 = vector.broadcast %jit3A : f32 to vector<256x4096xf32>
    %select_n3A = arith.select %eq3A_36, %broadcast_in_dim3A_37, %add3A_25 : vector<256x4096xi1>, vector<256x4096xf32>
    %argmin3A_38 = tpu.reduce_index %select_n3A {axis = 1 : i32, kind = #tpu.reduction_kind<arg_min>} : vector<256x4096xf32> -> vector<256xi32>
    %add3A_39 = vector.broadcast %mul3A_27 : i32 to vector<256xi32>
    %add3A_40 = arith.addi %argmin3A_38, %add3A_39 : vector<256xi32>
    %swap3A_41 = arith.constant 0 : index
    %swap3A_42 = arith.constant 1 : index
    %swap3A_43 = arith.constant 0 : index
    %swap3A_44 = vector.load %arg6[%swap3A_41, %swap3A_42, %swap3A_43] : memref<1x16x256xi32, #tpu.memory_space<vmem>>, vector<1x1x256xi32>
    %swap3A_45 = vector.shape_cast %swap3A_44 : vector<1x1x256xi32> to vector<256xi32>
    %swap3A_46 = vector.shape_cast %add3A_40 : vector<256xi32> to vector<1x1x256xi32>
    tpu.vector_store %arg6[%swap3A_41, %swap3A_42, %swap3A_43], %swap3A_46 {strides = array<i32>} : memref<1x16x256xi32, #tpu.memory_space<vmem>>, vector<1x1x256xi32>,
    %broadcast_in_dim3A_47 = vector.shape_cast %argmin3A_38 : vector<256xi32> to vector<256x1xi32>
    %eq3A_48 = vector.broadcast %broadcast_in_dim3A_47 : vector<256x1xi32> to vector<256x4096xi32>
    %eq3A_49 = arith.cmpi eq, %iota3A, %eq3A_48 : vector<256x4096xi32>
    %jit3A_50 = arith.constant 0x7F800000 : f32
    %broadcast_in_dim3A_51 = vector.broadcast %jit3A_50 : f32 to vector<256x4096xf32>
    %select_n3A_52 = arith.select %eq3A_49, %broadcast_in_dim3A_51, %select_n3A : vector<256x4096xi1>, vector<256x4096xf32>
    %argmin3A_53 = tpu.reduce_index %select_n3A_52 {axis = 1 : i32, kind = #tpu.reduction_kind<arg_min>} : vector<256x4096xf32> -> vector<256xi32>
    %add3A_54 = vector.broadcast %mul3A_27 : i32 to vector<256xi32>
    %add3A_55 = arith.addi %argmin3A_53, %add3A_54 : vector<256xi32>
    %swap3A_56 = arith.constant 0 : index
    %swap3A_57 = arith.constant 2 : index
    %swap3A_58 = arith.constant 0 : index
    %swap3A_59 = vector.load %arg6[%swap3A_56, %swap3A_57, %swap3A_58] : memref<1x16x256xi32, #tpu.memory_space<vmem>>, vector<1x1x256xi32>
    %swap3A_60 = vector.shape_cast %swap3A_59 : vector<1x1x256xi32> to vector<256xi32>
    %swap3A_61 = vector.shape_cast %add3A_55 : vector<256xi32> to vector<1x1x256xi32>
    tpu.vector_store %arg6[%swap3A_56, %swap3A_57, %swap3A_58], %swap3A_61 {strides = array<i32>} : memref<1x16x256xi32, #tpu.memory_space<vmem>>, vector<1x1x256xi32>,
    %broadcast_in_dim3A_62 = vector.shape_cast %argmin3A_53 : vector<256xi32> to vector<256x1xi32>
    %eq3A_63 = vector.broadcast %broadcast_in_dim3A_62 : vector<256x1xi32> to vector<256x4096xi32>
    %eq3A_64 = arith.cmpi eq, %iota3A, %eq3A_63 : vector<256x4096xi32>
    %jit3A_65 = arith.constant 0x7F800000 : f32
    %broadcast_in_dim3A_66 = vector.broadcast %jit3A_65 : f32 to vector<256x4096xf32>
    %select_n3A_67 = arith.select %eq3A_64, %broadcast_in_dim3A_66, %select_n3A_52 : vector<256x4096xi1>, vector<256x4096xf32>
    %argmin3A_68 = tpu.reduce_index %select_n3A_67 {axis = 1 : i32, kind = #tpu.reduction_kind<arg_min>} : vector<256x4096xf32> -> vector<256xi32>
    %add3A_69 = vector.broadcast %mul3A_27 : i32 to vector<256xi32>
    %add3A_70 = arith.addi %argmin3A_68, %add3A_69 : vector<256xi32>
    %swap3A_71 = arith.constant 0 : index
    %swap3A_72 = arith.constant 3 : index
    %swap3A_73 = arith.constant 0 : index
    %swap3A_74 = vector.load %arg6[%swap3A_71, %swap3A_72, %swap3A_73] : memref<1x16x256xi32, #tpu.memory_space<vmem>>, vector<1x1x256xi32>
    %swap3A_75 = vector.shape_cast %swap3A_74 : vector<1x1x256xi32> to vector<256xi32>
    %swap3A_76 = vector.shape_cast %add3A_70 : vector<256xi32> to vector<1x1x256xi32>
    tpu.vector_store %arg6[%swap3A_71, %swap3A_72, %swap3A_73], %swap3A_76 {strides = array<i32>} : memref<1x16x256xi32, #tpu.memory_space<vmem>>, vector<1x1x256xi32>,
    %broadcast_in_dim3A_77 = vector.shape_cast %argmin3A_68 : vector<256xi32> to vector<256x1xi32>
    %eq3A_78 = vector.broadcast %broadcast_in_dim3A_77 : vector<256x1xi32> to vector<256x4096xi32>
    %eq3A_79 = arith.cmpi eq, %iota3A, %eq3A_78 : vector<256x4096xi32>
    %jit3A_80 = arith.constant 0x7F800000 : f32
    %broadcast_in_dim3A_81 = vector.broadcast %jit3A_80 : f32 to vector<256x4096xf32>
    %select_n3A_82 = arith.select %eq3A_79, %broadcast_in_dim3A_81, %select_n3A_67 : vector<256x4096xi1>, vector<256x4096xf32>
    %argmin3A_83 = tpu.reduce_index %select_n3A_82 {axis = 1 : i32, kind = #tpu.reduction_kind<arg_min>} : vector<256x4096xf32> -> vector<256xi32>
    %add3A_84 = vector.broadcast %mul3A_27 : i32 to vector<256xi32>
    %add3A_85 = arith.addi %argmin3A_83, %add3A_84 : vector<256xi32>
    %swap3A_86 = arith.constant 0 : index
    %swap3A_87 = arith.constant 4 : index
    %swap3A_88 = arith.constant 0 : index
    %swap3A_89 = vector.load %arg6[%swap3A_86, %swap3A_87, %swap3A_88] : memref<1x16x256xi32, #tpu.memory_space<vmem>>, vector<1x1x256xi32>
    %swap3A_90 = vector.shape_cast %swap3A_89 : vector<1x1x256xi32> to vector<256xi32>
    %swap3A_91 = vector.shape_cast %add3A_85 : vector<256xi32> to vector<1x1x256xi32>
    tpu.vector_store %arg6[%swap3A_86, %swap3A_87, %swap3A_88], %swap3A_91 {strides = array<i32>} : memref<1x16x256xi32, #tpu.memory_space<vmem>>, vector<1x1x256xi32>,
    %broadcast_in_dim3A_92 = vector.shape_cast %argmin3A_83 : vector<256xi32> to vector<256x1xi32>
    %eq3A_93 = vector.broadcast %broadcast_in_dim3A_92 : vector<256x1xi32> to vector<256x4096xi32>
    %eq3A_94 = arith.cmpi eq, %iota3A, %eq3A_93 : vector<256x4096xi32>
    %jit3A_95 = arith.constant 0x7F800000 : f32
    %broadcast_in_dim3A_96 = vector.broadcast %jit3A_95 : f32 to vector<256x4096xf32>
    %select_n3A_97 = arith.select %eq3A_94, %broadcast_in_dim3A_96, %select_n3A_82 : vector<256x4096xi1>, vector<256x4096xf32>
    %argmin3A_98 = tpu.reduce_index %select_n3A_97 {axis = 1 : i32, kind = #tpu.reduction_kind<arg_min>} : vector<256x4096xf32> -> vector<256xi32>
    %add3A_99 = vector.broadcast %mul3A_27 : i32 to vector<256xi32>
    %add3A_100 = arith.addi %argmin3A_98, %add3A_99 : vector<256xi32>
    %swap3A_101 = arith.constant 0 : index
    %swap3A_102 = arith.constant 5 : index
    %swap3A_103 = arith.constant 0 : index
    %swap3A_104 = vector.load %arg6[%swap3A_101, %swap3A_102, %swap3A_103] : memref<1x16x256xi32, #tpu.memory_space<vmem>>, vector<1x1x256xi32>
    %swap3A_105 = vector.shape_cast %swap3A_104 : vector<1x1x256xi32> to vector<256xi32>
    %swap3A_106 = vector.shape_cast %add3A_100 : vector<256xi32> to vector<1x1x256xi32>
    tpu.vector_store %arg6[%swap3A_101, %swap3A_102, %swap3A_103], %swap3A_106 {strides = array<i32>} : memref<1x16x256xi32, #tpu.memory_space<vmem>>, vector<1x1x256xi32>,
    %broadcast_in_dim3A_107 = vector.shape_cast %argmin3A_98 : vector<256xi32> to vector<256x1xi32>
    %eq3A_108 = vector.broadcast %broadcast_in_dim3A_107 : vector<256x1xi32> to vector<256x4096xi32>
    %eq3A_109 = arith.cmpi eq, %iota3A, %eq3A_108 : vector<256x4096xi32>
    %jit3A_110 = arith.constant 0x7F800000 : f32
    %broadcast_in_dim3A_111 = vector.broadcast %jit3A_110 : f32 to vector<256x4096xf32>
    %select_n3A_112 = arith.select %eq3A_109, %broadcast_in_dim3A_111, %select_n3A_97 : vector<256x4096xi1>, vector<256x4096xf32>
    %argmin3A_113 = tpu.reduce_index %select_n3A_112 {axis = 1 : i32, kind = #tpu.reduction_kind<arg_min>} : vector<256x4096xf32> -> vector<256xi32>
    %add3A_114 = vector.broadcast %mul3A_27 : i32 to vector<256xi32>
    %add3A_115 = arith.addi %argmin3A_113, %add3A_114 : vector<256xi32>
    %swap3A_116 = arith.constant 0 : index
    %swap3A_117 = arith.constant 6 : index
    %swap3A_118 = arith.constant 0 : index
    %swap3A_119 = vector.load %arg6[%swap3A_116, %swap3A_117, %swap3A_118] : memref<1x16x256xi32, #tpu.memory_space<vmem>>, vector<1x1x256xi32>
    %swap3A_120 = vector.shape_cast %swap3A_119 : vector<1x1x256xi32> to vector<256xi32>
    %swap3A_121 = vector.shape_cast %add3A_115 : vector<256xi32> to vector<1x1x256xi32>
    tpu.vector_store %arg6[%swap3A_116, %swap3A_117, %swap3A_118], %swap3A_121 {strides = array<i32>} : memref<1x16x256xi32, #tpu.memory_space<vmem>>, vector<1x1x256xi32>,
    %broadcast_in_dim3A_122 = vector.shape_cast %argmin3A_113 : vector<256xi32> to vector<256x1xi32>
    %eq3A_123 = vector.broadcast %broadcast_in_dim3A_122 : vector<256x1xi32> to vector<256x4096xi32>
    %eq3A_124 = arith.cmpi eq, %iota3A, %eq3A_123 : vector<256x4096xi32>
    %jit3A_125 = arith.constant 0x7F800000 : f32
    %broadcast_in_dim3A_126 = vector.broadcast %jit3A_125 : f32 to vector<256x4096xf32>
    %select_n3A_127 = arith.select %eq3A_124, %broadcast_in_dim3A_126, %select_n3A_112 : vector<256x4096xi1>, vector<256x4096xf32>
    %argmin3A_128 = tpu.reduce_index %select_n3A_127 {axis = 1 : i32, kind = #tpu.reduction_kind<arg_min>} : vector<256x4096xf32> -> vector<256xi32>
    %add3A_129 = vector.broadcast %mul3A_27 : i32 to vector<256xi32>
    %add3A_130 = arith.addi %argmin3A_128, %add3A_129 : vector<256xi32>
    %swap3A_131 = arith.constant 0 : index
    %swap3A_132 = arith.constant 7 : index
    %swap3A_133 = arith.constant 0 : index
    %swap3A_134 = vector.load %arg6[%swap3A_131, %swap3A_132, %swap3A_133] : memref<1x16x256xi32, #tpu.memory_space<vmem>>, vector<1x1x256xi32>
    %swap3A_135 = vector.shape_cast %swap3A_134 : vector<1x1x256xi32> to vector<256xi32>
    %swap3A_136 = vector.shape_cast %add3A_130 : vector<256xi32> to vector<1x1x256xi32>
    tpu.vector_store %arg6[%swap3A_131, %swap3A_132, %swap3A_133], %swap3A_136 {strides = array<i32>} : memref<1x16x256xi32, #tpu.memory_space<vmem>>, vector<1x1x256xi32>,
    %broadcast_in_dim3A_137 = vector.shape_cast %argmin3A_128 : vector<256xi32> to vector<256x1xi32>
    %eq3A_138 = vector.broadcast %broadcast_in_dim3A_137 : vector<256x1xi32> to vector<256x4096xi32>
    %eq3A_139 = arith.cmpi eq, %iota3A, %eq3A_138 : vector<256x4096xi32>
    %jit3A_140 = arith.constant 0x7F800000 : f32
    %broadcast_in_dim3A_141 = vector.broadcast %jit3A_140 : f32 to vector<256x4096xf32>
    %select_n3A_142 = arith.select %eq3A_139, %broadcast_in_dim3A_141, %select_n3A_127 : vector<256x4096xi1>, vector<256x4096xf32>
    %argmin3A_143 = tpu.reduce_index %select_n3A_142 {axis = 1 : i32, kind = #tpu.reduction_kind<arg_min>} : vector<256x4096xf32> -> vector<256xi32>
    %add3A_144 = vector.broadcast %mul3A_27 : i32 to vector<256xi32>
    %add3A_145 = arith.addi %argmin3A_143, %add3A_144 : vector<256xi32>
    %swap3A_146 = arith.constant 0 : index
    %swap3A_147 = arith.constant 8 : index
    %swap3A_148 = arith.constant 0 : index
    %swap3A_149 = vector.load %arg6[%swap3A_146, %swap3A_147, %swap3A_148] : memref<1x16x256xi32, #tpu.memory_space<vmem>>, vector<1x1x256xi32>
    %swap3A_150 = vector.shape_cast %swap3A_149 : vector<1x1x256xi32> to vector<256xi32>
    %swap3A_151 = vector.shape_cast %add3A_145 : vector<256xi32> to vector<1x1x256xi32>
    tpu.vector_store %arg6[%swap3A_146, %swap3A_147, %swap3A_148], %swap3A_151 {strides = array<i32>} : memref<1x16x256xi32, #tpu.memory_space<vmem>>, vector<1x1x256xi32>,
    %broadcast_in_dim3A_152 = vector.shape_cast %argmin3A_143 : vector<256xi32> to vector<256x1xi32>
    %eq3A_153 = vector.broadcast %broadcast_in_dim3A_152 : vector<256x1xi32> to vector<256x4096xi32>
    %eq3A_154 = arith.cmpi eq, %iota3A, %eq3A_153 : vector<256x4096xi32>
    %jit3A_155 = arith.constant 0x7F800000 : f32
    %broadcast_in_dim3A_156 = vector.broadcast %jit3A_155 : f32 to vector<256x4096xf32>
    %select_n3A_157 = arith.select %eq3A_154, %broadcast_in_dim3A_156, %select_n3A_142 : vector<256x4096xi1>, vector<256x4096xf32>
    %argmin3A_158 = tpu.reduce_index %select_n3A_157 {axis = 1 : i32, kind = #tpu.reduction_kind<arg_min>} : vector<256x4096xf32> -> vector<256xi32>
    %add3A_159 = vector.broadcast %mul3A_27 : i32 to vector<256xi32>
    %add3A_160 = arith.addi %argmin3A_158, %add3A_159 : vector<256xi32>
    %swap3A_161 = arith.constant 0 : index
    %swap3A_162 = arith.constant 9 : index
    %swap3A_163 = arith.constant 0 : index
    %swap3A_164 = vector.load %arg6[%swap3A_161, %swap3A_162, %swap3A_163] : memref<1x16x256xi32, #tpu.memory_space<vmem>>, vector<1x1x256xi32>
    %swap3A_165 = vector.shape_cast %swap3A_164 : vector<1x1x256xi32> to vector<256xi32>
    %swap3A_166 = vector.shape_cast %add3A_160 : vector<256xi32> to vector<1x1x256xi32>
    tpu.vector_store %arg6[%swap3A_161, %swap3A_162, %swap3A_163], %swap3A_166 {strides = array<i32>} : memref<1x16x256xi32, #tpu.memory_space<vmem>>, vector<1x1x256xi32>,
    return
  }
  func.func @transform_0(%arg0: i32, %arg1: i32) -> (i32, i32, i32) {
    %c0_i32 = arith.constant 0 : i32
    %c0_i32_0 = arith.constant 0 : i32
    return %arg0, %arg1, %c0_i32 : i32, i32, i32
  }
  func.func @transform_1(%arg0: i32, %arg1: i32) -> (i32, i32, i32) {
    %c0_i32 = arith.constant 0 : i32
    %c0_i32_0 = arith.constant 0 : i32
    %c0_i32_1 = arith.constant 0 : i32
    return %arg0, %c0_i32, %c0_i32_0 : i32, i32, i32
  }
  func.func @transform_2(%arg0: i32, %arg1: i32) -> (i32, i32, i32) {
    %c0_i32 = arith.constant 0 : i32
    %c0_i32_0 = arith.constant 0 : i32
    return %arg0, %c0_i32, %arg1 : i32, i32, i32
  }
  func.func @transform_3(%arg0: i32, %arg1: i32) -> (i32, i32, i32) {
    %c0_i32 = arith.constant 0 : i32
    %c0_i32_0 = arith.constant 0 : i32
    %c0_i32_1 = arith.constant 0 : i32
    return %arg0, %c0_i32, %c0_i32_0 : i32, i32, i32
  }
  func.func @transform_4(%arg0: i32, %arg1: i32) -> (i32, i32, i32) {
    %c0_i32 = arith.constant 0 : i32
    %c0_i32_0 = arith.constant 0 : i32
    return %arg0, %c0_i32, %arg1 : i32, i32, i32
  }
}

module attributes {stable_mosaic.version = 14 : i64} {
  func.func @_edge_body(%arg0: i32, %arg1: i32, %arg2: memref<1x512x128xf32, #tpu.memory_space<vmem>>, %arg3: memref<1x10x512x128xf32, #tpu.memory_space<vmem>>, %arg4: memref<128x128xf32, #tpu.memory_space<vmem>>, %arg5: memref<1x128xf32, #tpu.memory_space<vmem>>, %arg6: memref<128x64xf32, #tpu.memory_space<vmem>>, %arg7: memref<1x64xf32, #tpu.memory_space<vmem>>, %arg8: memref<64x64xf32, #tpu.memory_space<vmem>>, %arg9: memref<1x64xf32, #tpu.memory_space<vmem>>, %arg10: memref<1x512x128xf32, #tpu.memory_space<vmem>>) attributes {dimension_semantics = [#tpu.dimension_semantics<arbitrary>, #tpu.dimension_semantics<arbitrary>], iteration_bounds = array<i64: 2, 8>, scalar_prefetch = 0 : i64, scratch_operands = 0 : i64, tpu.core_type = #tpu.core_type<tc>, window_params = [{transform_indices = @transform_0, window_bounds = array<i64: 1, 512, 128>}, {transform_indices = @transform_1, window_bounds = array<i64: 1, 10, 512, 128>}, {pipeline_mode = #tpu.pipeline_mode<synchronous>, transform_indices = @transform_2, window_bounds = array<i64: 128, 128>}, {pipeline_mode = #tpu.pipeline_mode<synchronous>, transform_indices = @transform_3, window_bounds = array<i64: 1, 128>}, {pipeline_mode = #tpu.pipeline_mode<synchronous>, transform_indices = @transform_4, window_bounds = array<i64: 128, 64>}, {pipeline_mode = #tpu.pipeline_mode<synchronous>, transform_indices = @transform_5, window_bounds = array<i64: 1, 64>}, {pipeline_mode = #tpu.pipeline_mode<synchronous>, transform_indices = @transform_6, window_bounds = array<i64: 64, 64>}, {pipeline_mode = #tpu.pipeline_mode<synchronous>, transform_indices = @transform_7, window_bounds = array<i64: 1, 64>}, {transform_indices = @transform_8, window_bounds = array<i64: 1, 512, 128>}]} {
    %get3A = arith.constant 0 : index
    %get3A_0 = arith.constant 0 : index
    %get3A_1 = arith.constant 0 : index
    %get3A_2 = vector.load %arg2[%get3A, %get3A_0, %get3A_1] : memref<1x512x128xf32, #tpu.memory_space<vmem>>, vector<1x512x128xf32>
    %get3A_3 = vector.shape_cast %get3A_2 : vector<1x512x128xf32> to vector<512x128xf32>
    %slice3A = vector.extract_strided_slice %get3A_3 {offsets = [0, 0], sizes = [512, 64], strides = [1, 1]} : vector<512x128xf32> to vector<512x64xf32>
    %get3A_4 = arith.constant 0 : index
    %get3A_5 = arith.constant 0 : index
    %get3A_6 = arith.constant 0 : index
    %get3A_7 = arith.constant 0 : index
    %get3A_8 = vector.load %arg3[%get3A_4, %get3A_5, %get3A_6, %get3A_7] : memref<1x10x512x128xf32, #tpu.memory_space<vmem>>, vector<1x1x512x128xf32>
    %get3A_9 = vector.shape_cast %get3A_8 : vector<1x1x512x128xf32> to vector<512x128xf32>
    %slice3A_10 = vector.extract_strided_slice %get3A_9 {offsets = [0, 0], sizes = [512, 64], strides = [1, 1]} : vector<512x128xf32> to vector<512x64xf32>
    %sub3A = arith.subf %slice3A_10, %slice3A : vector<512x64xf32>
    %concatenate3A = tpu.concatenate %slice3A, %sub3A in 1 : vector<512x64xf32>, vector<512x64xf32> -> vector<512x128xf32>
    %get3A_11 = arith.constant 0 : index
    %get3A_12 = arith.constant 0 : index
    %get3A_13 = vector.load %arg4[%get3A_11, %get3A_12] : memref<128x128xf32, #tpu.memory_space<vmem>>, vector<128x128xf32>
    %dot_general3A = arith.constant dense<0.000000e+00> : vector<512x128xf32>
    %dot_general3A_14 = tpu.matmul %concatenate3A, %get3A_13, %dot_general3A {dimension_numbers = #tpu.dot_dimension_numbers<[1], [0], [0], [1], [0, 0, 1, 1], [], []>, transpose_lhs_hint = false} : vector<512x128xf32>, vector<128x128xf32>, vector<512x128xf32> -> vector<512x128xf32>
    %get3A_15 = arith.constant 0 : index
    %get3A_16 = arith.constant 0 : index
    %get3A_17 = vector.load %arg5[%get3A_15, %get3A_16] : memref<1x128xf32, #tpu.memory_space<vmem>>, vector<1x128xf32>
    %add3A = vector.broadcast %get3A_17 : vector<1x128xf32> to vector<512x128xf32>
    %add3A_18 = arith.addf %dot_general3A_14, %add3A : vector<512x128xf32>
    %max3A = arith.constant 0.000000e+00 : f32
    %max3A_19 = vector.broadcast %max3A : f32 to vector<512x128xf32>
    %max3A_20 = arith.maximumf %add3A_18, %max3A_19 : vector<512x128xf32>
    %get3A_21 = arith.constant 0 : index
    %get3A_22 = arith.constant 0 : index
    %get3A_23 = vector.load %arg6[%get3A_21, %get3A_22] : memref<128x64xf32, #tpu.memory_space<vmem>>, vector<128x64xf32>
    %dot_general3A_24 = arith.constant dense<0.000000e+00> : vector<512x64xf32>
    %dot_general3A_25 = tpu.matmul %max3A_20, %get3A_23, %dot_general3A_24 {dimension_numbers = #tpu.dot_dimension_numbers<[1], [0], [0], [1], [0, 0, 1, 1], [], []>, transpose_lhs_hint = false} : vector<512x128xf32>, vector<128x64xf32>, vector<512x64xf32> -> vector<512x64xf32>
    %get3A_26 = arith.constant 0 : index
    %get3A_27 = arith.constant 0 : index
    %get3A_28 = vector.load %arg7[%get3A_26, %get3A_27] : memref<1x64xf32, #tpu.memory_space<vmem>>, vector<1x64xf32>
    %add3A_29 = vector.broadcast %get3A_28 : vector<1x64xf32> to vector<512x64xf32>
    %add3A_30 = arith.addf %dot_general3A_25, %add3A_29 : vector<512x64xf32>
    %max3A_31 = arith.constant 0.000000e+00 : f32
    %max3A_32 = vector.broadcast %max3A_31 : f32 to vector<512x64xf32>
    %max3A_33 = arith.maximumf %add3A_30, %max3A_32 : vector<512x64xf32>
    %get3A_34 = arith.constant 0 : index
    %get3A_35 = arith.constant 0 : index
    %get3A_36 = vector.load %arg8[%get3A_34, %get3A_35] : memref<64x64xf32, #tpu.memory_space<vmem>>, vector<64x64xf32>
    %dot_general3A_37 = arith.constant dense<0.000000e+00> : vector<512x64xf32>
    %dot_general3A_38 = tpu.matmul %max3A_33, %get3A_36, %dot_general3A_37 {dimension_numbers = #tpu.dot_dimension_numbers<[1], [0], [0], [1], [0, 0, 1, 1], [], []>, transpose_lhs_hint = false} : vector<512x64xf32>, vector<64x64xf32>, vector<512x64xf32> -> vector<512x64xf32>
    %get3A_39 = arith.constant 0 : index
    %get3A_40 = arith.constant 0 : index
    %get3A_41 = vector.load %arg9[%get3A_39, %get3A_40] : memref<1x64xf32, #tpu.memory_space<vmem>>, vector<1x64xf32>
    %add3A_42 = vector.broadcast %get3A_41 : vector<1x64xf32> to vector<512x64xf32>
    %add3A_43 = arith.addf %dot_general3A_38, %add3A_42 : vector<512x64xf32>
    %max3A_44 = arith.constant 0.000000e+00 : f32
    %max3A_45 = vector.broadcast %max3A_44 : f32 to vector<512x64xf32>
    %max3A_46 = arith.maximumf %add3A_43, %max3A_45 : vector<512x64xf32>
    %get3A_47 = arith.constant 0 : index
    %get3A_48 = arith.constant 1 : index
    %get3A_49 = arith.constant 0 : index
    %get3A_50 = arith.constant 0 : index
    %get3A_51 = vector.load %arg3[%get3A_47, %get3A_48, %get3A_49, %get3A_50] : memref<1x10x512x128xf32, #tpu.memory_space<vmem>>, vector<1x1x512x128xf32>
    %get3A_52 = vector.shape_cast %get3A_51 : vector<1x1x512x128xf32> to vector<512x128xf32>
    %slice3A_53 = vector.extract_strided_slice %get3A_52 {offsets = [0, 0], sizes = [512, 64], strides = [1, 1]} : vector<512x128xf32> to vector<512x64xf32>
    %sub3A_54 = arith.subf %slice3A_53, %slice3A : vector<512x64xf32>
    %concatenate3A_55 = tpu.concatenate %slice3A, %sub3A_54 in 1 : vector<512x64xf32>, vector<512x64xf32> -> vector<512x128xf32>
    %get3A_56 = arith.constant 0 : index
    %get3A_57 = arith.constant 0 : index
    %get3A_58 = vector.load %arg4[%get3A_56, %get3A_57] : memref<128x128xf32, #tpu.memory_space<vmem>>, vector<128x128xf32>
    %dot_general3A_59 = arith.constant dense<0.000000e+00> : vector<512x128xf32>
    %dot_general3A_60 = tpu.matmul %concatenate3A_55, %get3A_58, %dot_general3A_59 {dimension_numbers = #tpu.dot_dimension_numbers<[1], [0], [0], [1], [0, 0, 1, 1], [], []>, transpose_lhs_hint = false} : vector<512x128xf32>, vector<128x128xf32>, vector<512x128xf32> -> vector<512x128xf32>
    %get3A_61 = arith.constant 0 : index
    %get3A_62 = arith.constant 0 : index
    %get3A_63 = vector.load %arg5[%get3A_61, %get3A_62] : memref<1x128xf32, #tpu.memory_space<vmem>>, vector<1x128xf32>
    %add3A_64 = vector.broadcast %get3A_63 : vector<1x128xf32> to vector<512x128xf32>
    %add3A_65 = arith.addf %dot_general3A_60, %add3A_64 : vector<512x128xf32>
    %max3A_66 = arith.constant 0.000000e+00 : f32
    %max3A_67 = vector.broadcast %max3A_66 : f32 to vector<512x128xf32>
    %max3A_68 = arith.maximumf %add3A_65, %max3A_67 : vector<512x128xf32>
    %get3A_69 = arith.constant 0 : index
    %get3A_70 = arith.constant 0 : index
    %get3A_71 = vector.load %arg6[%get3A_69, %get3A_70] : memref<128x64xf32, #tpu.memory_space<vmem>>, vector<128x64xf32>
    %dot_general3A_72 = arith.constant dense<0.000000e+00> : vector<512x64xf32>
    %dot_general3A_73 = tpu.matmul %max3A_68, %get3A_71, %dot_general3A_72 {dimension_numbers = #tpu.dot_dimension_numbers<[1], [0], [0], [1], [0, 0, 1, 1], [], []>, transpose_lhs_hint = false} : vector<512x128xf32>, vector<128x64xf32>, vector<512x64xf32> -> vector<512x64xf32>
    %get3A_74 = arith.constant 0 : index
    %get3A_75 = arith.constant 0 : index
    %get3A_76 = vector.load %arg7[%get3A_74, %get3A_75] : memref<1x64xf32, #tpu.memory_space<vmem>>, vector<1x64xf32>
    %add3A_77 = vector.broadcast %get3A_76 : vector<1x64xf32> to vector<512x64xf32>
    %add3A_78 = arith.addf %dot_general3A_73, %add3A_77 : vector<512x64xf32>
    %max3A_79 = arith.constant 0.000000e+00 : f32
    %max3A_80 = vector.broadcast %max3A_79 : f32 to vector<512x64xf32>
    %max3A_81 = arith.maximumf %add3A_78, %max3A_80 : vector<512x64xf32>
    %get3A_82 = arith.constant 0 : index
    %get3A_83 = arith.constant 0 : index
    %get3A_84 = vector.load %arg8[%get3A_82, %get3A_83] : memref<64x64xf32, #tpu.memory_space<vmem>>, vector<64x64xf32>
    %dot_general3A_85 = arith.constant dense<0.000000e+00> : vector<512x64xf32>
    %dot_general3A_86 = tpu.matmul %max3A_81, %get3A_84, %dot_general3A_85 {dimension_numbers = #tpu.dot_dimension_numbers<[1], [0], [0], [1], [0, 0, 1, 1], [], []>, transpose_lhs_hint = false} : vector<512x64xf32>, vector<64x64xf32>, vector<512x64xf32> -> vector<512x64xf32>
    %get3A_87 = arith.constant 0 : index
    %get3A_88 = arith.constant 0 : index
    %get3A_89 = vector.load %arg9[%get3A_87, %get3A_88] : memref<1x64xf32, #tpu.memory_space<vmem>>, vector<1x64xf32>
    %add3A_90 = vector.broadcast %get3A_89 : vector<1x64xf32> to vector<512x64xf32>
    %add3A_91 = arith.addf %dot_general3A_86, %add3A_90 : vector<512x64xf32>
    %max3A_92 = arith.constant 0.000000e+00 : f32
    %max3A_93 = vector.broadcast %max3A_92 : f32 to vector<512x64xf32>
    %max3A_94 = arith.maximumf %add3A_91, %max3A_93 : vector<512x64xf32>
    %max3A_95 = arith.maximumf %max3A_46, %max3A_94 : vector<512x64xf32>
    %get3A_96 = arith.constant 0 : index
    %get3A_97 = arith.constant 2 : index
    %get3A_98 = arith.constant 0 : index
    %get3A_99 = arith.constant 0 : index
    %get3A_100 = vector.load %arg3[%get3A_96, %get3A_97, %get3A_98, %get3A_99] : memref<1x10x512x128xf32, #tpu.memory_space<vmem>>, vector<1x1x512x128xf32>
    %get3A_101 = vector.shape_cast %get3A_100 : vector<1x1x512x128xf32> to vector<512x128xf32>
    %slice3A_102 = vector.extract_strided_slice %get3A_101 {offsets = [0, 0], sizes = [512, 64], strides = [1, 1]} : vector<512x128xf32> to vector<512x64xf32>
    %sub3A_103 = arith.subf %slice3A_102, %slice3A : vector<512x64xf32>
    %concatenate3A_104 = tpu.concatenate %slice3A, %sub3A_103 in 1 : vector<512x64xf32>, vector<512x64xf32> -> vector<512x128xf32>
    %get3A_105 = arith.constant 0 : index
    %get3A_106 = arith.constant 0 : index
    %get3A_107 = vector.load %arg4[%get3A_105, %get3A_106] : memref<128x128xf32, #tpu.memory_space<vmem>>, vector<128x128xf32>
    %dot_general3A_108 = arith.constant dense<0.000000e+00> : vector<512x128xf32>
    %dot_general3A_109 = tpu.matmul %concatenate3A_104, %get3A_107, %dot_general3A_108 {dimension_numbers = #tpu.dot_dimension_numbers<[1], [0], [0], [1], [0, 0, 1, 1], [], []>, transpose_lhs_hint = false} : vector<512x128xf32>, vector<128x128xf32>, vector<512x128xf32> -> vector<512x128xf32>
    %get3A_110 = arith.constant 0 : index
    %get3A_111 = arith.constant 0 : index
    %get3A_112 = vector.load %arg5[%get3A_110, %get3A_111] : memref<1x128xf32, #tpu.memory_space<vmem>>, vector<1x128xf32>
    %add3A_113 = vector.broadcast %get3A_112 : vector<1x128xf32> to vector<512x128xf32>
    %add3A_114 = arith.addf %dot_general3A_109, %add3A_113 : vector<512x128xf32>
    %max3A_115 = arith.constant 0.000000e+00 : f32
    %max3A_116 = vector.broadcast %max3A_115 : f32 to vector<512x128xf32>
    %max3A_117 = arith.maximumf %add3A_114, %max3A_116 : vector<512x128xf32>
    %get3A_118 = arith.constant 0 : index
    %get3A_119 = arith.constant 0 : index
    %get3A_120 = vector.load %arg6[%get3A_118, %get3A_119] : memref<128x64xf32, #tpu.memory_space<vmem>>, vector<128x64xf32>
    %dot_general3A_121 = arith.constant dense<0.000000e+00> : vector<512x64xf32>
    %dot_general3A_122 = tpu.matmul %max3A_117, %get3A_120, %dot_general3A_121 {dimension_numbers = #tpu.dot_dimension_numbers<[1], [0], [0], [1], [0, 0, 1, 1], [], []>, transpose_lhs_hint = false} : vector<512x128xf32>, vector<128x64xf32>, vector<512x64xf32> -> vector<512x64xf32>
    %get3A_123 = arith.constant 0 : index
    %get3A_124 = arith.constant 0 : index
    %get3A_125 = vector.load %arg7[%get3A_123, %get3A_124] : memref<1x64xf32, #tpu.memory_space<vmem>>, vector<1x64xf32>
    %add3A_126 = vector.broadcast %get3A_125 : vector<1x64xf32> to vector<512x64xf32>
    %add3A_127 = arith.addf %dot_general3A_122, %add3A_126 : vector<512x64xf32>
    %max3A_128 = arith.constant 0.000000e+00 : f32
    %max3A_129 = vector.broadcast %max3A_128 : f32 to vector<512x64xf32>
    %max3A_130 = arith.maximumf %add3A_127, %max3A_129 : vector<512x64xf32>
    %get3A_131 = arith.constant 0 : index
    %get3A_132 = arith.constant 0 : index
    %get3A_133 = vector.load %arg8[%get3A_131, %get3A_132] : memref<64x64xf32, #tpu.memory_space<vmem>>, vector<64x64xf32>
    %dot_general3A_134 = arith.constant dense<0.000000e+00> : vector<512x64xf32>
    %dot_general3A_135 = tpu.matmul %max3A_130, %get3A_133, %dot_general3A_134 {dimension_numbers = #tpu.dot_dimension_numbers<[1], [0], [0], [1], [0, 0, 1, 1], [], []>, transpose_lhs_hint = false} : vector<512x64xf32>, vector<64x64xf32>, vector<512x64xf32> -> vector<512x64xf32>
    %get3A_136 = arith.constant 0 : index
    %get3A_137 = arith.constant 0 : index
    %get3A_138 = vector.load %arg9[%get3A_136, %get3A_137] : memref<1x64xf32, #tpu.memory_space<vmem>>, vector<1x64xf32>
    %add3A_139 = vector.broadcast %get3A_138 : vector<1x64xf32> to vector<512x64xf32>
    %add3A_140 = arith.addf %dot_general3A_135, %add3A_139 : vector<512x64xf32>
    %max3A_141 = arith.constant 0.000000e+00 : f32
    %max3A_142 = vector.broadcast %max3A_141 : f32 to vector<512x64xf32>
    %max3A_143 = arith.maximumf %add3A_140, %max3A_142 : vector<512x64xf32>
    %max3A_144 = arith.maximumf %max3A_95, %max3A_143 : vector<512x64xf32>
    %get3A_145 = arith.constant 0 : index
    %get3A_146 = arith.constant 3 : index
    %get3A_147 = arith.constant 0 : index
    %get3A_148 = arith.constant 0 : index
    %get3A_149 = vector.load %arg3[%get3A_145, %get3A_146, %get3A_147, %get3A_148] : memref<1x10x512x128xf32, #tpu.memory_space<vmem>>, vector<1x1x512x128xf32>
    %get3A_150 = vector.shape_cast %get3A_149 : vector<1x1x512x128xf32> to vector<512x128xf32>
    %slice3A_151 = vector.extract_strided_slice %get3A_150 {offsets = [0, 0], sizes = [512, 64], strides = [1, 1]} : vector<512x128xf32> to vector<512x64xf32>
    %sub3A_152 = arith.subf %slice3A_151, %slice3A : vector<512x64xf32>
    %concatenate3A_153 = tpu.concatenate %slice3A, %sub3A_152 in 1 : vector<512x64xf32>, vector<512x64xf32> -> vector<512x128xf32>
    %get3A_154 = arith.constant 0 : index
    %get3A_155 = arith.constant 0 : index
    %get3A_156 = vector.load %arg4[%get3A_154, %get3A_155] : memref<128x128xf32, #tpu.memory_space<vmem>>, vector<128x128xf32>
    %dot_general3A_157 = arith.constant dense<0.000000e+00> : vector<512x128xf32>
    %dot_general3A_158 = tpu.matmul %concatenate3A_153, %get3A_156, %dot_general3A_157 {dimension_numbers = #tpu.dot_dimension_numbers<[1], [0], [0], [1], [0, 0, 1, 1], [], []>, transpose_lhs_hint = false} : vector<512x128xf32>, vector<128x128xf32>, vector<512x128xf32> -> vector<512x128xf32>
    %get3A_159 = arith.constant 0 : index
    %get3A_160 = arith.constant 0 : index
    %get3A_161 = vector.load %arg5[%get3A_159, %get3A_160] : memref<1x128xf32, #tpu.memory_space<vmem>>, vector<1x128xf32>
    %add3A_162 = vector.broadcast %get3A_161 : vector<1x128xf32> to vector<512x128xf32>
    %add3A_163 = arith.addf %dot_general3A_158, %add3A_162 : vector<512x128xf32>
    %max3A_164 = arith.constant 0.000000e+00 : f32
    %max3A_165 = vector.broadcast %max3A_164 : f32 to vector<512x128xf32>
    %max3A_166 = arith.maximumf %add3A_163, %max3A_165 : vector<512x128xf32>
    %get3A_167 = arith.constant 0 : index
    %get3A_168 = arith.constant 0 : index
    %get3A_169 = vector.load %arg6[%get3A_167, %get3A_168] : memref<128x64xf32, #tpu.memory_space<vmem>>, vector<128x64xf32>
    %dot_general3A_170 = arith.constant dense<0.000000e+00> : vector<512x64xf32>
    %dot_general3A_171 = tpu.matmul %max3A_166, %get3A_169, %dot_general3A_170 {dimension_numbers = #tpu.dot_dimension_numbers<[1], [0], [0], [1], [0, 0, 1, 1], [], []>, transpose_lhs_hint = false} : vector<512x128xf32>, vector<128x64xf32>, vector<512x64xf32> -> vector<512x64xf32>
    %get3A_172 = arith.constant 0 : index
    %get3A_173 = arith.constant 0 : index
    %get3A_174 = vector.load %arg7[%get3A_172, %get3A_173] : memref<1x64xf32, #tpu.memory_space<vmem>>, vector<1x64xf32>
    %add3A_175 = vector.broadcast %get3A_174 : vector<1x64xf32> to vector<512x64xf32>
    %add3A_176 = arith.addf %dot_general3A_171, %add3A_175 : vector<512x64xf32>
    %max3A_177 = arith.constant 0.000000e+00 : f32
    %max3A_178 = vector.broadcast %max3A_177 : f32 to vector<512x64xf32>
    %max3A_179 = arith.maximumf %add3A_176, %max3A_178 : vector<512x64xf32>
    %get3A_180 = arith.constant 0 : index
    %get3A_181 = arith.constant 0 : index
    %get3A_182 = vector.load %arg8[%get3A_180, %get3A_181] : memref<64x64xf32, #tpu.memory_space<vmem>>, vector<64x64xf32>
    %dot_general3A_183 = arith.constant dense<0.000000e+00> : vector<512x64xf32>
    %dot_general3A_184 = tpu.matmul %max3A_179, %get3A_182, %dot_general3A_183 {dimension_numbers = #tpu.dot_dimension_numbers<[1], [0], [0], [1], [0, 0, 1, 1], [], []>, transpose_lhs_hint = false} : vector<512x64xf32>, vector<64x64xf32>, vector<512x64xf32> -> vector<512x64xf32>
    %get3A_185 = arith.constant 0 : index
    %get3A_186 = arith.constant 0 : index
    %get3A_187 = vector.load %arg9[%get3A_185, %get3A_186] : memref<1x64xf32, #tpu.memory_space<vmem>>, vector<1x64xf32>
    %add3A_188 = vector.broadcast %get3A_187 : vector<1x64xf32> to vector<512x64xf32>
    %add3A_189 = arith.addf %dot_general3A_184, %add3A_188 : vector<512x64xf32>
    %max3A_190 = arith.constant 0.000000e+00 : f32
    %max3A_191 = vector.broadcast %max3A_190 : f32 to vector<512x64xf32>
    %max3A_192 = arith.maximumf %add3A_189, %max3A_191 : vector<512x64xf32>
    %max3A_193 = arith.maximumf %max3A_144, %max3A_192 : vector<512x64xf32>
    %get3A_194 = arith.constant 0 : index
    %get3A_195 = arith.constant 4 : index
    %get3A_196 = arith.constant 0 : index
    %get3A_197 = arith.constant 0 : index
    %get3A_198 = vector.load %arg3[%get3A_194, %get3A_195, %get3A_196, %get3A_197] : memref<1x10x512x128xf32, #tpu.memory_space<vmem>>, vector<1x1x512x128xf32>
    %get3A_199 = vector.shape_cast %get3A_198 : vector<1x1x512x128xf32> to vector<512x128xf32>
    %slice3A_200 = vector.extract_strided_slice %get3A_199 {offsets = [0, 0], sizes = [512, 64], strides = [1, 1]} : vector<512x128xf32> to vector<512x64xf32>
    %sub3A_201 = arith.subf %slice3A_200, %slice3A : vector<512x64xf32>
    %concatenate3A_202 = tpu.concatenate %slice3A, %sub3A_201 in 1 : vector<512x64xf32>, vector<512x64xf32> -> vector<512x128xf32>
    %get3A_203 = arith.constant 0 : index
    %get3A_204 = arith.constant 0 : index
    %get3A_205 = vector.load %arg4[%get3A_203, %get3A_204] : memref<128x128xf32, #tpu.memory_space<vmem>>, vector<128x128xf32>
    %dot_general3A_206 = arith.constant dense<0.000000e+00> : vector<512x128xf32>
    %dot_general3A_207 = tpu.matmul %concatenate3A_202, %get3A_205, %dot_general3A_206 {dimension_numbers = #tpu.dot_dimension_numbers<[1], [0], [0], [1], [0, 0, 1, 1], [], []>, transpose_lhs_hint = false} : vector<512x128xf32>, vector<128x128xf32>, vector<512x128xf32> -> vector<512x128xf32>
    %get3A_208 = arith.constant 0 : index
    %get3A_209 = arith.constant 0 : index
    %get3A_210 = vector.load %arg5[%get3A_208, %get3A_209] : memref<1x128xf32, #tpu.memory_space<vmem>>, vector<1x128xf32>
    %add3A_211 = vector.broadcast %get3A_210 : vector<1x128xf32> to vector<512x128xf32>
    %add3A_212 = arith.addf %dot_general3A_207, %add3A_211 : vector<512x128xf32>
    %max3A_213 = arith.constant 0.000000e+00 : f32
    %max3A_214 = vector.broadcast %max3A_213 : f32 to vector<512x128xf32>
    %max3A_215 = arith.maximumf %add3A_212, %max3A_214 : vector<512x128xf32>
    %get3A_216 = arith.constant 0 : index
    %get3A_217 = arith.constant 0 : index
    %get3A_218 = vector.load %arg6[%get3A_216, %get3A_217] : memref<128x64xf32, #tpu.memory_space<vmem>>, vector<128x64xf32>
    %dot_general3A_219 = arith.constant dense<0.000000e+00> : vector<512x64xf32>
    %dot_general3A_220 = tpu.matmul %max3A_215, %get3A_218, %dot_general3A_219 {dimension_numbers = #tpu.dot_dimension_numbers<[1], [0], [0], [1], [0, 0, 1, 1], [], []>, transpose_lhs_hint = false} : vector<512x128xf32>, vector<128x64xf32>, vector<512x64xf32> -> vector<512x64xf32>
    %get3A_221 = arith.constant 0 : index
    %get3A_222 = arith.constant 0 : index
    %get3A_223 = vector.load %arg7[%get3A_221, %get3A_222] : memref<1x64xf32, #tpu.memory_space<vmem>>, vector<1x64xf32>
    %add3A_224 = vector.broadcast %get3A_223 : vector<1x64xf32> to vector<512x64xf32>
    %add3A_225 = arith.addf %dot_general3A_220, %add3A_224 : vector<512x64xf32>
    %max3A_226 = arith.constant 0.000000e+00 : f32
    %max3A_227 = vector.broadcast %max3A_226 : f32 to vector<512x64xf32>
    %max3A_228 = arith.maximumf %add3A_225, %max3A_227 : vector<512x64xf32>
    %get3A_229 = arith.constant 0 : index
    %get3A_230 = arith.constant 0 : index
    %get3A_231 = vector.load %arg8[%get3A_229, %get3A_230] : memref<64x64xf32, #tpu.memory_space<vmem>>, vector<64x64xf32>
    %dot_general3A_232 = arith.constant dense<0.000000e+00> : vector<512x64xf32>
    %dot_general3A_233 = tpu.matmul %max3A_228, %get3A_231, %dot_general3A_232 {dimension_numbers = #tpu.dot_dimension_numbers<[1], [0], [0], [1], [0, 0, 1, 1], [], []>, transpose_lhs_hint = false} : vector<512x64xf32>, vector<64x64xf32>, vector<512x64xf32> -> vector<512x64xf32>
    %get3A_234 = arith.constant 0 : index
    %get3A_235 = arith.constant 0 : index
    %get3A_236 = vector.load %arg9[%get3A_234, %get3A_235] : memref<1x64xf32, #tpu.memory_space<vmem>>, vector<1x64xf32>
    %add3A_237 = vector.broadcast %get3A_236 : vector<1x64xf32> to vector<512x64xf32>
    %add3A_238 = arith.addf %dot_general3A_233, %add3A_237 : vector<512x64xf32>
    %max3A_239 = arith.constant 0.000000e+00 : f32
    %max3A_240 = vector.broadcast %max3A_239 : f32 to vector<512x64xf32>
    %max3A_241 = arith.maximumf %add3A_238, %max3A_240 : vector<512x64xf32>
    %max3A_242 = arith.maximumf %max3A_193, %max3A_241 : vector<512x64xf32>
    %get3A_243 = arith.constant 0 : index
    %get3A_244 = arith.constant 5 : index
    %get3A_245 = arith.constant 0 : index
    %get3A_246 = arith.constant 0 : index
    %get3A_247 = vector.load %arg3[%get3A_243, %get3A_244, %get3A_245, %get3A_246] : memref<1x10x512x128xf32, #tpu.memory_space<vmem>>, vector<1x1x512x128xf32>
    %get3A_248 = vector.shape_cast %get3A_247 : vector<1x1x512x128xf32> to vector<512x128xf32>
    %slice3A_249 = vector.extract_strided_slice %get3A_248 {offsets = [0, 0], sizes = [512, 64], strides = [1, 1]} : vector<512x128xf32> to vector<512x64xf32>
    %sub3A_250 = arith.subf %slice3A_249, %slice3A : vector<512x64xf32>
    %concatenate3A_251 = tpu.concatenate %slice3A, %sub3A_250 in 1 : vector<512x64xf32>, vector<512x64xf32> -> vector<512x128xf32>
    %get3A_252 = arith.constant 0 : index
    %get3A_253 = arith.constant 0 : index
    %get3A_254 = vector.load %arg4[%get3A_252, %get3A_253] : memref<128x128xf32, #tpu.memory_space<vmem>>, vector<128x128xf32>
    %dot_general3A_255 = arith.constant dense<0.000000e+00> : vector<512x128xf32>
    %dot_general3A_256 = tpu.matmul %concatenate3A_251, %get3A_254, %dot_general3A_255 {dimension_numbers = #tpu.dot_dimension_numbers<[1], [0], [0], [1], [0, 0, 1, 1], [], []>, transpose_lhs_hint = false} : vector<512x128xf32>, vector<128x128xf32>, vector<512x128xf32> -> vector<512x128xf32>
    %get3A_257 = arith.constant 0 : index
    %get3A_258 = arith.constant 0 : index
    %get3A_259 = vector.load %arg5[%get3A_257, %get3A_258] : memref<1x128xf32, #tpu.memory_space<vmem>>, vector<1x128xf32>
    %add3A_260 = vector.broadcast %get3A_259 : vector<1x128xf32> to vector<512x128xf32>
    %add3A_261 = arith.addf %dot_general3A_256, %add3A_260 : vector<512x128xf32>
    %max3A_262 = arith.constant 0.000000e+00 : f32
    %max3A_263 = vector.broadcast %max3A_262 : f32 to vector<512x128xf32>
    %max3A_264 = arith.maximumf %add3A_261, %max3A_263 : vector<512x128xf32>
    %get3A_265 = arith.constant 0 : index
    %get3A_266 = arith.constant 0 : index
    %get3A_267 = vector.load %arg6[%get3A_265, %get3A_266] : memref<128x64xf32, #tpu.memory_space<vmem>>, vector<128x64xf32>
    %dot_general3A_268 = arith.constant dense<0.000000e+00> : vector<512x64xf32>
    %dot_general3A_269 = tpu.matmul %max3A_264, %get3A_267, %dot_general3A_268 {dimension_numbers = #tpu.dot_dimension_numbers<[1], [0], [0], [1], [0, 0, 1, 1], [], []>, transpose_lhs_hint = false} : vector<512x128xf32>, vector<128x64xf32>, vector<512x64xf32> -> vector<512x64xf32>
    %get3A_270 = arith.constant 0 : index
    %get3A_271 = arith.constant 0 : index
    %get3A_272 = vector.load %arg7[%get3A_270, %get3A_271] : memref<1x64xf32, #tpu.memory_space<vmem>>, vector<1x64xf32>
    %add3A_273 = vector.broadcast %get3A_272 : vector<1x64xf32> to vector<512x64xf32>
    %add3A_274 = arith.addf %dot_general3A_269, %add3A_273 : vector<512x64xf32>
    %max3A_275 = arith.constant 0.000000e+00 : f32
    %max3A_276 = vector.broadcast %max3A_275 : f32 to vector<512x64xf32>
    %max3A_277 = arith.maximumf %add3A_274, %max3A_276 : vector<512x64xf32>
    %get3A_278 = arith.constant 0 : index
    %get3A_279 = arith.constant 0 : index
    %get3A_280 = vector.load %arg8[%get3A_278, %get3A_279] : memref<64x64xf32, #tpu.memory_space<vmem>>, vector<64x64xf32>
    %dot_general3A_281 = arith.constant dense<0.000000e+00> : vector<512x64xf32>
    %dot_general3A_282 = tpu.matmul %max3A_277, %get3A_280, %dot_general3A_281 {dimension_numbers = #tpu.dot_dimension_numbers<[1], [0], [0], [1], [0, 0, 1, 1], [], []>, transpose_lhs_hint = false} : vector<512x64xf32>, vector<64x64xf32>, vector<512x64xf32> -> vector<512x64xf32>
    %get3A_283 = arith.constant 0 : index
    %get3A_284 = arith.constant 0 : index
    %get3A_285 = vector.load %arg9[%get3A_283, %get3A_284] : memref<1x64xf32, #tpu.memory_space<vmem>>, vector<1x64xf32>
    %add3A_286 = vector.broadcast %get3A_285 : vector<1x64xf32> to vector<512x64xf32>
    %add3A_287 = arith.addf %dot_general3A_282, %add3A_286 : vector<512x64xf32>
    %max3A_288 = arith.constant 0.000000e+00 : f32
    %max3A_289 = vector.broadcast %max3A_288 : f32 to vector<512x64xf32>
    %max3A_290 = arith.maximumf %add3A_287, %max3A_289 : vector<512x64xf32>
    %max3A_291 = arith.maximumf %max3A_242, %max3A_290 : vector<512x64xf32>
    %get3A_292 = arith.constant 0 : index
    %get3A_293 = arith.constant 6 : index
    %get3A_294 = arith.constant 0 : index
    %get3A_295 = arith.constant 0 : index
    %get3A_296 = vector.load %arg3[%get3A_292, %get3A_293, %get3A_294, %get3A_295] : memref<1x10x512x128xf32, #tpu.memory_space<vmem>>, vector<1x1x512x128xf32>
    %get3A_297 = vector.shape_cast %get3A_296 : vector<1x1x512x128xf32> to vector<512x128xf32>
    %slice3A_298 = vector.extract_strided_slice %get3A_297 {offsets = [0, 0], sizes = [512, 64], strides = [1, 1]} : vector<512x128xf32> to vector<512x64xf32>
    %sub3A_299 = arith.subf %slice3A_298, %slice3A : vector<512x64xf32>
    %concatenate3A_300 = tpu.concatenate %slice3A, %sub3A_299 in 1 : vector<512x64xf32>, vector<512x64xf32> -> vector<512x128xf32>
    %get3A_301 = arith.constant 0 : index
    %get3A_302 = arith.constant 0 : index
    %get3A_303 = vector.load %arg4[%get3A_301, %get3A_302] : memref<128x128xf32, #tpu.memory_space<vmem>>, vector<128x128xf32>
    %dot_general3A_304 = arith.constant dense<0.000000e+00> : vector<512x128xf32>
    %dot_general3A_305 = tpu.matmul %concatenate3A_300, %get3A_303, %dot_general3A_304 {dimension_numbers = #tpu.dot_dimension_numbers<[1], [0], [0], [1], [0, 0, 1, 1], [], []>, transpose_lhs_hint = false} : vector<512x128xf32>, vector<128x128xf32>, vector<512x128xf32> -> vector<512x128xf32>
    %get3A_306 = arith.constant 0 : index
    %get3A_307 = arith.constant 0 : index
    %get3A_308 = vector.load %arg5[%get3A_306, %get3A_307] : memref<1x128xf32, #tpu.memory_space<vmem>>, vector<1x128xf32>
    %add3A_309 = vector.broadcast %get3A_308 : vector<1x128xf32> to vector<512x128xf32>
    %add3A_310 = arith.addf %dot_general3A_305, %add3A_309 : vector<512x128xf32>
    %max3A_311 = arith.constant 0.000000e+00 : f32
    %max3A_312 = vector.broadcast %max3A_311 : f32 to vector<512x128xf32>
    %max3A_313 = arith.maximumf %add3A_310, %max3A_312 : vector<512x128xf32>
    %get3A_314 = arith.constant 0 : index
    %get3A_315 = arith.constant 0 : index
    %get3A_316 = vector.load %arg6[%get3A_314, %get3A_315] : memref<128x64xf32, #tpu.memory_space<vmem>>, vector<128x64xf32>
    %dot_general3A_317 = arith.constant dense<0.000000e+00> : vector<512x64xf32>
    %dot_general3A_318 = tpu.matmul %max3A_313, %get3A_316, %dot_general3A_317 {dimension_numbers = #tpu.dot_dimension_numbers<[1], [0], [0], [1], [0, 0, 1, 1], [], []>, transpose_lhs_hint = false} : vector<512x128xf32>, vector<128x64xf32>, vector<512x64xf32> -> vector<512x64xf32>
    %get3A_319 = arith.constant 0 : index
    %get3A_320 = arith.constant 0 : index
    %get3A_321 = vector.load %arg7[%get3A_319, %get3A_320] : memref<1x64xf32, #tpu.memory_space<vmem>>, vector<1x64xf32>
    %add3A_322 = vector.broadcast %get3A_321 : vector<1x64xf32> to vector<512x64xf32>
    %add3A_323 = arith.addf %dot_general3A_318, %add3A_322 : vector<512x64xf32>
    %max3A_324 = arith.constant 0.000000e+00 : f32
    %max3A_325 = vector.broadcast %max3A_324 : f32 to vector<512x64xf32>
    %max3A_326 = arith.maximumf %add3A_323, %max3A_325 : vector<512x64xf32>
    %get3A_327 = arith.constant 0 : index
    %get3A_328 = arith.constant 0 : index
    %get3A_329 = vector.load %arg8[%get3A_327, %get3A_328] : memref<64x64xf32, #tpu.memory_space<vmem>>, vector<64x64xf32>
    %dot_general3A_330 = arith.constant dense<0.000000e+00> : vector<512x64xf32>
    %dot_general3A_331 = tpu.matmul %max3A_326, %get3A_329, %dot_general3A_330 {dimension_numbers = #tpu.dot_dimension_numbers<[1], [0], [0], [1], [0, 0, 1, 1], [], []>, transpose_lhs_hint = false} : vector<512x64xf32>, vector<64x64xf32>, vector<512x64xf32> -> vector<512x64xf32>
    %get3A_332 = arith.constant 0 : index
    %get3A_333 = arith.constant 0 : index
    %get3A_334 = vector.load %arg9[%get3A_332, %get3A_333] : memref<1x64xf32, #tpu.memory_space<vmem>>, vector<1x64xf32>
    %add3A_335 = vector.broadcast %get3A_334 : vector<1x64xf32> to vector<512x64xf32>
    %add3A_336 = arith.addf %dot_general3A_331, %add3A_335 : vector<512x64xf32>
    %max3A_337 = arith.constant 0.000000e+00 : f32
    %max3A_338 = vector.broadcast %max3A_337 : f32 to vector<512x64xf32>
    %max3A_339 = arith.maximumf %add3A_336, %max3A_338 : vector<512x64xf32>
    %max3A_340 = arith.maximumf %max3A_291, %max3A_339 : vector<512x64xf32>
    %get3A_341 = arith.constant 0 : index
    %get3A_342 = arith.constant 7 : index
    %get3A_343 = arith.constant 0 : index
    %get3A_344 = arith.constant 0 : index
    %get3A_345 = vector.load %arg3[%get3A_341, %get3A_342, %get3A_343, %get3A_344] : memref<1x10x512x128xf32, #tpu.memory_space<vmem>>, vector<1x1x512x128xf32>
    %get3A_346 = vector.shape_cast %get3A_345 : vector<1x1x512x128xf32> to vector<512x128xf32>
    %slice3A_347 = vector.extract_strided_slice %get3A_346 {offsets = [0, 0], sizes = [512, 64], strides = [1, 1]} : vector<512x128xf32> to vector<512x64xf32>
    %sub3A_348 = arith.subf %slice3A_347, %slice3A : vector<512x64xf32>
    %concatenate3A_349 = tpu.concatenate %slice3A, %sub3A_348 in 1 : vector<512x64xf32>, vector<512x64xf32> -> vector<512x128xf32>
    %get3A_350 = arith.constant 0 : index
    %get3A_351 = arith.constant 0 : index
    %get3A_352 = vector.load %arg4[%get3A_350, %get3A_351] : memref<128x128xf32, #tpu.memory_space<vmem>>, vector<128x128xf32>
    %dot_general3A_353 = arith.constant dense<0.000000e+00> : vector<512x128xf32>
    %dot_general3A_354 = tpu.matmul %concatenate3A_349, %get3A_352, %dot_general3A_353 {dimension_numbers = #tpu.dot_dimension_numbers<[1], [0], [0], [1], [0, 0, 1, 1], [], []>, transpose_lhs_hint = false} : vector<512x128xf32>, vector<128x128xf32>, vector<512x128xf32> -> vector<512x128xf32>
    %get3A_355 = arith.constant 0 : index
    %get3A_356 = arith.constant 0 : index
    %get3A_357 = vector.load %arg5[%get3A_355, %get3A_356] : memref<1x128xf32, #tpu.memory_space<vmem>>, vector<1x128xf32>
    %add3A_358 = vector.broadcast %get3A_357 : vector<1x128xf32> to vector<512x128xf32>
    %add3A_359 = arith.addf %dot_general3A_354, %add3A_358 : vector<512x128xf32>
    %max3A_360 = arith.constant 0.000000e+00 : f32
    %max3A_361 = vector.broadcast %max3A_360 : f32 to vector<512x128xf32>
    %max3A_362 = arith.maximumf %add3A_359, %max3A_361 : vector<512x128xf32>
    %get3A_363 = arith.constant 0 : index
    %get3A_364 = arith.constant 0 : index
    %get3A_365 = vector.load %arg6[%get3A_363, %get3A_364] : memref<128x64xf32, #tpu.memory_space<vmem>>, vector<128x64xf32>
    %dot_general3A_366 = arith.constant dense<0.000000e+00> : vector<512x64xf32>
    %dot_general3A_367 = tpu.matmul %max3A_362, %get3A_365, %dot_general3A_366 {dimension_numbers = #tpu.dot_dimension_numbers<[1], [0], [0], [1], [0, 0, 1, 1], [], []>, transpose_lhs_hint = false} : vector<512x128xf32>, vector<128x64xf32>, vector<512x64xf32> -> vector<512x64xf32>
    %get3A_368 = arith.constant 0 : index
    %get3A_369 = arith.constant 0 : index
    %get3A_370 = vector.load %arg7[%get3A_368, %get3A_369] : memref<1x64xf32, #tpu.memory_space<vmem>>, vector<1x64xf32>
    %add3A_371 = vector.broadcast %get3A_370 : vector<1x64xf32> to vector<512x64xf32>
    %add3A_372 = arith.addf %dot_general3A_367, %add3A_371 : vector<512x64xf32>
    %max3A_373 = arith.constant 0.000000e+00 : f32
    %max3A_374 = vector.broadcast %max3A_373 : f32 to vector<512x64xf32>
    %max3A_375 = arith.maximumf %add3A_372, %max3A_374 : vector<512x64xf32>
    %get3A_376 = arith.constant 0 : index
    %get3A_377 = arith.constant 0 : index
    %get3A_378 = vector.load %arg8[%get3A_376, %get3A_377] : memref<64x64xf32, #tpu.memory_space<vmem>>, vector<64x64xf32>
    %dot_general3A_379 = arith.constant dense<0.000000e+00> : vector<512x64xf32>
    %dot_general3A_380 = tpu.matmul %max3A_375, %get3A_378, %dot_general3A_379 {dimension_numbers = #tpu.dot_dimension_numbers<[1], [0], [0], [1], [0, 0, 1, 1], [], []>, transpose_lhs_hint = false} : vector<512x64xf32>, vector<64x64xf32>, vector<512x64xf32> -> vector<512x64xf32>
    %get3A_381 = arith.constant 0 : index
    %get3A_382 = arith.constant 0 : index
    %get3A_383 = vector.load %arg9[%get3A_381, %get3A_382] : memref<1x64xf32, #tpu.memory_space<vmem>>, vector<1x64xf32>
    %add3A_384 = vector.broadcast %get3A_383 : vector<1x64xf32> to vector<512x64xf32>
    %add3A_385 = arith.addf %dot_general3A_380, %add3A_384 : vector<512x64xf32>
    %max3A_386 = arith.constant 0.000000e+00 : f32
    %max3A_387 = vector.broadcast %max3A_386 : f32 to vector<512x64xf32>
    %max3A_388 = arith.maximumf %add3A_385, %max3A_387 : vector<512x64xf32>
    %max3A_389 = arith.maximumf %max3A_340, %max3A_388 : vector<512x64xf32>
    %get3A_390 = arith.constant 0 : index
    %get3A_391 = arith.constant 8 : index
    %get3A_392 = arith.constant 0 : index
    %get3A_393 = arith.constant 0 : index
    %get3A_394 = vector.load %arg3[%get3A_390, %get3A_391, %get3A_392, %get3A_393] : memref<1x10x512x128xf32, #tpu.memory_space<vmem>>, vector<1x1x512x128xf32>
    %get3A_395 = vector.shape_cast %get3A_394 : vector<1x1x512x128xf32> to vector<512x128xf32>
    %slice3A_396 = vector.extract_strided_slice %get3A_395 {offsets = [0, 0], sizes = [512, 64], strides = [1, 1]} : vector<512x128xf32> to vector<512x64xf32>
    %sub3A_397 = arith.subf %slice3A_396, %slice3A : vector<512x64xf32>
    %concatenate3A_398 = tpu.concatenate %slice3A, %sub3A_397 in 1 : vector<512x64xf32>, vector<512x64xf32> -> vector<512x128xf32>
    %get3A_399 = arith.constant 0 : index
    %get3A_400 = arith.constant 0 : index
    %get3A_401 = vector.load %arg4[%get3A_399, %get3A_400] : memref<128x128xf32, #tpu.memory_space<vmem>>, vector<128x128xf32>
    %dot_general3A_402 = arith.constant dense<0.000000e+00> : vector<512x128xf32>
    %dot_general3A_403 = tpu.matmul %concatenate3A_398, %get3A_401, %dot_general3A_402 {dimension_numbers = #tpu.dot_dimension_numbers<[1], [0], [0], [1], [0, 0, 1, 1], [], []>, transpose_lhs_hint = false} : vector<512x128xf32>, vector<128x128xf32>, vector<512x128xf32> -> vector<512x128xf32>
    %get3A_404 = arith.constant 0 : index
    %get3A_405 = arith.constant 0 : index
    %get3A_406 = vector.load %arg5[%get3A_404, %get3A_405] : memref<1x128xf32, #tpu.memory_space<vmem>>, vector<1x128xf32>
    %add3A_407 = vector.broadcast %get3A_406 : vector<1x128xf32> to vector<512x128xf32>
    %add3A_408 = arith.addf %dot_general3A_403, %add3A_407 : vector<512x128xf32>
    %max3A_409 = arith.constant 0.000000e+00 : f32
    %max3A_410 = vector.broadcast %max3A_409 : f32 to vector<512x128xf32>
    %max3A_411 = arith.maximumf %add3A_408, %max3A_410 : vector<512x128xf32>
    %get3A_412 = arith.constant 0 : index
    %get3A_413 = arith.constant 0 : index
    %get3A_414 = vector.load %arg6[%get3A_412, %get3A_413] : memref<128x64xf32, #tpu.memory_space<vmem>>, vector<128x64xf32>
    %dot_general3A_415 = arith.constant dense<0.000000e+00> : vector<512x64xf32>
    %dot_general3A_416 = tpu.matmul %max3A_411, %get3A_414, %dot_general3A_415 {dimension_numbers = #tpu.dot_dimension_numbers<[1], [0], [0], [1], [0, 0, 1, 1], [], []>, transpose_lhs_hint = false} : vector<512x128xf32>, vector<128x64xf32>, vector<512x64xf32> -> vector<512x64xf32>
    %get3A_417 = arith.constant 0 : index
    %get3A_418 = arith.constant 0 : index
    %get3A_419 = vector.load %arg7[%get3A_417, %get3A_418] : memref<1x64xf32, #tpu.memory_space<vmem>>, vector<1x64xf32>
    %add3A_420 = vector.broadcast %get3A_419 : vector<1x64xf32> to vector<512x64xf32>
    %add3A_421 = arith.addf %dot_general3A_416, %add3A_420 : vector<512x64xf32>
    %max3A_422 = arith.constant 0.000000e+00 : f32
    %max3A_423 = vector.broadcast %max3A_422 : f32 to vector<512x64xf32>
    %max3A_424 = arith.maximumf %add3A_421, %max3A_423 : vector<512x64xf32>
    %get3A_425 = arith.constant 0 : index
    %get3A_426 = arith.constant 0 : index
    %get3A_427 = vector.load %arg8[%get3A_425, %get3A_426] : memref<64x64xf32, #tpu.memory_space<vmem>>, vector<64x64xf32>
    %dot_general3A_428 = arith.constant dense<0.000000e+00> : vector<512x64xf32>
    %dot_general3A_429 = tpu.matmul %max3A_424, %get3A_427, %dot_general3A_428 {dimension_numbers = #tpu.dot_dimension_numbers<[1], [0], [0], [1], [0, 0, 1, 1], [], []>, transpose_lhs_hint = false} : vector<512x64xf32>, vector<64x64xf32>, vector<512x64xf32> -> vector<512x64xf32>
    %get3A_430 = arith.constant 0 : index
    %get3A_431 = arith.constant 0 : index
    %get3A_432 = vector.load %arg9[%get3A_430, %get3A_431] : memref<1x64xf32, #tpu.memory_space<vmem>>, vector<1x64xf32>
    %add3A_433 = vector.broadcast %get3A_432 : vector<1x64xf32> to vector<512x64xf32>
    %add3A_434 = arith.addf %dot_general3A_429, %add3A_433 : vector<512x64xf32>
    %max3A_435 = arith.constant 0.000000e+00 : f32
    %max3A_436 = vector.broadcast %max3A_435 : f32 to vector<512x64xf32>
    %max3A_437 = arith.maximumf %add3A_434, %max3A_436 : vector<512x64xf32>
    %max3A_438 = arith.maximumf %max3A_389, %max3A_437 : vector<512x64xf32>
    %get3A_439 = arith.constant 0 : index
    %get3A_440 = arith.constant 9 : index
    %get3A_441 = arith.constant 0 : index
    %get3A_442 = arith.constant 0 : index
    %get3A_443 = vector.load %arg3[%get3A_439, %get3A_440, %get3A_441, %get3A_442] : memref<1x10x512x128xf32, #tpu.memory_space<vmem>>, vector<1x1x512x128xf32>
    %get3A_444 = vector.shape_cast %get3A_443 : vector<1x1x512x128xf32> to vector<512x128xf32>
    %slice3A_445 = vector.extract_strided_slice %get3A_444 {offsets = [0, 0], sizes = [512, 64], strides = [1, 1]} : vector<512x128xf32> to vector<512x64xf32>
    %sub3A_446 = arith.subf %slice3A_445, %slice3A : vector<512x64xf32>
    %concatenate3A_447 = tpu.concatenate %slice3A, %sub3A_446 in 1 : vector<512x64xf32>, vector<512x64xf32> -> vector<512x128xf32>
    %get3A_448 = arith.constant 0 : index
    %get3A_449 = arith.constant 0 : index
    %get3A_450 = vector.load %arg4[%get3A_448, %get3A_449] : memref<128x128xf32, #tpu.memory_space<vmem>>, vector<128x128xf32>
    %dot_general3A_451 = arith.constant dense<0.000000e+00> : vector<512x128xf32>
    %dot_general3A_452 = tpu.matmul %concatenate3A_447, %get3A_450, %dot_general3A_451 {dimension_numbers = #tpu.dot_dimension_numbers<[1], [0], [0], [1], [0, 0, 1, 1], [], []>, transpose_lhs_hint = false} : vector<512x128xf32>, vector<128x128xf32>, vector<512x128xf32> -> vector<512x128xf32>
    %get3A_453 = arith.constant 0 : index
    %get3A_454 = arith.constant 0 : index
    %get3A_455 = vector.load %arg5[%get3A_453, %get3A_454] : memref<1x128xf32, #tpu.memory_space<vmem>>, vector<1x128xf32>
    %add3A_456 = vector.broadcast %get3A_455 : vector<1x128xf32> to vector<512x128xf32>
    %add3A_457 = arith.addf %dot_general3A_452, %add3A_456 : vector<512x128xf32>
    %max3A_458 = arith.constant 0.000000e+00 : f32
    %max3A_459 = vector.broadcast %max3A_458 : f32 to vector<512x128xf32>
    %max3A_460 = arith.maximumf %add3A_457, %max3A_459 : vector<512x128xf32>
    %get3A_461 = arith.constant 0 : index
    %get3A_462 = arith.constant 0 : index
    %get3A_463 = vector.load %arg6[%get3A_461, %get3A_462] : memref<128x64xf32, #tpu.memory_space<vmem>>, vector<128x64xf32>
    %dot_general3A_464 = arith.constant dense<0.000000e+00> : vector<512x64xf32>
    %dot_general3A_465 = tpu.matmul %max3A_460, %get3A_463, %dot_general3A_464 {dimension_numbers = #tpu.dot_dimension_numbers<[1], [0], [0], [1], [0, 0, 1, 1], [], []>, transpose_lhs_hint = false} : vector<512x128xf32>, vector<128x64xf32>, vector<512x64xf32> -> vector<512x64xf32>
    %get3A_466 = arith.constant 0 : index
    %get3A_467 = arith.constant 0 : index
    %get3A_468 = vector.load %arg7[%get3A_466, %get3A_467] : memref<1x64xf32, #tpu.memory_space<vmem>>, vector<1x64xf32>
    %add3A_469 = vector.broadcast %get3A_468 : vector<1x64xf32> to vector<512x64xf32>
    %add3A_470 = arith.addf %dot_general3A_465, %add3A_469 : vector<512x64xf32>
    %max3A_471 = arith.constant 0.000000e+00 : f32
    %max3A_472 = vector.broadcast %max3A_471 : f32 to vector<512x64xf32>
    %max3A_473 = arith.maximumf %add3A_470, %max3A_472 : vector<512x64xf32>
    %get3A_474 = arith.constant 0 : index
    %get3A_475 = arith.constant 0 : index
    %get3A_476 = vector.load %arg8[%get3A_474, %get3A_475] : memref<64x64xf32, #tpu.memory_space<vmem>>, vector<64x64xf32>
    %dot_general3A_477 = arith.constant dense<0.000000e+00> : vector<512x64xf32>
    %dot_general3A_478 = tpu.matmul %max3A_473, %get3A_476, %dot_general3A_477 {dimension_numbers = #tpu.dot_dimension_numbers<[1], [0], [0], [1], [0, 0, 1, 1], [], []>, transpose_lhs_hint = false} : vector<512x64xf32>, vector<64x64xf32>, vector<512x64xf32> -> vector<512x64xf32>
    %get3A_479 = arith.constant 0 : index
    %get3A_480 = arith.constant 0 : index
    %get3A_481 = vector.load %arg9[%get3A_479, %get3A_480] : memref<1x64xf32, #tpu.memory_space<vmem>>, vector<1x64xf32>
    %add3A_482 = vector.broadcast %get3A_481 : vector<1x64xf32> to vector<512x64xf32>
    %add3A_483 = arith.addf %dot_general3A_478, %add3A_482 : vector<512x64xf32>
    %max3A_484 = arith.constant 0.000000e+00 : f32
    %max3A_485 = vector.broadcast %max3A_484 : f32 to vector<512x64xf32>
    %max3A_486 = arith.maximumf %add3A_483, %max3A_485 : vector<512x64xf32>
    %max3A_487 = arith.maximumf %max3A_438, %max3A_486 : vector<512x64xf32>
    %broadcast_in_dim3A = arith.constant 0.000000e+00 : f32
    %broadcast_in_dim3A_488 = vector.broadcast %broadcast_in_dim3A : f32 to vector<512x64xf32>
    %concatenate3A_489 = tpu.concatenate %max3A_487, %broadcast_in_dim3A_488 in 1 : vector<512x64xf32>, vector<512x64xf32> -> vector<512x128xf32>
    %swap3A = arith.constant 0 : index
    %swap3A_490 = arith.constant 0 : index
    %swap3A_491 = arith.constant 0 : index
    %swap3A_492 = vector.load %arg10[%swap3A, %swap3A_490, %swap3A_491] : memref<1x512x128xf32, #tpu.memory_space<vmem>>, vector<1x512x128xf32>
    %swap3A_493 = vector.shape_cast %swap3A_492 : vector<1x512x128xf32> to vector<512x128xf32>
    %swap3A_494 = vector.shape_cast %concatenate3A_489 : vector<512x128xf32> to vector<1x512x128xf32>
    tpu.vector_store %arg10[%swap3A, %swap3A_490, %swap3A_491], %swap3A_494 {strides = array<i32>} : memref<1x512x128xf32, #tpu.memory_space<vmem>>, vector<1x512x128xf32>,
    return
  }
  func.func @transform_0(%arg0: i32, %arg1: i32) -> (i32, i32, i32) {
    %c0_i32 = arith.constant 0 : i32
    %c0_i32_0 = arith.constant 0 : i32
    return %arg0, %arg1, %c0_i32 : i32, i32, i32
  }
  func.func @transform_1(%arg0: i32, %arg1: i32) -> (i32, i32, i32, i32) {
    %c0_i32 = arith.constant 0 : i32
    %c0_i32_0 = arith.constant 0 : i32
    %c0_i32_1 = arith.constant 0 : i32
    return %arg0, %c0_i32, %arg1, %c0_i32_0 : i32, i32, i32, i32
  }
  func.func @transform_2(%arg0: i32, %arg1: i32) -> (i32, i32) {
    %c0_i32 = arith.constant 0 : i32
    %c0_i32_0 = arith.constant 0 : i32
    %c0_i32_1 = arith.constant 0 : i32
    return %c0_i32, %c0_i32_0 : i32, i32
  }
  func.func @transform_3(%arg0: i32, %arg1: i32) -> (i32, i32) {
    %c0_i32 = arith.constant 0 : i32
    %c0_i32_0 = arith.constant 0 : i32
    %c0_i32_1 = arith.constant 0 : i32
    return %c0_i32, %c0_i32_0 : i32, i32
  }
  func.func @transform_4(%arg0: i32, %arg1: i32) -> (i32, i32) {
    %c0_i32 = arith.constant 0 : i32
    %c0_i32_0 = arith.constant 0 : i32
    %c0_i32_1 = arith.constant 0 : i32
    return %c0_i32, %c0_i32_0 : i32, i32
  }
  func.func @transform_5(%arg0: i32, %arg1: i32) -> (i32, i32) {
    %c0_i32 = arith.constant 0 : i32
    %c0_i32_0 = arith.constant 0 : i32
    %c0_i32_1 = arith.constant 0 : i32
    return %c0_i32, %c0_i32_0 : i32, i32
  }
  func.func @transform_6(%arg0: i32, %arg1: i32) -> (i32, i32) {
    %c0_i32 = arith.constant 0 : i32
    %c0_i32_0 = arith.constant 0 : i32
    %c0_i32_1 = arith.constant 0 : i32
    return %c0_i32, %c0_i32_0 : i32, i32
  }
  func.func @transform_7(%arg0: i32, %arg1: i32) -> (i32, i32) {
    %c0_i32 = arith.constant 0 : i32
    %c0_i32_0 = arith.constant 0 : i32
    %c0_i32_1 = arith.constant 0 : i32
    return %c0_i32, %c0_i32_0 : i32, i32
  }
  func.func @transform_8(%arg0: i32, %arg1: i32) -> (i32, i32, i32) {
    %c0_i32 = arith.constant 0 : i32
    %c0_i32_0 = arith.constant 0 : i32
    return %arg0, %arg1, %c0_i32 : i32, i32, i32
  }
}

module attributes {stable_mosaic.version = 14 : i64} {
  func.func @_final_body(%arg0: i32, %arg1: i32, %arg2: memref<1x512x128xf32, #tpu.memory_space<vmem>>, %arg3: memref<1x512x128xf32, #tpu.memory_space<vmem>>, %arg4: memref<1x512x128xf32, #tpu.memory_space<vmem>>, %arg5: memref<192x192xf32, #tpu.memory_space<vmem>>, %arg6: memref<1x192xf32, #tpu.memory_space<vmem>>, %arg7: memref<192x192xf32, #tpu.memory_space<vmem>>, %arg8: memref<1x192xf32, #tpu.memory_space<vmem>>, %arg9: memref<1x512x192xf32, #tpu.memory_space<vmem>>) attributes {dimension_semantics = [#tpu.dimension_semantics<arbitrary>, #tpu.dimension_semantics<arbitrary>], iteration_bounds = array<i64: 2, 8>, scalar_prefetch = 0 : i64, scratch_operands = 0 : i64, tpu.core_type = #tpu.core_type<tc>, window_params = [{transform_indices = @transform_0, window_bounds = array<i64: 1, 512, 128>}, {transform_indices = @transform_1, window_bounds = array<i64: 1, 512, 128>}, {transform_indices = @transform_2, window_bounds = array<i64: 1, 512, 128>}, {pipeline_mode = #tpu.pipeline_mode<synchronous>, transform_indices = @transform_3, window_bounds = array<i64: 192, 192>}, {pipeline_mode = #tpu.pipeline_mode<synchronous>, transform_indices = @transform_4, window_bounds = array<i64: 1, 192>}, {pipeline_mode = #tpu.pipeline_mode<synchronous>, transform_indices = @transform_5, window_bounds = array<i64: 192, 192>}, {pipeline_mode = #tpu.pipeline_mode<synchronous>, transform_indices = @transform_6, window_bounds = array<i64: 1, 192>}, {transform_indices = @transform_7, window_bounds = array<i64: 1, 512, 192>}]} {
    %get3A = arith.constant 0 : index
    %get3A_0 = arith.constant 0 : index
    %get3A_1 = arith.constant 0 : index
    %get3A_2 = vector.load %arg2[%get3A, %get3A_0, %get3A_1] : memref<1x512x128xf32, #tpu.memory_space<vmem>>, vector<1x512x128xf32>
    %get3A_3 = vector.shape_cast %get3A_2 : vector<1x512x128xf32> to vector<512x128xf32>
    %slice3A = vector.extract_strided_slice %get3A_3 {offsets = [0, 0], sizes = [512, 64], strides = [1, 1]} : vector<512x128xf32> to vector<512x64xf32>
    %get3A_4 = arith.constant 0 : index
    %get3A_5 = arith.constant 0 : index
    %get3A_6 = arith.constant 0 : index
    %get3A_7 = vector.load %arg3[%get3A_4, %get3A_5, %get3A_6] : memref<1x512x128xf32, #tpu.memory_space<vmem>>, vector<1x512x128xf32>
    %get3A_8 = vector.shape_cast %get3A_7 : vector<1x512x128xf32> to vector<512x128xf32>
    %slice3A_9 = vector.extract_strided_slice %get3A_8 {offsets = [0, 0], sizes = [512, 64], strides = [1, 1]} : vector<512x128xf32> to vector<512x64xf32>
    %get3A_10 = arith.constant 0 : index
    %get3A_11 = arith.constant 0 : index
    %get3A_12 = arith.constant 0 : index
    %get3A_13 = vector.load %arg4[%get3A_10, %get3A_11, %get3A_12] : memref<1x512x128xf32, #tpu.memory_space<vmem>>, vector<1x512x128xf32>
    %get3A_14 = vector.shape_cast %get3A_13 : vector<1x512x128xf32> to vector<512x128xf32>
    %slice3A_15 = vector.extract_strided_slice %get3A_14 {offsets = [0, 0], sizes = [512, 64], strides = [1, 1]} : vector<512x128xf32> to vector<512x64xf32>
    %concatenate3A = tpu.concatenate %slice3A, %slice3A_9, %slice3A_15 in 1 : vector<512x64xf32>, vector<512x64xf32>, vector<512x64xf32> -> vector<512x192xf32>
    %get3A_16 = arith.constant 0 : index
    %get3A_17 = arith.constant 0 : index
    %get3A_18 = vector.load %arg5[%get3A_16, %get3A_17] : memref<192x192xf32, #tpu.memory_space<vmem>>, vector<192x192xf32>
    %dot_general3A = arith.constant dense<0.000000e+00> : vector<512x192xf32>
    %dot_general3A_19 = tpu.matmul %concatenate3A, %get3A_18, %dot_general3A {dimension_numbers = #tpu.dot_dimension_numbers<[1], [0], [0], [1], [0, 0, 1, 1], [], []>, transpose_lhs_hint = false} : vector<512x192xf32>, vector<192x192xf32>, vector<512x192xf32> -> vector<512x192xf32>
    %get3A_20 = arith.constant 0 : index
    %get3A_21 = arith.constant 0 : index
    %get3A_22 = vector.load %arg6[%get3A_20, %get3A_21] : memref<1x192xf32, #tpu.memory_space<vmem>>, vector<1x192xf32>
    %add3A = vector.broadcast %get3A_22 : vector<1x192xf32> to vector<512x192xf32>
    %add3A_23 = arith.addf %dot_general3A_19, %add3A : vector<512x192xf32>
    %max3A = arith.constant 0.000000e+00 : f32
    %max3A_24 = vector.broadcast %max3A : f32 to vector<512x192xf32>
    %max3A_25 = arith.maximumf %add3A_23, %max3A_24 : vector<512x192xf32>
    %get3A_26 = arith.constant 0 : index
    %get3A_27 = arith.constant 0 : index
    %get3A_28 = vector.load %arg7[%get3A_26, %get3A_27] : memref<192x192xf32, #tpu.memory_space<vmem>>, vector<192x192xf32>
    %dot_general3A_29 = arith.constant dense<0.000000e+00> : vector<512x192xf32>
    %dot_general3A_30 = tpu.matmul %max3A_25, %get3A_28, %dot_general3A_29 {dimension_numbers = #tpu.dot_dimension_numbers<[1], [0], [0], [1], [0, 0, 1, 1], [], []>, transpose_lhs_hint = false} : vector<512x192xf32>, vector<192x192xf32>, vector<512x192xf32> -> vector<512x192xf32>
    %get3A_31 = arith.constant 0 : index
    %get3A_32 = arith.constant 0 : index
    %get3A_33 = vector.load %arg8[%get3A_31, %get3A_32] : memref<1x192xf32, #tpu.memory_space<vmem>>, vector<1x192xf32>
    %add3A_34 = vector.broadcast %get3A_33 : vector<1x192xf32> to vector<512x192xf32>
    %add3A_35 = arith.addf %dot_general3A_30, %add3A_34 : vector<512x192xf32>
    %max3A_36 = arith.constant 0.000000e+00 : f32
    %max3A_37 = vector.broadcast %max3A_36 : f32 to vector<512x192xf32>
    %max3A_38 = arith.maximumf %add3A_35, %max3A_37 : vector<512x192xf32>
    %swap3A = arith.constant 0 : index
    %swap3A_39 = arith.constant 0 : index
    %swap3A_40 = arith.constant 0 : index
    %swap3A_41 = vector.load %arg9[%swap3A, %swap3A_39, %swap3A_40] : memref<1x512x192xf32, #tpu.memory_space<vmem>>, vector<1x512x192xf32>
    %swap3A_42 = vector.shape_cast %swap3A_41 : vector<1x512x192xf32> to vector<512x192xf32>
    %swap3A_43 = vector.shape_cast %max3A_38 : vector<512x192xf32> to vector<1x512x192xf32>
    tpu.vector_store %arg9[%swap3A, %swap3A_39, %swap3A_40], %swap3A_43 {strides = array<i32>} : memref<1x512x192xf32, #tpu.memory_space<vmem>>, vector<1x512x192xf32>,
    return
  }
  func.func @transform_0(%arg0: i32, %arg1: i32) -> (i32, i32, i32) {
    %c0_i32 = arith.constant 0 : i32
    %c0_i32_0 = arith.constant 0 : i32
    return %arg0, %arg1, %c0_i32 : i32, i32, i32
  }
  func.func @transform_1(%arg0: i32, %arg1: i32) -> (i32, i32, i32) {
    %c0_i32 = arith.constant 0 : i32
    %c0_i32_0 = arith.constant 0 : i32
    return %arg0, %arg1, %c0_i32 : i32, i32, i32
  }
  func.func @transform_2(%arg0: i32, %arg1: i32) -> (i32, i32, i32) {
    %c0_i32 = arith.constant 0 : i32
    %c0_i32_0 = arith.constant 0 : i32
    return %arg0, %arg1, %c0_i32 : i32, i32, i32
  }
  func.func @transform_3(%arg0: i32, %arg1: i32) -> (i32, i32) {
    %c0_i32 = arith.constant 0 : i32
    %c0_i32_0 = arith.constant 0 : i32
    %c0_i32_1 = arith.constant 0 : i32
    return %c0_i32, %c0_i32_0 : i32, i32
  }
  func.func @transform_4(%arg0: i32, %arg1: i32) -> (i32, i32) {
    %c0_i32 = arith.constant 0 : i32
    %c0_i32_0 = arith.constant 0 : i32
    %c0_i32_1 = arith.constant 0 : i32
    return %c0_i32, %c0_i32_0 : i32, i32
  }
  func.func @transform_5(%arg0: i32, %arg1: i32) -> (i32, i32) {
    %c0_i32 = arith.constant 0 : i32
    %c0_i32_0 = arith.constant 0 : i32
    %c0_i32_1 = arith.constant 0 : i32
    return %c0_i32, %c0_i32_0 : i32, i32
  }
  func.func @transform_6(%arg0: i32, %arg1: i32) -> (i32, i32) {
    %c0_i32 = arith.constant 0 : i32
    %c0_i32_0 = arith.constant 0 : i32
    %c0_i32_1 = arith.constant 0 : i32
    return %c0_i32, %c0_i32_0 : i32, i32
  }
  func.func @transform_7(%arg0: i32, %arg1: i32) -> (i32, i32, i32) {
    %c0_i32 = arith.constant 0 : i32
    %c0_i32_0 = arith.constant 0 : i32
    return %arg0, %arg1, %c0_i32 : i32, i32, i32
  }
}

</mosaic_0001>

<sc_bundles>
// kernel: kernel.16.cloned.1.call-start
scs
__scs_entry_jumppad:
0x0: {  	(pc) =	sbr.rel $0x88, $3  }
0x1: {  	(tag) =	ssettag $0x0;
	lr =	simm.s32 $0x1  }
0x2: {  	[smem:$0x3F7E] =	sst lr;
	_ =	strace $0xD0000000  }
0x3: {  	_ = 	snop  }
0x4: {  	_ = 	snop  }
0x5: {  	_ = 	snop  }
0x6: {  	_ = 	snop  }
0x7: {  	_ = 	snop  }
__scs_overlays_trampoline_lowered:
0x8: {  	[smem:$0x3F8D] =	sst s0  }
0x9: {  	[smem:$0x3F8E] =	sst s1  }
0xa: {  	[smem:$0x3F8F] =	sst s2  }
0xb: {  	[smem:$0x3F90] =	sst s3  }
0xc: {  	[smem:$0x3F91] =	sst s4  }
0xd: {  	[smem:$0x3F92] =	sst s5  }
0xe: {  	[smem:$0x3F93] =	sst s6  }
0xf: {  	[smem:$0x3F94] =	sst s7  }
0x10: {  	[smem:$0x3F95] =	sst s8  }
0x11: {  	[smem:$0x3F96] =	sst s9;
	s0 =	simm.s32 @!p0 $0x0  }
0x12: {  	s1 =	sld [smem:$0x3F7C];
	s0 =	simm.s32 @p0 $0x1  }
0x13: {  	[smem:$0x3F97] =	sst s0;
	s0 =	simm.s32 @!p1 $0x0  }
0x14: {  	s2 =	sld [smem:$0x3F7B];
	s0 =	simm.s32 @p1 $0x1  }
0x15: {  	[smem:$0x3F98] =	sst s0;
	s0 =	simm.s32 @!p2 $0x0  }
0x16: {  	s3 =	sld [smem:$0x3FDB];
	s0 =	simm.s32 @p2 $0x1  }
0x17: {  	s4 =	simm.s32 $0x1BF5;
	[smem:$0x3F9A] =	sst s0  }
0x18: {  	s0 =	sld [smem:$0x3F7D];
	_ =	swait.ge [sflag:s4], $0x0  }
0x19: {  	s7 =	sld [smem:$0x3F7E]  }
0x1a: {  	s8 =	sadd.s32 $0xFFFFE003, lr  }
0x1b: {  	s9 =	sadd.s32 $0xFFFFFEF7, lr;
	s5 =	simm.s32 $0xFFFFFFFF;
	p2 =	slt.u32 s8, $0xFFFFF086  }
0x1c: {  	p1 =	slt.u32 s9, $0xF7A;
	s5 =	simm.s32 @!p2 $0x0  }
0x1d: {  	s5 =	simm.s32 @p1 $0x1;
	p0 =	seq.s32 s7, s2  }
0x1e: {  	s7 =	smul.u32 @!p0 $0xF7A, s2;
	p2 =	seq.s32 @!p0 s5, $0x0  }
0x1f: {  	s9 =	smul.u32 $0xF7A, s1;
	s8 =	simm.s32 @!p0 $0x1BF5;
	p2 =	por !p2, p0  }
0x20: {  	[sflag:s8] =	ssyncset.s32 @!p0 $0xFFFFF086;
	s6 =	sadd.s32 @!p0 s3, s7;
	s7 =	simm.s32 @!p0 $0x108  }
0x21: {  	s3 =	sadd.s32 s3, s9;
	s6 =	sadd.s32 @!p0 $0x88, s6;
	s7 =	simm.s32 @p2 $0x1082  }
0x22: {  	[simem:s7], [sflag:s8] =	dma.local @!p0 [hbm:s6], $0xF7A  }
0x23: {  	s9 =	sor.u32 $0xD0000000, s2;
	s6 =	simm.s32 $0x108;
	_ =	swait.ge @!p0 [sflag:s8], $0x0  }
0x24: {  	s3 =	sadd.s32 $0x88, s3;
	s6 =	simm.s32 @!p1 $0x1082;
	[sflag:s4] =	ssyncset.s32 $0xFFFFF086  }
0x25: {  	[simem:s6], [sflag:s4] =	dma.local [hbm:s3], $0xF7A  }
0x26: {  	[smem:$0x3F7E] =	sst s1;
	(tag) =	ssettag s2;
	_ =	strace s9  }
0x27: {  	s1 =	sld [smem:$0x3F8E]  }
0x28: {  	s2 =	sld [smem:$0x3F8F]  }
0x29: {  	s4 =	sld [smem:$0x3F91]  }
0x2a: {  	p0 =	seq.s32 s5, $0x0;
	s5 =	sld [smem:$0x3F92]  }
0x2b: {  	s6 =	sld [smem:$0x3F93]  }
0x2c: {  	s7 =	sld [smem:$0x3F94]  }
0x2d: {  	s3 =	simm.s32 $0x108;
	s8 =	sld [smem:$0x3F95]  }
0x2e: {  	s3 =	simm.s32 @!p0 $0x1082;
	s9 =	sld [smem:$0x3F96]  }
0x2f: {  	lr =	sadd.s32 s0, s3;
	s0 =	sld [smem:$0x3F8D]  }
0x30: {  	s3 =	sld [smem:$0x3F90]  }
0x31: {  	[smem:$0x3F99] =	sst s10  }
0x32: {  	s10 =	sld [smem:$0x3F97];
	_ =	sdelay $0x3  }
0x33: {  	p0 =	seq.s32 s10, $0x1;
	s10 =	sld [smem:$0x3F99];
	_ =	sdelay $0x3  }
0x34: {  	[smem:$0x3F99] =	sst s10  }
0x35: {  	s10 =	sld [smem:$0x3F98];
	_ =	sdelay $0x3  }
0x36: {  	p1 =	seq.s32 s10, $0x1;
	s10 =	sld [smem:$0x3F99];
	_ =	sdelay $0x3  }
0x37: {  	[smem:$0x3F99] =	sst s10  }
0x38: {  	s10 =	sld [smem:$0x3F9A]  }
0x39: {  	_ = 	snop;
	(pc) =	sbr.ind lr, $3  }
0x3a: {  	_ = 	snop  }
0x3b: {  	_ = 	snop  }
0x3c: {  	p2 =	seq.s32 s10, $0x1;
	s10 =	sld [smem:$0x3F99]  }
0x3d: {  	_ =	shalt  }
0x3e: {  	_ =	shalt  }
0x3f: {  	_ =	shalt  }
0x40: {  	_ =	shalt  }
0x41: {  	_ =	shalt  }
0x42: {  	_ =	shalt  }
0x43: {  	_ =	shalt  }
0x44: {  	_ =	shalt  }
0x45: {  	_ =	shalt  }
0x46: {  	_ =	shalt  }
0x47: {  	_ =	shalt  }
0x48: {  	_ =	shalt  }
0x49: {  	_ =	shalt  }
0x4a: {  	_ =	shalt  }
0x4b: {  	_ =	shalt  }
0x4c: {  	_ =	shalt  }
0x4d: {  	_ =	shalt  }
0x4e: {  	_ =	shalt  }
0x4f: {  	_ =	shalt  }
0x50: {  	_ =	shalt  }
0x51: {  	_ =	shalt  }
0x52: {  	_ =	shalt  }
0x53: {  	_ =	shalt  }
0x54: {  	_ =	shalt  }
0x55: {  	_ =	shalt  }
0x56: {  	_ =	shalt  }
0x57: {  	_ =	shalt  }
0x58: {  	_ =	shalt  }
0x59: {  	_ =	shalt  }
0x5a: {  	_ =	shalt  }
0x5b: {  	_ =	shalt  }
0x5c: {  	_ =	shalt  }
0x5d: {  	_ =	shalt  }
0x5e: {  	_ =	shalt  }
0x5f: {  	_ =	shalt  }
0x60: {  	_ =	shalt  }
0x61: {  	_ =	shalt  }
0x62: {  	_ =	shalt  }
0x63: {  	_ =	shalt  }
0x64: {  	_ =	shalt  }
0x65: {  	_ =	shalt  }
0x66: {  	_ =	shalt  }
0x67: {  	_ =	shalt  }
0x68: {  	_ =	shalt  }
0x69: {  	_ =	shalt  }
0x6a: {  	_ =	shalt  }
0x6b: {  	_ =	shalt  }
0x6c: {  	_ =	shalt  }
0x6d: {  	_ =	shalt  }
0x6e: {  	_ =	shalt  }
0x6f: {  	_ =	shalt  }
0x70: {  	_ =	shalt  }
0x71: {  	_ =	shalt  }
0x72: {  	_ =	shalt  }
0x73: {  	_ =	shalt  }
0x74: {  	_ =	shalt  }
0x75: {  	_ =	shalt  }
0x76: {  	_ =	shalt  }
0x77: {  	_ =	shalt  }
0x78: {  	_ =	shalt  }
0x79: {  	_ =	shalt  }
0x7a: {  	_ =	shalt  }
0x7b: {  	_ =	shalt  }
0x7c: {  	_ =	shalt  }
0x7d: {  	_ =	shalt  }
0x7e: {  	_ =	shalt  }
0x7f: {  	_ =	shalt  }
0x80: {  	_ =	shalt  }
0x81: {  	_ =	shalt  }
0x82: {  	_ =	shalt  }
0x83: {  	_ =	shalt  }
0x84: {  	_ =	shalt  }
0x85: {  	_ =	shalt  }
0x86: {  	_ =	shalt  }
0x87: {  	_ =	shalt  }
.Lfunc_end0:
.L_simem_size_0:
called_computation_lowered:
.L_overlay_start_0:
0x88: {  	s2 =	sld [smem:$0x3FD9]  }
0x89: {  	s3 =	sld [smem:$0x3FFE];
	_ =	sdelay $0x1  }
0x8a: {  	s1 =	srdreg.scid  }
0x8b: {  	s0 =	sand.u32 $0x1, s1  }
0x8c: {  	s17 =	sshll.u32 s0, $0xA;
	s2 =	sadd.s32 s3, s2  }
0x8d: {  	s2 =	sadd.s32 s2, s17  }
0x8e: {  	[smem:$0x3FA5] =	sst s2  }
0x8f: {  	_ = 	snop  }
0x90: {  	s2 =	sld [smem:$0x3FD0];
	(tm) =	ssettm $0x1  }
0x91: {  	s18 =	sld [smem:$0x3FFB];
	_ =	sdelay $0x3  }
0x92: {  	_ =	strace s18  }
0x93: {  	s3 =	sld [smem:$0x3FFC];
	_ =	sdelay $0x3  }
0x94: {  	_ =	strace s3  }
0x95: {  	s3 =	sld [smem:$0x3FFD];
	_ =	sdelay $0x3  }
0x96: {  	_ =	strace s3  }
0x97: {  	_ =	strace $0x8FFFFFFF  }
0x98: {  	s19 =	sld [smem:$0x3FDB];
	_ =	sdelay $0x1  }
0x99: {  	s4 =	simm.s32 $_scs_section_size  }
0x9a: {  	s5 =	simm.s32 $_size__tile_overlayer_lowered;
	s6 =	simm.s32 $_tile_overlayer_lowered  }
0x9b: {  	s22 =	simm.s32 $0x1BFF;
	s21 =	sshll.u32 s6, $0x1;
	s3 =	sadd.s32 s4, s19  }
0x9c: {  	s7 =	simm.s32 $0x0;
	s20 =	sshll.u32 s5, $0x1;
	s5 =	sadd.s32 s21, s3  }
0x9d: {  	[timem:s7], [sflag:s22] =	dma.local [hbm:s5], s20  }
0x9e: {  	_ =	swait.ge [sflag:s22], s20  }
0x9f: {  	s4 =	ssub.s32 $0x0, s20;
	[sflag:s22] =	ssyncset.done $0x0  }
0xa0: {  	[sflag:s22] =	ssyncadd.s32 s4;
	_ =	sdelay $0x1  }
0xa1: {  	s23 =	simm.s32 $0x1B8B  }
0xa2: {  	_ =	swait.ge [sflag:s23], $0x1  }
0xa3: {  	[sflag:s23] =	ssyncset.done $0x0  }
0xa4: {  	s25 =	simm.s32 $0x1B8E;
	s24 =	sld [smem:$0x3FFE];
	[sflag:s23] =	ssyncadd.s32 $0xFFFFFFFF  }
0xa5: {  	s26 =	simm.s32 $execute0_lowered;
	[smem:$0x3FD2] =	sst s25  }
0xa6: {  	s5 =	sshll.u32 s26, $0x1;
	_ =	strace $0x80000046;
	[dreg:$0x1] =	wrdreg $0xFFFFFFFF  }
0xa7: {  	s28 =	simm.s32 $_size_execute0_lowered;
	s3 =	sadd.s32 s3, s5;
	[dreg:$0x0] =	wrdreg $0x0  }
0xa8: {  	s5 =	sshll.u32 s28, $0x1;
	[dreg:$0x2] =	wrdreg s3  }
0xa9: {  	[dreg:$0x3] =	wrdreg s5  }
0xaa: {  	[dreg:$0x4] =	wrdreg $0xC0  }
0xab: {  	_ =	task [dreg:s7], $0x5FFFF  }
0xac: {  	[dreg:$0x1] =	wrdreg $0xFFFFFFFF  }
0xad: {  	[dreg:$0x0] =	wrdreg $0x60  }
0xae: {  	[dreg:$0x2] =	wrdreg s2  }
0xaf: {  	[dreg:$0x3] =	wrdreg s24  }
0xb0: {  	[dreg:$0x4] =	wrdreg $0x0  }
0xb1: {  	[dreg:$0x5] =	wrdreg $0x9  }
0xb2: {  	_ =	task.clear_ibuf [dreg:s7], $0x6FFFF;
	_ =	strace $0x90000046  }
0xb3: {  	s29 =	simm.s32 $0x9;
	_ =	strace $0x80000048  }
0xb4: {  	_ =	swait.ge [sflag:s29], $0x1  }
0xb5: {  	[sflag:s29] =	ssyncadd.s32 $0xFFFFFFFF  }
0xb6: {  	_ =	strace $0x90000048  }
0xb7: {  	_ =	sfence  }
0xb8: {  	s30 =	sld [smem:$0x0];
	_ =	sdelay $0x2  }
0xb9: {  	s31 =	sshll.u32 s1, $0xD;
	s1 =	sshrl.u32 s1, $0x2  }
0xba: {  	s3 =	sand.u32 $0x4000, s31;
	s1 =	sadd.s32 s1, s30  }
0xbb: {  	s0 =	sor.u32 s3, s0;
	s1 =	sshll.u32 s1, $0x11  }
0xbc: {  	s0 =	sor.u32 s1, s0  }
0xbd: {  	s0 =	sadd.s32 $0x8F2B, s0  }
0xbe: {  	[sflag:s0] =	ssyncadd.remote.s32 $0x1  }
0xbf: {  	_ =	sfence.sel $0xFFFF  }
0xc0: {  	[dreg:$0x0] =	wrdreg $0xFFFFFFFF;
	(pc) =	sbr.abs _section_cstart, $3  }
0xc1: {  	[dreg:$0x1] =	wrdreg $0xFFFFFFFF  }
0xc2: {  	_ =	task.clear_ibuf [dreg:s7], $0x2FFFF;
	_ =	strace $0x9FFFFFFF  }
0xc3: {  	(tm) =	ssettm $0x7FFFFFFF  }
tec
execute0_lowered:
.L_overlay_start_1:
0x0: {  	(tag) =	ssettag $0x1  }
0x1: {  	s0 =	rddreg [dreg:$0x0]  }
0x2: {  	s4 =	rddreg [dreg:$0x1];
	s1 =	srdreg.scid  }
0x3: {  	s8 =	stileid.u32;
	s2 =	rddreg [dreg:$0x2];
	s3 =	simm.s32 $0x0  }
0x4: {  	s15 =	simm.s32 $0x1;
	s16 =	simm.s32 $0x14C00;
	s17 =	simm.s32 $0x2  }
0x5: {  	s18 =	simm.s32 $0x10980;
	s19 =	simm.s32 $0x0;
	s26 =	smul.u32 $0xA0000, s8  }
0x6: {  	s7 =	sand.u32 $0x1, s1;
	s1 =	rddreg [dreg:$0x3];
	s30 =	smul.u32 $0x14000, s8  }
0x7: {  	s5 =	sshll.u32 s8, $0x1;
	[smem:$0x7FF] =	sst s3;
	s29 =	smul.u32 $0x50000, s7  }
0x8: {  	s13 =	sadd.s32 $0x7C00, s4;
	s5 =	sor.u32 s7, s5;
	s14 =	smul.u32 $0xA000, s7  }
0x9: {  	p0 =	sne.s32 s8, $0x0;
	s9 =	ssub.s32 $0x2, s7;
	s6 =	smul.u32 $0x180, s5  }
0xa: {  	_ =	strace $0x80000047;
	s10 =	smul.u32 $0x50000, s5;
	s11 =	sshrl.u32 s9, $0x1  }
0xb: {  	s12 =	smul.u32 $0xA000, s5;
	s31 =	sadd.s32 s30, s13;
	s25 =	ssub.s32 s9, s11  }
0xc: {  	s9 =	sadd.s32 s29, s26;
	s11 =	simm.s32 $0x10000;
	s6 =	sadd.s32 s6, s4  }
0xd: {  	s28 =	sshrl.u32 s10, $0x3;
	s5 =	smax.u32 s25, $0x1;
	s12 =	sadd.s32 s13, s12  }
0xe: {  	s9 =	sshrl.u32 s9, $0x3;
	s10 =	sadd.s32 s14, s31;
	s14 =	simm.s32 $0x10C00  }
0xf: {  	s4 =	sadd.s32 $0x4C00, s6;
	s6 =	sadd.s32 s13, s28;
	s7 =	sadd.s32 $0x9800, s12  }
0x10: {  	s8 =	sadd.s32 s9, s13;
	s9 =	sadd.s32 $0x800, s10;
	s10 =	sshrl.u32 @!p0 s2, $0x3  }
0x11: {  	s12 =	simm.s32 $0x3;
	s13 =	simm.s32 $0x80;
	s6 =	sadd.s32 $0x9000, s6  }
.LBB2_1:
0x12: {  	s20 =	simm.s32 @!p0 $0x1C03  }
0x13: {  	[spmem:s10], [sflag:s20] =	dma.local @!p0 [hbm:s0], $0x20000  }
0x14: {  	s20 =	simm.s32 @!p0 $0x3  }
0x15: {  	_ =	swait.ge @!p0 [sflag:s20], $0x20000  }
0x16: {  	[sflag:s20] =	ssyncset.done @!p0 $0x0  }
0x17: {  	[sflag:s20] =	ssyncadd.s32 @!p0 $0xFFFE0000  }
0x18: {  	[tilespmem:s11], [sflag:$0x3] =	stream.linear.gather [hbm4b:s4+s3], $0xA00, $0x38;
	[tilespmem:$0x18C00] =	vst v63  }
0x19: {  	_ =	swait.ge [sflag:s12], $0xA00  }
0x1a: {  	[sflag:s12] =	ssyncset.done $0x0  }
0x1b: {  	[sflag:s12] =	ssyncadd.s32 $0xFFFFF600  }
0x1c: {  	[bflag:$0x0] =	sbarrier.arrive $0xFFFF  }
0x1d: {  	[tilespmem:s14], [sflag:$0x1] =	stream.indirect.gather [spmem:s2], $0x80, s11, s13, $0xb8;
	[tilespmem:$0x18C00] =	vst v63  }
0x1e: {  	_ =	swait.ge [sflag:s15], $0x4000  }
0x1f: {  	[sflag:s15] =	ssyncset.done $0x0  }
0x20: {  	s20 =	simm.s32 $0x10080;
	[sflag:s15] =	ssyncadd.s32 $0xFFFFC000  }
0x21: {  	[tilespmem:s16], [sflag:$0x2] =	stream.indirect.gather [spmem:s2], $0x80, s20, s13, $0xb8;
	[tilespmem:$0x18C00] =	vst v63  }
0x22: {  	s21 =	sadd.s32 $0x0, s8  }
0x23: {  	[hbm4b:s21+s3] =	stream.linear.scatter [tilespmem:s14], [sflag:$0x3], $0x4000, $0x38;
	[tilespmem:$0x18C00] =	vst v63  }
0x24: {  	_ =	swait.ge [sflag:s12], $0x4000  }
0x25: {  	[sflag:s12] =	ssyncset.done $0x0  }
0x26: {  	[sflag:s12] =	ssyncadd.s32 $0xFFFFC000  }
0x27: {  	_ =	swait.ge [sflag:s17], $0x4000  }
0x28: {  	[sflag:s17] =	ssyncset.done $0x0  }
0x29: {  	s30 =	simm.s32 $0x10100;
	[sflag:s17] =	ssyncadd.s32 $0xFFFFC000  }
0x2a: {  	[tilespmem:s14], [sflag:$0x1] =	stream.indirect.gather [spmem:s2], $0x80, s30, s13, $0xb8;
	[tilespmem:$0x18C00] =	vst v63  }
0x2b: {  	s31 =	sadd.s32 $0x0, s9  }
0x2c: {  	[hbm4b:s31+s3] =	stream.linear.scatter [tilespmem:s16], [sflag:$0x3], $0x4000, $0x38;
	[tilespmem:$0x18C00] =	vst v63  }
0x2d: {  	_ =	swait.ge [sflag:s12], $0x4000  }
0x2e: {  	s21 =	simm.s32 $0x1000;
	[sflag:s12] =	ssyncset.done $0x0  }
.LBB2_2:
0x2f: {  	p1 =	sne.s32 s21, $0x8000;
	[sflag:s12] =	ssyncadd.s32 $0xFFFFC000;
	s20 =	sadd.s32 $0x100, s20  }
0x30: {  	s22 =	smov.u32 s21;
	s21 =	sadd.s32 $0x1000, s21  }
0x31: {  	_ =	swait.ge [sflag:s15], $0x4000  }
0x32: {  	[sflag:s15] =	ssyncset.done $0x0  }
0x33: {  	[sflag:s15] =	ssyncadd.s32 $0xFFFFC000  }
0x34: {  	[tilespmem:s16], [sflag:$0x2] =	stream.indirect.gather [spmem:s2], $0x80, s20, s13, $0xb8;
	[tilespmem:$0x18C00] =	vst v63  }
0x35: {  	s23 =	sadd.s32 s22, s8  }
0x36: {  	[hbm4b:s23+s3] =	stream.linear.scatter [tilespmem:s14], [sflag:$0x3], $0x4000, $0x38;
	[tilespmem:$0x18C00] =	vst v63  }
0x37: {  	_ =	swait.ge [sflag:s12], $0x4000  }
0x38: {  	[sflag:s12] =	ssyncset.done $0x0  }
0x39: {  	[sflag:s12] =	ssyncadd.s32 $0xFFFFC000  }
0x3a: {  	_ =	swait.ge [sflag:s17], $0x4000  }
0x3b: {  	[sflag:s17] =	ssyncset.done $0x0  }
0x3c: {  	s23 =	sadd.s32 $0x80, s20;
	[sflag:s17] =	ssyncadd.s32 $0xFFFFC000  }
0x3d: {  	[tilespmem:s14], [sflag:$0x1] =	stream.indirect.gather [spmem:s2], $0x80, s23, s13, $0xb8;
	[tilespmem:$0x18C00] =	vst v63  }
.Ltmp0:
0x3e: {  	_ = 	snop;
	(pc) =	sbr.rel @p1 .LBB2_2-.Ltmp0, $4  }
0x3f: {  	s22 =	sadd.s32 s22, s9  }
0x40: {  	[hbm4b:s22+s3] =	stream.linear.scatter [tilespmem:s16], [sflag:$0x3], $0x4000, $0x38;
	[tilespmem:$0x18C00] =	vst v63  }
0x41: {  	_ =	swait.ge [sflag:s12], $0x4000  }
0x42: {  	[sflag:s12] =	ssyncset.done $0x0  }
0x43: {  	[sflag:s12] =	ssyncadd.s32 $0xFFFFC000  }
0x44: {  	_ =	swait.ge [sflag:s15], $0x4000  }
0x45: {  	[sflag:s15] =	ssyncset.done $0x0  }
0x46: {  	[sflag:s15] =	ssyncadd.s32 $0xFFFFC000  }
0x47: {  	[tilespmem:s16], [sflag:$0x2] =	stream.indirect.gather [spmem:s2], $0x80, s18, s13, $0xb8;
	[tilespmem:$0x18C00] =	vst v63  }
0x48: {  	_ = 	snop  }
0x49: {  	[hbm4b:s6+s3] =	stream.linear.scatter [tilespmem:s14], [sflag:$0x3], $0x4000, $0x38;
	[tilespmem:$0x18C00] =	vst v63  }
0x4a: {  	_ =	swait.ge [sflag:s12], $0x4000  }
0x4b: {  	[sflag:s12] =	ssyncset.done $0x0  }
0x4c: {  	[sflag:s12] =	ssyncadd.s32 $0xFFFFC000  }
0x4d: {  	s19 =	sadd.s32 $0x1, s19;
	_ =	swait.ge [sflag:s17], $0x4000  }
0x4e: {  	p1 =	sne.s32 s19, s5;
	[sflag:s17] =	ssyncset.done $0x0  }
.Ltmp1:
0x4f: {  	[sflag:s17] =	ssyncadd.s32 $0xFFFFC000;
	(pc) =	sbr.rel @p1 .LBB2_1-.Ltmp1, $4  }
0x50: {  	[hbm4b:s7+s3] =	stream.linear.scatter [tilespmem:s16], [sflag:$0x3], $0x4000, $0x38;
	[tilespmem:$0x18C00] =	vst v63  }
0x51: {  	_ =	swait.ge [sflag:s12], $0x4000  }
0x52: {  	[sflag:s12] =	ssyncset.done $0x0  }
0x53: {  	[sflag:s12] =	ssyncadd.s32 $0xFFFFC000  }
0x54: {  	_ =	sfence.sel $0x180000  }
0x55: {  	[bflag:$0x0] =	sbarrier.arrive $0xFFFF  }
0x56: {  	_ =	strace $0x90000047  }
0x57: {  	s0 =	sadd.s32 @!p0 $0x100000, s1;
	[bflag:$0x2] =	sbarrier.arrive $0xFFFF  }
0x58: {  	[sflag:s0] =	ssyncadd.tile.s32 @!p0 $0x1;
	_ =	shalt  }
.Lfunc_end2:
_tile_overlayer_lowered:
.L_overlay_start_2:
0x59: {  	(tag) =	ssettag $0x2  }
0x5a: {  	s0 =	rddreg [dreg:$0x0];
	s2 =	stileid.u32  }
0x5b: {  	s1 =	rddreg [dreg:$0x1];
	p0 =	sne.s32 s2, $0x0  }
0x5c: {  	s3 =	rddreg [dreg:$0x2];
	[bflag:$0x3] =	sbarrier.arrive $0xFFFF;
	s2 =	simm.s32 @!p0 $0x1C03  }
0x5d: {  	[timem:s3], [sflag:s2] =	dma.local @!p0 [hbm:s0], s1  }
0x5e: {  	s0 =	simm.s32 @!p0 $0x3  }
0x5f: {  	_ =	swait.ge @!p0 [sflag:s0], s1  }
0x60: {  	s1 =	ssub.s32 @!p0 $0x0, s1;
	[sflag:s0] =	ssyncset.done @!p0 $0x0  }
0x61: {  	[sflag:s0] =	ssyncadd.s32 @!p0 s1  }
0x62: {  	[bflag:$0x3] =	sbarrier.arrive $0xFFFF  }
0x63: {  	_ =	shalt  }

// kernel: kernel.19.cloned.1.call-start
scs
__scs_entry_jumppad:
0x0: {  	(pc) =	sbr.rel $0x88, $3  }
0x1: {  	(tag) =	ssettag $0x0;
	lr =	simm.s32 $0x1  }
0x2: {  	[smem:$0x3F7E] =	sst lr;
	_ =	strace $0xD0000000  }
0x3: {  	_ = 	snop  }
0x4: {  	_ = 	snop  }
0x5: {  	_ = 	snop  }
0x6: {  	_ = 	snop  }
0x7: {  	_ = 	snop  }
__scs_overlays_trampoline_lowered:
0x8: {  	[smem:$0x3F8D] =	sst s0  }
0x9: {  	[smem:$0x3F8E] =	sst s1  }
0xa: {  	[smem:$0x3F8F] =	sst s2  }
0xb: {  	[smem:$0x3F90] =	sst s3  }
0xc: {  	[smem:$0x3F91] =	sst s4  }
0xd: {  	[smem:$0x3F92] =	sst s5  }
0xe: {  	[smem:$0x3F93] =	sst s6  }
0xf: {  	[smem:$0x3F94] =	sst s7  }
0x10: {  	[smem:$0x3F95] =	sst s8  }
0x11: {  	[smem:$0x3F96] =	sst s9;
	s0 =	simm.s32 @!p0 $0x0  }
0x12: {  	s1 =	sld [smem:$0x3F7C];
	s0 =	simm.s32 @p0 $0x1  }
0x13: {  	[smem:$0x3F97] =	sst s0;
	s0 =	simm.s32 @!p1 $0x0  }
0x14: {  	s2 =	sld [smem:$0x3F7B];
	s0 =	simm.s32 @p1 $0x1  }
0x15: {  	[smem:$0x3F98] =	sst s0;
	s0 =	simm.s32 @!p2 $0x0  }
0x16: {  	s3 =	sld [smem:$0x3FDB];
	s0 =	simm.s32 @p2 $0x1  }
0x17: {  	s4 =	simm.s32 $0x1BF5;
	[smem:$0x3F9A] =	sst s0  }
0x18: {  	s0 =	sld [smem:$0x3F7D];
	_ =	swait.ge [sflag:s4], $0x0  }
0x19: {  	s7 =	sld [smem:$0x3F7E]  }
0x1a: {  	s8 =	sadd.s32 $0xFFFFE003, lr  }
0x1b: {  	s9 =	sadd.s32 $0xFFFFFEF7, lr;
	s5 =	simm.s32 $0xFFFFFFFF;
	p2 =	slt.u32 s8, $0xFFFFF086  }
0x1c: {  	p1 =	slt.u32 s9, $0xF7A;
	s5 =	simm.s32 @!p2 $0x0  }
0x1d: {  	s5 =	simm.s32 @p1 $0x1;
	p0 =	seq.s32 s7, s2  }
0x1e: {  	s7 =	smul.u32 @!p0 $0xF7A, s2;
	p2 =	seq.s32 @!p0 s5, $0x0  }
0x1f: {  	s9 =	smul.u32 $0xF7A, s1;
	s8 =	simm.s32 @!p0 $0x1BF5;
	p2 =	por !p2, p0  }
0x20: {  	[sflag:s8] =	ssyncset.s32 @!p0 $0xFFFFF086;
	s6 =	sadd.s32 @!p0 s3, s7;
	s7 =	simm.s32 @!p0 $0x108  }
0x21: {  	s3 =	sadd.s32 s3, s9;
	s6 =	sadd.s32 @!p0 $0x88, s6;
	s7 =	simm.s32 @p2 $0x1082  }
0x22: {  	[simem:s7], [sflag:s8] =	dma.local @!p0 [hbm:s6], $0xF7A  }
0x23: {  	s9 =	sor.u32 $0xD0000000, s2;
	s6 =	simm.s32 $0x108;
	_ =	swait.ge @!p0 [sflag:s8], $0x0  }
0x24: {  	s3 =	sadd.s32 $0x88, s3;
	s6 =	simm.s32 @!p1 $0x1082;
	[sflag:s4] =	ssyncset.s32 $0xFFFFF086  }
0x25: {  	[simem:s6], [sflag:s4] =	dma.local [hbm:s3], $0xF7A  }
0x26: {  	[smem:$0x3F7E] =	sst s1;
	(tag) =	ssettag s2;
	_ =	strace s9  }
0x27: {  	s1 =	sld [smem:$0x3F8E]  }
0x28: {  	s2 =	sld [smem:$0x3F8F]  }
0x29: {  	s4 =	sld [smem:$0x3F91]  }
0x2a: {  	p0 =	seq.s32 s5, $0x0;
	s5 =	sld [smem:$0x3F92]  }
0x2b: {  	s6 =	sld [smem:$0x3F93]  }
0x2c: {  	s7 =	sld [smem:$0x3F94]  }
0x2d: {  	s3 =	simm.s32 $0x108;
	s8 =	sld [smem:$0x3F95]  }
0x2e: {  	s3 =	simm.s32 @!p0 $0x1082;
	s9 =	sld [smem:$0x3F96]  }
0x2f: {  	lr =	sadd.s32 s0, s3;
	s0 =	sld [smem:$0x3F8D]  }
0x30: {  	s3 =	sld [smem:$0x3F90]  }
0x31: {  	[smem:$0x3F99] =	sst s10  }
0x32: {  	s10 =	sld [smem:$0x3F97];
	_ =	sdelay $0x3  }
0x33: {  	p0 =	seq.s32 s10, $0x1;
	s10 =	sld [smem:$0x3F99];
	_ =	sdelay $0x3  }
0x34: {  	[smem:$0x3F99] =	sst s10  }
0x35: {  	s10 =	sld [smem:$0x3F98];
	_ =	sdelay $0x3  }
0x36: {  	p1 =	seq.s32 s10, $0x1;
	s10 =	sld [smem:$0x3F99];
	_ =	sdelay $0x3  }
0x37: {  	[smem:$0x3F99] =	sst s10  }
0x38: {  	s10 =	sld [smem:$0x3F9A]  }
0x39: {  	_ = 	snop;
	(pc) =	sbr.ind lr, $3  }
0x3a: {  	_ = 	snop  }
0x3b: {  	_ = 	snop  }
0x3c: {  	p2 =	seq.s32 s10, $0x1;
	s10 =	sld [smem:$0x3F99]  }
0x3d: {  	_ =	shalt  }
0x3e: {  	_ =	shalt  }
0x3f: {  	_ =	shalt  }
0x40: {  	_ =	shalt  }
0x41: {  	_ =	shalt  }
0x42: {  	_ =	shalt  }
0x43: {  	_ =	shalt  }
0x44: {  	_ =	shalt  }
0x45: {  	_ =	shalt  }
0x46: {  	_ =	shalt  }
0x47: {  	_ =	shalt  }
0x48: {  	_ =	shalt  }
0x49: {  	_ =	shalt  }
0x4a: {  	_ =	shalt  }
0x4b: {  	_ =	shalt  }
0x4c: {  	_ =	shalt  }
0x4d: {  	_ =	shalt  }
0x4e: {  	_ =	shalt  }
0x4f: {  	_ =	shalt  }
0x50: {  	_ =	shalt  }
0x51: {  	_ =	shalt  }
0x52: {  	_ =	shalt  }
0x53: {  	_ =	shalt  }
0x54: {  	_ =	shalt  }
0x55: {  	_ =	shalt  }
0x56: {  	_ =	shalt  }
0x57: {  	_ =	shalt  }
0x58: {  	_ =	shalt  }
0x59: {  	_ =	shalt  }
0x5a: {  	_ =	shalt  }
0x5b: {  	_ =	shalt  }
0x5c: {  	_ =	shalt  }
0x5d: {  	_ =	shalt  }
0x5e: {  	_ =	shalt  }
0x5f: {  	_ =	shalt  }
0x60: {  	_ =	shalt  }
0x61: {  	_ =	shalt  }
0x62: {  	_ =	shalt  }
0x63: {  	_ =	shalt  }
0x64: {  	_ =	shalt  }
0x65: {  	_ =	shalt  }
0x66: {  	_ =	shalt  }
0x67: {  	_ =	shalt  }
0x68: {  	_ =	shalt  }
0x69: {  	_ =	shalt  }
0x6a: {  	_ =	shalt  }
0x6b: {  	_ =	shalt  }
0x6c: {  	_ =	shalt  }
0x6d: {  	_ =	shalt  }
0x6e: {  	_ =	shalt  }
0x6f: {  	_ =	shalt  }
0x70: {  	_ =	shalt  }
0x71: {  	_ =	shalt  }
0x72: {  	_ =	shalt  }
0x73: {  	_ =	shalt  }
0x74: {  	_ =	shalt  }
0x75: {  	_ =	shalt  }
0x76: {  	_ =	shalt  }
0x77: {  	_ =	shalt  }
0x78: {  	_ =	shalt  }
0x79: {  	_ =	shalt  }
0x7a: {  	_ =	shalt  }
0x7b: {  	_ =	shalt  }
0x7c: {  	_ =	shalt  }
0x7d: {  	_ =	shalt  }
0x7e: {  	_ =	shalt  }
0x7f: {  	_ =	shalt  }
0x80: {  	_ =	shalt  }
0x81: {  	_ =	shalt  }
0x82: {  	_ =	shalt  }
0x83: {  	_ =	shalt  }
0x84: {  	_ =	shalt  }
0x85: {  	_ =	shalt  }
0x86: {  	_ =	shalt  }
0x87: {  	_ =	shalt  }
.Lfunc_end0:
.L_simem_size_0:
called_computation.1_lowered:
.L_overlay_start_0:
0x88: {  	s2 =	sld [smem:$0x3FD9]  }
0x89: {  	s3 =	sld [smem:$0x3FFE];
	_ =	sdelay $0x1  }
0x8a: {  	s1 =	srdreg.scid  }
0x8b: {  	s0 =	sand.u32 $0x1, s1  }
0x8c: {  	s17 =	sshll.u32 s0, $0xA;
	s2 =	sadd.s32 s3, s2  }
0x8d: {  	s2 =	sadd.s32 s2, s17  }
0x8e: {  	[smem:$0x3FA5] =	sst s2  }
0x8f: {  	_ = 	snop  }
0x90: {  	s2 =	sld [smem:$0x3FD0];
	(tm) =	ssettm $0x1  }
0x91: {  	s18 =	sld [smem:$0x3FFB];
	_ =	sdelay $0x3  }
0x92: {  	_ =	strace s18  }
0x93: {  	s3 =	sld [smem:$0x3FFC];
	_ =	sdelay $0x3  }
0x94: {  	_ =	strace s3  }
0x95: {  	s3 =	sld [smem:$0x3FFD];
	_ =	sdelay $0x3  }
0x96: {  	_ =	strace s3  }
0x97: {  	_ =	strace $0x8FFFFFFF  }
0x98: {  	s19 =	sld [smem:$0x3FDB];
	_ =	sdelay $0x1  }
0x99: {  	s4 =	simm.s32 $_scs_section_size  }
0x9a: {  	s5 =	simm.s32 $_size__tile_overlayer_lowered;
	s6 =	simm.s32 $_tile_overlayer_lowered  }
0x9b: {  	s22 =	simm.s32 $0x1BFF;
	s21 =	sshll.u32 s6, $0x1;
	s3 =	sadd.s32 s4, s19  }
0x9c: {  	s7 =	simm.s32 $0x0;
	s20 =	sshll.u32 s5, $0x1;
	s5 =	sadd.s32 s21, s3  }
0x9d: {  	[timem:s7], [sflag:s22] =	dma.local [hbm:s5], s20  }
0x9e: {  	_ =	swait.ge [sflag:s22], s20  }
0x9f: {  	s4 =	ssub.s32 $0x0, s20;
	[sflag:s22] =	ssyncset.done $0x0  }
0xa0: {  	[sflag:s22] =	ssyncadd.s32 s4;
	_ =	sdelay $0x1  }
0xa1: {  	s23 =	simm.s32 $0x1B8B  }
0xa2: {  	_ =	swait.ge [sflag:s23], $0x1  }
0xa3: {  	[sflag:s23] =	ssyncset.done $0x0  }
0xa4: {  	s25 =	simm.s32 $0x1B8E;
	s24 =	sld [smem:$0x3FFE];
	[sflag:s23] =	ssyncadd.s32 $0xFFFFFFFF  }
0xa5: {  	s26 =	simm.s32 $execute0_lowered;
	[smem:$0x3FD2] =	sst s25  }
0xa6: {  	s5 =	sshll.u32 s26, $0x1;
	_ =	strace $0x80000049;
	[dreg:$0x1] =	wrdreg $0xFFFFFFFF  }
0xa7: {  	s28 =	simm.s32 $_size_execute0_lowered;
	s3 =	sadd.s32 s3, s5;
	[dreg:$0x0] =	wrdreg $0x0  }
0xa8: {  	s5 =	sshll.u32 s28, $0x1;
	[dreg:$0x2] =	wrdreg s3  }
0xa9: {  	[dreg:$0x3] =	wrdreg s5  }
0xaa: {  	[dreg:$0x4] =	wrdreg $0xC0  }
0xab: {  	_ =	task [dreg:s7], $0x5FFFF  }
0xac: {  	[dreg:$0x1] =	wrdreg $0xFFFFFFFF  }
0xad: {  	[dreg:$0x0] =	wrdreg $0x60  }
0xae: {  	[dreg:$0x2] =	wrdreg s2  }
0xaf: {  	[dreg:$0x3] =	wrdreg s24  }
0xb0: {  	[dreg:$0x4] =	wrdreg $0x0  }
0xb1: {  	[dreg:$0x5] =	wrdreg $0x9  }
0xb2: {  	_ =	task.clear_ibuf [dreg:s7], $0x6FFFF;
	_ =	strace $0x90000049  }
0xb3: {  	s29 =	simm.s32 $0x9;
	_ =	strace $0x8000004B  }
0xb4: {  	_ =	swait.ge [sflag:s29], $0x1  }
0xb5: {  	[sflag:s29] =	ssyncadd.s32 $0xFFFFFFFF  }
0xb6: {  	_ =	strace $0x9000004B  }
0xb7: {  	_ =	sfence  }
0xb8: {  	s30 =	sld [smem:$0x0];
	_ =	sdelay $0x2  }
0xb9: {  	s31 =	sshll.u32 s1, $0xD;
	s1 =	sshrl.u32 s1, $0x2  }
0xba: {  	s3 =	sand.u32 $0x4000, s31;
	s1 =	sadd.s32 s1, s30  }
0xbb: {  	s0 =	sor.u32 s3, s0;
	s1 =	sshll.u32 s1, $0x11  }
0xbc: {  	s0 =	sor.u32 s1, s0  }
0xbd: {  	s0 =	sadd.s32 $0x8F2B, s0  }
0xbe: {  	[sflag:s0] =	ssyncadd.remote.s32 $0x1  }
0xbf: {  	_ =	sfence.sel $0xFFFF  }
0xc0: {  	[dreg:$0x0] =	wrdreg $0xFFFFFFFF;
	(pc) =	sbr.abs _section_cstart, $3  }
0xc1: {  	[dreg:$0x1] =	wrdreg $0xFFFFFFFF  }
0xc2: {  	_ =	task.clear_ibuf [dreg:s7], $0x2FFFF;
	_ =	strace $0x9FFFFFFF  }
0xc3: {  	(tm) =	ssettm $0x7FFFFFFF  }
tec
execute0_lowered:
.L_overlay_start_1:
0x0: {  	(tag) =	ssettag $0x1  }
0x1: {  	s0 =	rddreg [dreg:$0x0]  }
0x2: {  	s4 =	rddreg [dreg:$0x1];
	s1 =	srdreg.scid  }
0x3: {  	s8 =	stileid.u32;
	s2 =	rddreg [dreg:$0x2];
	s3 =	simm.s32 $0x0  }
0x4: {  	s15 =	simm.s32 $0x1;
	s16 =	simm.s32 $0x14C00;
	s17 =	simm.s32 $0x2  }
0x5: {  	s18 =	simm.s32 $0x10980;
	s19 =	simm.s32 $0x0;
	s26 =	smul.u32 $0xA0000, s8  }
0x6: {  	s7 =	sand.u32 $0x1, s1;
	s1 =	rddreg [dreg:$0x3];
	s30 =	smul.u32 $0x14000, s8  }
0x7: {  	s5 =	sshll.u32 s8, $0x1;
	[smem:$0x7FF] =	sst s3;
	s29 =	smul.u32 $0x50000, s7  }
0x8: {  	s13 =	sadd.s32 $0x7C00, s4;
	s5 =	sor.u32 s7, s5;
	s14 =	smul.u32 $0xA000, s7  }
0x9: {  	p0 =	sne.s32 s8, $0x0;
	s9 =	ssub.s32 $0x2, s7;
	s6 =	smul.u32 $0x180, s5  }
0xa: {  	_ =	strace $0x8000004A;
	s10 =	smul.u32 $0x50000, s5;
	s11 =	sshrl.u32 s9, $0x1  }
0xb: {  	s12 =	smul.u32 $0xA000, s5;
	s31 =	sadd.s32 s30, s13;
	s25 =	ssub.s32 s9, s11  }
0xc: {  	s9 =	sadd.s32 s29, s26;
	s11 =	simm.s32 $0x10000;
	s6 =	sadd.s32 s6, s4  }
0xd: {  	s28 =	sshrl.u32 s10, $0x3;
	s5 =	smax.u32 s25, $0x1;
	s12 =	sadd.s32 s13, s12  }
0xe: {  	s9 =	sshrl.u32 s9, $0x3;
	s10 =	sadd.s32 s14, s31;
	s14 =	simm.s32 $0x10C00  }
0xf: {  	s4 =	sadd.s32 $0x4C00, s6;
	s6 =	sadd.s32 s13, s28;
	s7 =	sadd.s32 $0x9800, s12  }
0x10: {  	s8 =	sadd.s32 s9, s13;
	s9 =	sadd.s32 $0x800, s10;
	s10 =	sshrl.u32 @!p0 s2, $0x3  }
0x11: {  	s12 =	simm.s32 $0x3;
	s13 =	simm.s32 $0x80;
	s6 =	sadd.s32 $0x9000, s6  }
.LBB2_1:
0x12: {  	s20 =	simm.s32 @!p0 $0x1C03  }
0x13: {  	[spmem:s10], [sflag:s20] =	dma.local @!p0 [hbm:s0], $0x20000  }
0x14: {  	s20 =	simm.s32 @!p0 $0x3  }
0x15: {  	_ =	swait.ge @!p0 [sflag:s20], $0x20000  }
0x16: {  	[sflag:s20] =	ssyncset.done @!p0 $0x0  }
0x17: {  	[sflag:s20] =	ssyncadd.s32 @!p0 $0xFFFE0000  }
0x18: {  	[tilespmem:s11], [sflag:$0x3] =	stream.linear.gather [hbm4b:s4+s3], $0xA00, $0x38;
	[tilespmem:$0x18C00] =	vst v63  }
0x19: {  	_ =	swait.ge [sflag:s12], $0xA00  }
0x1a: {  	[sflag:s12] =	ssyncset.done $0x0  }
0x1b: {  	[sflag:s12] =	ssyncadd.s32 $0xFFFFF600  }
0x1c: {  	[bflag:$0x0] =	sbarrier.arrive $0xFFFF  }
0x1d: {  	[tilespmem:s14], [sflag:$0x1] =	stream.indirect.gather [spmem:s2], $0x80, s11, s13, $0xb8;
	[tilespmem:$0x18C00] =	vst v63  }
0x1e: {  	_ =	swait.ge [sflag:s15], $0x4000  }
0x1f: {  	[sflag:s15] =	ssyncset.done $0x0  }
0x20: {  	s20 =	simm.s32 $0x10080;
	[sflag:s15] =	ssyncadd.s32 $0xFFFFC000  }
0x21: {  	[tilespmem:s16], [sflag:$0x2] =	stream.indirect.gather [spmem:s2], $0x80, s20, s13, $0xb8;
	[tilespmem:$0x18C00] =	vst v63  }
0x22: {  	s21 =	sadd.s32 $0x0, s8  }
0x23: {  	[hbm4b:s21+s3] =	stream.linear.scatter [tilespmem:s14], [sflag:$0x3], $0x4000, $0x38;
	[tilespmem:$0x18C00] =	vst v63  }
0x24: {  	_ =	swait.ge [sflag:s12], $0x4000  }
0x25: {  	[sflag:s12] =	ssyncset.done $0x0  }
0x26: {  	[sflag:s12] =	ssyncadd.s32 $0xFFFFC000  }
0x27: {  	_ =	swait.ge [sflag:s17], $0x4000  }
0x28: {  	[sflag:s17] =	ssyncset.done $0x0  }
0x29: {  	s30 =	simm.s32 $0x10100;
	[sflag:s17] =	ssyncadd.s32 $0xFFFFC000  }
0x2a: {  	[tilespmem:s14], [sflag:$0x1] =	stream.indirect.gather [spmem:s2], $0x80, s30, s13, $0xb8;
	[tilespmem:$0x18C00] =	vst v63  }
0x2b: {  	s31 =	sadd.s32 $0x0, s9  }
0x2c: {  	[hbm4b:s31+s3] =	stream.linear.scatter [tilespmem:s16], [sflag:$0x3], $0x4000, $0x38;
	[tilespmem:$0x18C00] =	vst v63  }
0x2d: {  	_ =	swait.ge [sflag:s12], $0x4000  }
0x2e: {  	s21 =	simm.s32 $0x1000;
	[sflag:s12] =	ssyncset.done $0x0  }
.LBB2_2:
0x2f: {  	p1 =	sne.s32 s21, $0x8000;
	[sflag:s12] =	ssyncadd.s32 $0xFFFFC000;
	s20 =	sadd.s32 $0x100, s20  }
0x30: {  	s22 =	smov.u32 s21;
	s21 =	sadd.s32 $0x1000, s21  }
0x31: {  	_ =	swait.ge [sflag:s15], $0x4000  }
0x32: {  	[sflag:s15] =	ssyncset.done $0x0  }
0x33: {  	[sflag:s15] =	ssyncadd.s32 $0xFFFFC000  }
0x34: {  	[tilespmem:s16], [sflag:$0x2] =	stream.indirect.gather [spmem:s2], $0x80, s20, s13, $0xb8;
	[tilespmem:$0x18C00] =	vst v63  }
0x35: {  	s23 =	sadd.s32 s22, s8  }
0x36: {  	[hbm4b:s23+s3] =	stream.linear.scatter [tilespmem:s14], [sflag:$0x3], $0x4000, $0x38;
	[tilespmem:$0x18C00] =	vst v63  }
0x37: {  	_ =	swait.ge [sflag:s12], $0x4000  }
0x38: {  	[sflag:s12] =	ssyncset.done $0x0  }
0x39: {  	[sflag:s12] =	ssyncadd.s32 $0xFFFFC000  }
0x3a: {  	_ =	swait.ge [sflag:s17], $0x4000  }
0x3b: {  	[sflag:s17] =	ssyncset.done $0x0  }
0x3c: {  	s23 =	sadd.s32 $0x80, s20;
	[sflag:s17] =	ssyncadd.s32 $0xFFFFC000  }
0x3d: {  	[tilespmem:s14], [sflag:$0x1] =	stream.indirect.gather [spmem:s2], $0x80, s23, s13, $0xb8;
	[tilespmem:$0x18C00] =	vst v63  }
.Ltmp0:
0x3e: {  	_ = 	snop;
	(pc) =	sbr.rel @p1 .LBB2_2-.Ltmp0, $4  }
0x3f: {  	s22 =	sadd.s32 s22, s9  }
0x40: {  	[hbm4b:s22+s3] =	stream.linear.scatter [tilespmem:s16], [sflag:$0x3], $0x4000, $0x38;
	[tilespmem:$0x18C00] =	vst v63  }
0x41: {  	_ =	swait.ge [sflag:s12], $0x4000  }
0x42: {  	[sflag:s12] =	ssyncset.done $0x0  }
0x43: {  	[sflag:s12] =	ssyncadd.s32 $0xFFFFC000  }
0x44: {  	_ =	swait.ge [sflag:s15], $0x4000  }
0x45: {  	[sflag:s15] =	ssyncset.done $0x0  }
0x46: {  	[sflag:s15] =	ssyncadd.s32 $0xFFFFC000  }
0x47: {  	[tilespmem:s16], [sflag:$0x2] =	stream.indirect.gather [spmem:s2], $0x80, s18, s13, $0xb8;
	[tilespmem:$0x18C00] =	vst v63  }
0x48: {  	_ = 	snop  }
0x49: {  	[hbm4b:s6+s3] =	stream.linear.scatter [tilespmem:s14], [sflag:$0x3], $0x4000, $0x38;
	[tilespmem:$0x18C00] =	vst v63  }
0x4a: {  	_ =	swait.ge [sflag:s12], $0x4000  }
0x4b: {  	[sflag:s12] =	ssyncset.done $0x0  }
0x4c: {  	[sflag:s12] =	ssyncadd.s32 $0xFFFFC000  }
0x4d: {  	s19 =	sadd.s32 $0x1, s19;
	_ =	swait.ge [sflag:s17], $0x4000  }
0x4e: {  	p1 =	sne.s32 s19, s5;
	[sflag:s17] =	ssyncset.done $0x0  }
.Ltmp1:
0x4f: {  	[sflag:s17] =	ssyncadd.s32 $0xFFFFC000;
	(pc) =	sbr.rel @p1 .LBB2_1-.Ltmp1, $4  }
0x50: {  	[hbm4b:s7+s3] =	stream.linear.scatter [tilespmem:s16], [sflag:$0x3], $0x4000, $0x38;
	[tilespmem:$0x18C00] =	vst v63  }
0x51: {  	_ =	swait.ge [sflag:s12], $0x4000  }
0x52: {  	[sflag:s12] =	ssyncset.done $0x0  }
0x53: {  	[sflag:s12] =	ssyncadd.s32 $0xFFFFC000  }
0x54: {  	_ =	sfence.sel $0x180000  }
0x55: {  	[bflag:$0x0] =	sbarrier.arrive $0xFFFF  }
0x56: {  	_ =	strace $0x9000004A  }
0x57: {  	s0 =	sadd.s32 @!p0 $0x100000, s1;
	[bflag:$0x2] =	sbarrier.arrive $0xFFFF  }
0x58: {  	[sflag:s0] =	ssyncadd.tile.s32 @!p0 $0x1;
	_ =	shalt  }
.Lfunc_end2:
_tile_overlayer_lowered:
.L_overlay_start_2:
0x59: {  	(tag) =	ssettag $0x2  }
0x5a: {  	s0 =	rddreg [dreg:$0x0];
	s2 =	stileid.u32  }
0x5b: {  	s1 =	rddreg [dreg:$0x1];
	p0 =	sne.s32 s2, $0x0  }
0x5c: {  	s3 =	rddreg [dreg:$0x2];
	[bflag:$0x3] =	sbarrier.arrive $0xFFFF;
	s2 =	simm.s32 @!p0 $0x1C03  }
0x5d: {  	[timem:s3], [sflag:s2] =	dma.local @!p0 [hbm:s0], s1  }
0x5e: {  	s0 =	simm.s32 @!p0 $0x3  }
0x5f: {  	_ =	swait.ge @!p0 [sflag:s0], s1  }
0x60: {  	s1 =	ssub.s32 @!p0 $0x0, s1;
	[sflag:s0] =	ssyncset.done @!p0 $0x0  }
0x61: {  	[sflag:s0] =	ssyncadd.s32 @!p0 s1  }
0x62: {  	[bflag:$0x3] =	sbarrier.arrive $0xFFFF  }
0x63: {  	_ =	shalt  }

// kernel: kernel.22.cloned.1.call-start
scs
__scs_entry_jumppad:
0x0: {  	(pc) =	sbr.rel $0x88, $3  }
0x1: {  	(tag) =	ssettag $0x0;
	lr =	simm.s32 $0x1  }
0x2: {  	[smem:$0x3F7E] =	sst lr;
	_ =	strace $0xD0000000  }
0x3: {  	_ = 	snop  }
0x4: {  	_ = 	snop  }
0x5: {  	_ = 	snop  }
0x6: {  	_ = 	snop  }
0x7: {  	_ = 	snop  }
__scs_overlays_trampoline_lowered:
0x8: {  	[smem:$0x3F8D] =	sst s0  }
0x9: {  	[smem:$0x3F8E] =	sst s1  }
0xa: {  	[smem:$0x3F8F] =	sst s2  }
0xb: {  	[smem:$0x3F90] =	sst s3  }
0xc: {  	[smem:$0x3F91] =	sst s4  }
0xd: {  	[smem:$0x3F92] =	sst s5  }
0xe: {  	[smem:$0x3F93] =	sst s6  }
0xf: {  	[smem:$0x3F94] =	sst s7  }
0x10: {  	[smem:$0x3F95] =	sst s8  }
0x11: {  	[smem:$0x3F96] =	sst s9;
	s0 =	simm.s32 @!p0 $0x0  }
0x12: {  	s1 =	sld [smem:$0x3F7C];
	s0 =	simm.s32 @p0 $0x1  }
0x13: {  	[smem:$0x3F97] =	sst s0;
	s0 =	simm.s32 @!p1 $0x0  }
0x14: {  	s2 =	sld [smem:$0x3F7B];
	s0 =	simm.s32 @p1 $0x1  }
0x15: {  	[smem:$0x3F98] =	sst s0;
	s0 =	simm.s32 @!p2 $0x0  }
0x16: {  	s3 =	sld [smem:$0x3FDB];
	s0 =	simm.s32 @p2 $0x1  }
0x17: {  	s4 =	simm.s32 $0x1BF5;
	[smem:$0x3F9A] =	sst s0  }
0x18: {  	s0 =	sld [smem:$0x3F7D];
	_ =	swait.ge [sflag:s4], $0x0  }
0x19: {  	s7 =	sld [smem:$0x3F7E]  }
0x1a: {  	s8 =	sadd.s32 $0xFFFFE003, lr  }
0x1b: {  	s9 =	sadd.s32 $0xFFFFFEF7, lr;
	s5 =	simm.s32 $0xFFFFFFFF;
	p2 =	slt.u32 s8, $0xFFFFF086  }
0x1c: {  	p1 =	slt.u32 s9, $0xF7A;
	s5 =	simm.s32 @!p2 $0x0  }
0x1d: {  	s5 =	simm.s32 @p1 $0x1;
	p0 =	seq.s32 s7, s2  }
0x1e: {  	s7 =	smul.u32 @!p0 $0xF7A, s2;
	p2 =	seq.s32 @!p0 s5, $0x0  }
0x1f: {  	s9 =	smul.u32 $0xF7A, s1;
	s8 =	simm.s32 @!p0 $0x1BF5;
	p2 =	por !p2, p0  }
0x20: {  	[sflag:s8] =	ssyncset.s32 @!p0 $0xFFFFF086;
	s6 =	sadd.s32 @!p0 s3, s7;
	s7 =	simm.s32 @!p0 $0x108  }
0x21: {  	s3 =	sadd.s32 s3, s9;
	s6 =	sadd.s32 @!p0 $0x88, s6;
	s7 =	simm.s32 @p2 $0x1082  }
0x22: {  	[simem:s7], [sflag:s8] =	dma.local @!p0 [hbm:s6], $0xF7A  }
0x23: {  	s9 =	sor.u32 $0xD0000000, s2;
	s6 =	simm.s32 $0x108;
	_ =	swait.ge @!p0 [sflag:s8], $0x0  }
0x24: {  	s3 =	sadd.s32 $0x88, s3;
	s6 =	simm.s32 @!p1 $0x1082;
	[sflag:s4] =	ssyncset.s32 $0xFFFFF086  }
0x25: {  	[simem:s6], [sflag:s4] =	dma.local [hbm:s3], $0xF7A  }
0x26: {  	[smem:$0x3F7E] =	sst s1;
	(tag) =	ssettag s2;
	_ =	strace s9  }
0x27: {  	s1 =	sld [smem:$0x3F8E]  }
0x28: {  	s2 =	sld [smem:$0x3F8F]  }
0x29: {  	s4 =	sld [smem:$0x3F91]  }
0x2a: {  	p0 =	seq.s32 s5, $0x0;
	s5 =	sld [smem:$0x3F92]  }
0x2b: {  	s6 =	sld [smem:$0x3F93]  }
0x2c: {  	s7 =	sld [smem:$0x3F94]  }
0x2d: {  	s3 =	simm.s32 $0x108;
	s8 =	sld [smem:$0x3F95]  }
0x2e: {  	s3 =	simm.s32 @!p0 $0x1082;
	s9 =	sld [smem:$0x3F96]  }
0x2f: {  	lr =	sadd.s32 s0, s3;
	s0 =	sld [smem:$0x3F8D]  }
0x30: {  	s3 =	sld [smem:$0x3F90]  }
0x31: {  	[smem:$0x3F99] =	sst s10  }
0x32: {  	s10 =	sld [smem:$0x3F97];
	_ =	sdelay $0x3  }
0x33: {  	p0 =	seq.s32 s10, $0x1;
	s10 =	sld [smem:$0x3F99];
	_ =	sdelay $0x3  }
0x34: {  	[smem:$0x3F99] =	sst s10  }
0x35: {  	s10 =	sld [smem:$0x3F98];
	_ =	sdelay $0x3  }
0x36: {  	p1 =	seq.s32 s10, $0x1;
	s10 =	sld [smem:$0x3F99];
	_ =	sdelay $0x3  }
0x37: {  	[smem:$0x3F99] =	sst s10  }
0x38: {  	s10 =	sld [smem:$0x3F9A]  }
0x39: {  	_ = 	snop;
	(pc) =	sbr.ind lr, $3  }
0x3a: {  	_ = 	snop  }
0x3b: {  	_ = 	snop  }
0x3c: {  	p2 =	seq.s32 s10, $0x1;
	s10 =	sld [smem:$0x3F99]  }
0x3d: {  	_ =	shalt  }
0x3e: {  	_ =	shalt  }
0x3f: {  	_ =	shalt  }
0x40: {  	_ =	shalt  }
0x41: {  	_ =	shalt  }
0x42: {  	_ =	shalt  }
0x43: {  	_ =	shalt  }
0x44: {  	_ =	shalt  }
0x45: {  	_ =	shalt  }
0x46: {  	_ =	shalt  }
0x47: {  	_ =	shalt  }
0x48: {  	_ =	shalt  }
0x49: {  	_ =	shalt  }
0x4a: {  	_ =	shalt  }
0x4b: {  	_ =	shalt  }
0x4c: {  	_ =	shalt  }
0x4d: {  	_ =	shalt  }
0x4e: {  	_ =	shalt  }
0x4f: {  	_ =	shalt  }
0x50: {  	_ =	shalt  }
0x51: {  	_ =	shalt  }
0x52: {  	_ =	shalt  }
0x53: {  	_ =	shalt  }
0x54: {  	_ =	shalt  }
0x55: {  	_ =	shalt  }
0x56: {  	_ =	shalt  }
0x57: {  	_ =	shalt  }
0x58: {  	_ =	shalt  }
0x59: {  	_ =	shalt  }
0x5a: {  	_ =	shalt  }
0x5b: {  	_ =	shalt  }
0x5c: {  	_ =	shalt  }
0x5d: {  	_ =	shalt  }
0x5e: {  	_ =	shalt  }
0x5f: {  	_ =	shalt  }
0x60: {  	_ =	shalt  }
0x61: {  	_ =	shalt  }
0x62: {  	_ =	shalt  }
0x63: {  	_ =	shalt  }
0x64: {  	_ =	shalt  }
0x65: {  	_ =	shalt  }
0x66: {  	_ =	shalt  }
0x67: {  	_ =	shalt  }
0x68: {  	_ =	shalt  }
0x69: {  	_ =	shalt  }
0x6a: {  	_ =	shalt  }
0x6b: {  	_ =	shalt  }
0x6c: {  	_ =	shalt  }
0x6d: {  	_ =	shalt  }
0x6e: {  	_ =	shalt  }
0x6f: {  	_ =	shalt  }
0x70: {  	_ =	shalt  }
0x71: {  	_ =	shalt  }
0x72: {  	_ =	shalt  }
0x73: {  	_ =	shalt  }
0x74: {  	_ =	shalt  }
0x75: {  	_ =	shalt  }
0x76: {  	_ =	shalt  }
0x77: {  	_ =	shalt  }
0x78: {  	_ =	shalt  }
0x79: {  	_ =	shalt  }
0x7a: {  	_ =	shalt  }
0x7b: {  	_ =	shalt  }
0x7c: {  	_ =	shalt  }
0x7d: {  	_ =	shalt  }
0x7e: {  	_ =	shalt  }
0x7f: {  	_ =	shalt  }
0x80: {  	_ =	shalt  }
0x81: {  	_ =	shalt  }
0x82: {  	_ =	shalt  }
0x83: {  	_ =	shalt  }
0x84: {  	_ =	shalt  }
0x85: {  	_ =	shalt  }
0x86: {  	_ =	shalt  }
0x87: {  	_ =	shalt  }
.Lfunc_end0:
.L_simem_size_0:
called_computation.2_lowered:
.L_overlay_start_0:
0x88: {  	s2 =	sld [smem:$0x3FD9]  }
0x89: {  	s3 =	sld [smem:$0x3FFE];
	_ =	sdelay $0x1  }
0x8a: {  	s1 =	srdreg.scid  }
0x8b: {  	s0 =	sand.u32 $0x1, s1  }
0x8c: {  	s17 =	sshll.u32 s0, $0xA;
	s2 =	sadd.s32 s3, s2  }
0x8d: {  	s2 =	sadd.s32 s2, s17  }
0x8e: {  	[smem:$0x3FA5] =	sst s2  }
0x8f: {  	_ = 	snop  }
0x90: {  	s2 =	sld [smem:$0x3FD0];
	(tm) =	ssettm $0x1  }
0x91: {  	s18 =	sld [smem:$0x3FFB];
	_ =	sdelay $0x3  }
0x92: {  	_ =	strace s18  }
0x93: {  	s3 =	sld [smem:$0x3FFC];
	_ =	sdelay $0x3  }
0x94: {  	_ =	strace s3  }
0x95: {  	s3 =	sld [smem:$0x3FFD];
	_ =	sdelay $0x3  }
0x96: {  	_ =	strace s3  }
0x97: {  	_ =	strace $0x8FFFFFFF  }
0x98: {  	s19 =	sld [smem:$0x3FDB];
	_ =	sdelay $0x1  }
0x99: {  	s4 =	simm.s32 $_scs_section_size  }
0x9a: {  	s5 =	simm.s32 $_size__tile_overlayer_lowered;
	s6 =	simm.s32 $_tile_overlayer_lowered  }
0x9b: {  	s22 =	simm.s32 $0x1BFF;
	s21 =	sshll.u32 s6, $0x1;
	s3 =	sadd.s32 s4, s19  }
0x9c: {  	s7 =	simm.s32 $0x0;
	s20 =	sshll.u32 s5, $0x1;
	s5 =	sadd.s32 s21, s3  }
0x9d: {  	[timem:s7], [sflag:s22] =	dma.local [hbm:s5], s20  }
0x9e: {  	_ =	swait.ge [sflag:s22], s20  }
0x9f: {  	s4 =	ssub.s32 $0x0, s20;
	[sflag:s22] =	ssyncset.done $0x0  }
0xa0: {  	[sflag:s22] =	ssyncadd.s32 s4;
	_ =	sdelay $0x1  }
0xa1: {  	s23 =	simm.s32 $0x1B8B  }
0xa2: {  	_ =	swait.ge [sflag:s23], $0x1  }
0xa3: {  	[sflag:s23] =	ssyncset.done $0x0  }
0xa4: {  	s25 =	simm.s32 $0x1B8E;
	s24 =	sld [smem:$0x3FFE];
	[sflag:s23] =	ssyncadd.s32 $0xFFFFFFFF  }
0xa5: {  	s26 =	simm.s32 $execute0_lowered;
	[smem:$0x3FD2] =	sst s25  }
0xa6: {  	s5 =	sshll.u32 s26, $0x1;
	_ =	strace $0x8000004C;
	[dreg:$0x1] =	wrdreg $0xFFFFFFFF  }
0xa7: {  	s28 =	simm.s32 $_size_execute0_lowered;
	s3 =	sadd.s32 s3, s5;
	[dreg:$0x0] =	wrdreg $0x0  }
0xa8: {  	s5 =	sshll.u32 s28, $0x1;
	[dreg:$0x2] =	wrdreg s3  }
0xa9: {  	[dreg:$0x3] =	wrdreg s5  }
0xaa: {  	[dreg:$0x4] =	wrdreg $0xC0  }
0xab: {  	_ =	task [dreg:s7], $0x5FFFF  }
0xac: {  	[dreg:$0x1] =	wrdreg $0xFFFFFFFF  }
0xad: {  	[dreg:$0x0] =	wrdreg $0x60  }
0xae: {  	[dreg:$0x2] =	wrdreg s2  }
0xaf: {  	[dreg:$0x3] =	wrdreg s24  }
0xb0: {  	[dreg:$0x4] =	wrdreg $0x0  }
0xb1: {  	[dreg:$0x5] =	wrdreg $0x9  }
0xb2: {  	_ =	task.clear_ibuf [dreg:s7], $0x6FFFF;
	_ =	strace $0x9000004C  }
0xb3: {  	s29 =	simm.s32 $0x9;
	_ =	strace $0x8000004E  }
0xb4: {  	_ =	swait.ge [sflag:s29], $0x1  }
0xb5: {  	[sflag:s29] =	ssyncadd.s32 $0xFFFFFFFF  }
0xb6: {  	_ =	strace $0x9000004E  }
0xb7: {  	_ =	sfence  }
0xb8: {  	s30 =	sld [smem:$0x0];
	_ =	sdelay $0x2  }
0xb9: {  	s31 =	sshll.u32 s1, $0xD;
	s1 =	sshrl.u32 s1, $0x2  }
0xba: {  	s3 =	sand.u32 $0x4000, s31;
	s1 =	sadd.s32 s1, s30  }
0xbb: {  	s0 =	sor.u32 s3, s0;
	s1 =	sshll.u32 s1, $0x11  }
0xbc: {  	s0 =	sor.u32 s1, s0  }
0xbd: {  	s0 =	sadd.s32 $0x8F2B, s0  }
0xbe: {  	[sflag:s0] =	ssyncadd.remote.s32 $0x1  }
0xbf: {  	_ =	sfence.sel $0xFFFF  }
0xc0: {  	[dreg:$0x0] =	wrdreg $0xFFFFFFFF;
	(pc) =	sbr.abs _section_cstart, $3  }
0xc1: {  	[dreg:$0x1] =	wrdreg $0xFFFFFFFF  }
0xc2: {  	_ =	task.clear_ibuf [dreg:s7], $0x2FFFF;
	_ =	strace $0x9FFFFFFF  }
0xc3: {  	(tm) =	ssettm $0x7FFFFFFF  }
tec
execute0_lowered:
.L_overlay_start_1:
0x0: {  	(tag) =	ssettag $0x1  }
0x1: {  	s0 =	rddreg [dreg:$0x0]  }
0x2: {  	s4 =	rddreg [dreg:$0x1];
	s1 =	srdreg.scid  }
0x3: {  	s8 =	stileid.u32;
	s2 =	rddreg [dreg:$0x2];
	s3 =	simm.s32 $0x0  }
0x4: {  	s15 =	simm.s32 $0x1;
	s16 =	simm.s32 $0x14C00;
	s17 =	simm.s32 $0x2  }
0x5: {  	s18 =	simm.s32 $0x10980;
	s19 =	simm.s32 $0x0;
	s26 =	smul.u32 $0xA0000, s8  }
0x6: {  	s7 =	sand.u32 $0x1, s1;
	s1 =	rddreg [dreg:$0x3];
	s30 =	smul.u32 $0x14000, s8  }
0x7: {  	s5 =	sshll.u32 s8, $0x1;
	[smem:$0x7FF] =	sst s3;
	s29 =	smul.u32 $0x50000, s7  }
0x8: {  	s13 =	sadd.s32 $0x7C00, s4;
	s5 =	sor.u32 s7, s5;
	s14 =	smul.u32 $0xA000, s7  }
0x9: {  	p0 =	sne.s32 s8, $0x0;
	s9 =	ssub.s32 $0x2, s7;
	s6 =	smul.u32 $0x180, s5  }
0xa: {  	_ =	strace $0x8000004D;
	s10 =	smul.u32 $0x50000, s5;
	s11 =	sshrl.u32 s9, $0x1  }
0xb: {  	s12 =	smul.u32 $0xA000, s5;
	s31 =	sadd.s32 s30, s13;
	s25 =	ssub.s32 s9, s11  }
0xc: {  	s9 =	sadd.s32 s29, s26;
	s11 =	simm.s32 $0x10000;
	s6 =	sadd.s32 s6, s4  }
0xd: {  	s28 =	sshrl.u32 s10, $0x3;
	s5 =	smax.u32 s25, $0x1;
	s12 =	sadd.s32 s13, s12  }
0xe: {  	s9 =	sshrl.u32 s9, $0x3;
	s10 =	sadd.s32 s14, s31;
	s14 =	simm.s32 $0x10C00  }
0xf: {  	s4 =	sadd.s32 $0x4C00, s6;
	s6 =	sadd.s32 s13, s28;
	s7 =	sadd.s32 $0x9800, s12  }
0x10: {  	s8 =	sadd.s32 s9, s13;
	s9 =	sadd.s32 $0x800, s10;
	s10 =	sshrl.u32 @!p0 s2, $0x3  }
0x11: {  	s12 =	simm.s32 $0x3;
	s13 =	simm.s32 $0x80;
	s6 =	sadd.s32 $0x9000, s6  }
.LBB2_1:
0x12: {  	s20 =	simm.s32 @!p0 $0x1C03  }
0x13: {  	[spmem:s10], [sflag:s20] =	dma.local @!p0 [hbm:s0], $0x20000  }
0x14: {  	s20 =	simm.s32 @!p0 $0x3  }
0x15: {  	_ =	swait.ge @!p0 [sflag:s20], $0x20000  }
0x16: {  	[sflag:s20] =	ssyncset.done @!p0 $0x0  }
0x17: {  	[sflag:s20] =	ssyncadd.s32 @!p0 $0xFFFE0000  }
0x18: {  	[tilespmem:s11], [sflag:$0x3] =	stream.linear.gather [hbm4b:s4+s3], $0xA00, $0x38;
	[tilespmem:$0x18C00] =	vst v63  }
0x19: {  	_ =	swait.ge [sflag:s12], $0xA00  }
0x1a: {  	[sflag:s12] =	ssyncset.done $0x0  }
0x1b: {  	[sflag:s12] =	ssyncadd.s32 $0xFFFFF600  }
0x1c: {  	[bflag:$0x0] =	sbarrier.arrive $0xFFFF  }
0x1d: {  	[tilespmem:s14], [sflag:$0x1] =	stream.indirect.gather [spmem:s2], $0x80, s11, s13, $0xb8;
	[tilespmem:$0x18C00] =	vst v63  }
0x1e: {  	_ =	swait.ge [sflag:s15], $0x4000  }
0x1f: {  	[sflag:s15] =	ssyncset.done $0x0  }
0x20: {  	s20 =	simm.s32 $0x10080;
	[sflag:s15] =	ssyncadd.s32 $0xFFFFC000  }
0x21: {  	[tilespmem:s16], [sflag:$0x2] =	stream.indirect.gather [spmem:s2], $0x80, s20, s13, $0xb8;
	[tilespmem:$0x18C00] =	vst v63  }
0x22: {  	s21 =	sadd.s32 $0x0, s8  }
0x23: {  	[hbm4b:s21+s3] =	stream.linear.scatter [tilespmem:s14], [sflag:$0x3], $0x4000, $0x38;
	[tilespmem:$0x18C00] =	vst v63  }
0x24: {  	_ =	swait.ge [sflag:s12], $0x4000  }
0x25: {  	[sflag:s12] =	ssyncset.done $0x0  }
0x26: {  	[sflag:s12] =	ssyncadd.s32 $0xFFFFC000  }
0x27: {  	_ =	swait.ge [sflag:s17], $0x4000  }
0x28: {  	[sflag:s17] =	ssyncset.done $0x0  }
0x29: {  	s30 =	simm.s32 $0x10100;
	[sflag:s17] =	ssyncadd.s32 $0xFFFFC000  }
0x2a: {  	[tilespmem:s14], [sflag:$0x1] =	stream.indirect.gather [spmem:s2], $0x80, s30, s13, $0xb8;
	[tilespmem:$0x18C00] =	vst v63  }
0x2b: {  	s31 =	sadd.s32 $0x0, s9  }
0x2c: {  	[hbm4b:s31+s3] =	stream.linear.scatter [tilespmem:s16], [sflag:$0x3], $0x4000, $0x38;
	[tilespmem:$0x18C00] =	vst v63  }
0x2d: {  	_ =	swait.ge [sflag:s12], $0x4000  }
0x2e: {  	s21 =	simm.s32 $0x1000;
	[sflag:s12] =	ssyncset.done $0x0  }
.LBB2_2:
0x2f: {  	p1 =	sne.s32 s21, $0x8000;
	[sflag:s12] =	ssyncadd.s32 $0xFFFFC000;
	s20 =	sadd.s32 $0x100, s20  }
0x30: {  	s22 =	smov.u32 s21;
	s21 =	sadd.s32 $0x1000, s21  }
0x31: {  	_ =	swait.ge [sflag:s15], $0x4000  }
0x32: {  	[sflag:s15] =	ssyncset.done $0x0  }
0x33: {  	[sflag:s15] =	ssyncadd.s32 $0xFFFFC000  }
0x34: {  	[tilespmem:s16], [sflag:$0x2] =	stream.indirect.gather [spmem:s2], $0x80, s20, s13, $0xb8;
	[tilespmem:$0x18C00] =	vst v63  }
0x35: {  	s23 =	sadd.s32 s22, s8  }
0x36: {  	[hbm4b:s23+s3] =	stream.linear.scatter [tilespmem:s14], [sflag:$0x3], $0x4000, $0x38;
	[tilespmem:$0x18C00] =	vst v63  }
0x37: {  	_ =	swait.ge [sflag:s12], $0x4000  }
0x38: {  	[sflag:s12] =	ssyncset.done $0x0  }
0x39: {  	[sflag:s12] =	ssyncadd.s32 $0xFFFFC000  }
0x3a: {  	_ =	swait.ge [sflag:s17], $0x4000  }
0x3b: {  	[sflag:s17] =	ssyncset.done $0x0  }
0x3c: {  	s23 =	sadd.s32 $0x80, s20;
	[sflag:s17] =	ssyncadd.s32 $0xFFFFC000  }
0x3d: {  	[tilespmem:s14], [sflag:$0x1] =	stream.indirect.gather [spmem:s2], $0x80, s23, s13, $0xb8;
	[tilespmem:$0x18C00] =	vst v63  }
.Ltmp0:
0x3e: {  	_ = 	snop;
	(pc) =	sbr.rel @p1 .LBB2_2-.Ltmp0, $4  }
0x3f: {  	s22 =	sadd.s32 s22, s9  }
0x40: {  	[hbm4b:s22+s3] =	stream.linear.scatter [tilespmem:s16], [sflag:$0x3], $0x4000, $0x38;
	[tilespmem:$0x18C00] =	vst v63  }
0x41: {  	_ =	swait.ge [sflag:s12], $0x4000  }
0x42: {  	[sflag:s12] =	ssyncset.done $0x0  }
0x43: {  	[sflag:s12] =	ssyncadd.s32 $0xFFFFC000  }
0x44: {  	_ =	swait.ge [sflag:s15], $0x4000  }
0x45: {  	[sflag:s15] =	ssyncset.done $0x0  }
0x46: {  	[sflag:s15] =	ssyncadd.s32 $0xFFFFC000  }
0x47: {  	[tilespmem:s16], [sflag:$0x2] =	stream.indirect.gather [spmem:s2], $0x80, s18, s13, $0xb8;
	[tilespmem:$0x18C00] =	vst v63  }
0x48: {  	_ = 	snop  }
0x49: {  	[hbm4b:s6+s3] =	stream.linear.scatter [tilespmem:s14], [sflag:$0x3], $0x4000, $0x38;
	[tilespmem:$0x18C00] =	vst v63  }
0x4a: {  	_ =	swait.ge [sflag:s12], $0x4000  }
0x4b: {  	[sflag:s12] =	ssyncset.done $0x0  }
0x4c: {  	[sflag:s12] =	ssyncadd.s32 $0xFFFFC000  }
0x4d: {  	s19 =	sadd.s32 $0x1, s19;
	_ =	swait.ge [sflag:s17], $0x4000  }
0x4e: {  	p1 =	sne.s32 s19, s5;
	[sflag:s17] =	ssyncset.done $0x0  }
.Ltmp1:
0x4f: {  	[sflag:s17] =	ssyncadd.s32 $0xFFFFC000;
	(pc) =	sbr.rel @p1 .LBB2_1-.Ltmp1, $4  }
0x50: {  	[hbm4b:s7+s3] =	stream.linear.scatter [tilespmem:s16], [sflag:$0x3], $0x4000, $0x38;
	[tilespmem:$0x18C00] =	vst v63  }
0x51: {  	_ =	swait.ge [sflag:s12], $0x4000  }
0x52: {  	[sflag:s12] =	ssyncset.done $0x0  }
0x53: {  	[sflag:s12] =	ssyncadd.s32 $0xFFFFC000  }
0x54: {  	_ =	sfence.sel $0x180000  }
0x55: {  	[bflag:$0x0] =	sbarrier.arrive $0xFFFF  }
0x56: {  	_ =	strace $0x9000004D  }
0x57: {  	s0 =	sadd.s32 @!p0 $0x100000, s1;
	[bflag:$0x2] =	sbarrier.arrive $0xFFFF  }
0x58: {  	[sflag:s0] =	ssyncadd.tile.s32 @!p0 $0x1;
	_ =	shalt  }
.Lfunc_end2:
_tile_overlayer_lowered:
.L_overlay_start_2:
0x59: {  	(tag) =	ssettag $0x2  }
0x5a: {  	s0 =	rddreg [dreg:$0x0];
	s2 =	stileid.u32  }
0x5b: {  	s1 =	rddreg [dreg:$0x1];
	p0 =	sne.s32 s2, $0x0  }
0x5c: {  	s3 =	rddreg [dreg:$0x2];
	[bflag:$0x3] =	sbarrier.arrive $0xFFFF;
	s2 =	simm.s32 @!p0 $0x1C03  }
0x5d: {  	[timem:s3], [sflag:s2] =	dma.local @!p0 [hbm:s0], s1  }
0x5e: {  	s0 =	simm.s32 @!p0 $0x3  }
0x5f: {  	_ =	swait.ge @!p0 [sflag:s0], s1  }
0x60: {  	s1 =	ssub.s32 @!p0 $0x0, s1;
	[sflag:s0] =	ssyncset.done @!p0 $0x0  }
0x61: {  	[sflag:s0] =	ssyncadd.s32 @!p0 s1  }
0x62: {  	[bflag:$0x3] =	sbarrier.arrive $0xFFFF  }
0x63: {  	_ =	shalt  }

// kernel: kernel.25.cloned.1.call-start
scs
__scs_entry_jumppad:
0x0: {  	(pc) =	sbr.rel $0x88, $3  }
0x1: {  	(tag) =	ssettag $0x0;
	lr =	simm.s32 $0x1  }
0x2: {  	[smem:$0x3F7E] =	sst lr;
	_ =	strace $0xD0000000  }
0x3: {  	_ = 	snop  }
0x4: {  	_ = 	snop  }
0x5: {  	_ = 	snop  }
0x6: {  	_ = 	snop  }
0x7: {  	_ = 	snop  }
__scs_overlays_trampoline_lowered:
0x8: {  	[smem:$0x3F8D] =	sst s0  }
0x9: {  	[smem:$0x3F8E] =	sst s1  }
0xa: {  	[smem:$0x3F8F] =	sst s2  }
0xb: {  	[smem:$0x3F90] =	sst s3  }
0xc: {  	[smem:$0x3F91] =	sst s4  }
0xd: {  	[smem:$0x3F92] =	sst s5  }
0xe: {  	[smem:$0x3F93] =	sst s6  }
0xf: {  	[smem:$0x3F94] =	sst s7  }
0x10: {  	[smem:$0x3F95] =	sst s8  }
0x11: {  	[smem:$0x3F96] =	sst s9;
	s0 =	simm.s32 @!p0 $0x0  }
0x12: {  	s1 =	sld [smem:$0x3F7C];
	s0 =	simm.s32 @p0 $0x1  }
0x13: {  	[smem:$0x3F97] =	sst s0;
	s0 =	simm.s32 @!p1 $0x0  }
0x14: {  	s2 =	sld [smem:$0x3F7B];
	s0 =	simm.s32 @p1 $0x1  }
0x15: {  	[smem:$0x3F98] =	sst s0;
	s0 =	simm.s32 @!p2 $0x0  }
0x16: {  	s3 =	sld [smem:$0x3FDB];
	s0 =	simm.s32 @p2 $0x1  }
0x17: {  	s4 =	simm.s32 $0x1BF5;
	[smem:$0x3F9A] =	sst s0  }
0x18: {  	s0 =	sld [smem:$0x3F7D];
	_ =	swait.ge [sflag:s4], $0x0  }
0x19: {  	s7 =	sld [smem:$0x3F7E]  }
0x1a: {  	s8 =	sadd.s32 $0xFFFFE003, lr  }
0x1b: {  	s9 =	sadd.s32 $0xFFFFFEF7, lr;
	s5 =	simm.s32 $0xFFFFFFFF;
	p2 =	slt.u32 s8, $0xFFFFF086  }
0x1c: {  	p1 =	slt.u32 s9, $0xF7A;
	s5 =	simm.s32 @!p2 $0x0  }
0x1d: {  	s5 =	simm.s32 @p1 $0x1;
	p0 =	seq.s32 s7, s2  }
0x1e: {  	s7 =	smul.u32 @!p0 $0xF7A, s2;
	p2 =	seq.s32 @!p0 s5, $0x0  }
0x1f: {  	s9 =	smul.u32 $0xF7A, s1;
	s8 =	simm.s32 @!p0 $0x1BF5;
	p2 =	por !p2, p0  }
0x20: {  	[sflag:s8] =	ssyncset.s32 @!p0 $0xFFFFF086;
	s6 =	sadd.s32 @!p0 s3, s7;
	s7 =	simm.s32 @!p0 $0x108  }
0x21: {  	s3 =	sadd.s32 s3, s9;
	s6 =	sadd.s32 @!p0 $0x88, s6;
	s7 =	simm.s32 @p2 $0x1082  }
0x22: {  	[simem:s7], [sflag:s8] =	dma.local @!p0 [hbm:s6], $0xF7A  }
0x23: {  	s9 =	sor.u32 $0xD0000000, s2;
	s6 =	simm.s32 $0x108;
	_ =	swait.ge @!p0 [sflag:s8], $0x0  }
0x24: {  	s3 =	sadd.s32 $0x88, s3;
	s6 =	simm.s32 @!p1 $0x1082;
	[sflag:s4] =	ssyncset.s32 $0xFFFFF086  }
0x25: {  	[simem:s6], [sflag:s4] =	dma.local [hbm:s3], $0xF7A  }
0x26: {  	[smem:$0x3F7E] =	sst s1;
	(tag) =	ssettag s2;
	_ =	strace s9  }
0x27: {  	s1 =	sld [smem:$0x3F8E]  }
0x28: {  	s2 =	sld [smem:$0x3F8F]  }
0x29: {  	s4 =	sld [smem:$0x3F91]  }
0x2a: {  	p0 =	seq.s32 s5, $0x0;
	s5 =	sld [smem:$0x3F92]  }
0x2b: {  	s6 =	sld [smem:$0x3F93]  }
0x2c: {  	s7 =	sld [smem:$0x3F94]  }
0x2d: {  	s3 =	simm.s32 $0x108;
	s8 =	sld [smem:$0x3F95]  }
0x2e: {  	s3 =	simm.s32 @!p0 $0x1082;
	s9 =	sld [smem:$0x3F96]  }
0x2f: {  	lr =	sadd.s32 s0, s3;
	s0 =	sld [smem:$0x3F8D]  }
0x30: {  	s3 =	sld [smem:$0x3F90]  }
0x31: {  	[smem:$0x3F99] =	sst s10  }
0x32: {  	s10 =	sld [smem:$0x3F97];
	_ =	sdelay $0x3  }
0x33: {  	p0 =	seq.s32 s10, $0x1;
	s10 =	sld [smem:$0x3F99];
	_ =	sdelay $0x3  }
0x34: {  	[smem:$0x3F99] =	sst s10  }
0x35: {  	s10 =	sld [smem:$0x3F98];
	_ =	sdelay $0x3  }
0x36: {  	p1 =	seq.s32 s10, $0x1;
	s10 =	sld [smem:$0x3F99];
	_ =	sdelay $0x3  }
0x37: {  	[smem:$0x3F99] =	sst s10  }
0x38: {  	s10 =	sld [smem:$0x3F9A]  }
0x39: {  	_ = 	snop;
	(pc) =	sbr.ind lr, $3  }
0x3a: {  	_ = 	snop  }
0x3b: {  	_ = 	snop  }
0x3c: {  	p2 =	seq.s32 s10, $0x1;
	s10 =	sld [smem:$0x3F99]  }
0x3d: {  	_ =	shalt  }
0x3e: {  	_ =	shalt  }
0x3f: {  	_ =	shalt  }
0x40: {  	_ =	shalt  }
0x41: {  	_ =	shalt  }
0x42: {  	_ =	shalt  }
0x43: {  	_ =	shalt  }
0x44: {  	_ =	shalt  }
0x45: {  	_ =	shalt  }
0x46: {  	_ =	shalt  }
0x47: {  	_ =	shalt  }
0x48: {  	_ =	shalt  }
0x49: {  	_ =	shalt  }
0x4a: {  	_ =	shalt  }
0x4b: {  	_ =	shalt  }
0x4c: {  	_ =	shalt  }
0x4d: {  	_ =	shalt  }
0x4e: {  	_ =	shalt  }
0x4f: {  	_ =	shalt  }
0x50: {  	_ =	shalt  }
0x51: {  	_ =	shalt  }
0x52: {  	_ =	shalt  }
0x53: {  	_ =	shalt  }
0x54: {  	_ =	shalt  }
0x55: {  	_ =	shalt  }
0x56: {  	_ =	shalt  }
0x57: {  	_ =	shalt  }
0x58: {  	_ =	shalt  }
0x59: {  	_ =	shalt  }
0x5a: {  	_ =	shalt  }
0x5b: {  	_ =	shalt  }
0x5c: {  	_ =	shalt  }
0x5d: {  	_ =	shalt  }
0x5e: {  	_ =	shalt  }
0x5f: {  	_ =	shalt  }
0x60: {  	_ =	shalt  }
0x61: {  	_ =	shalt  }
0x62: {  	_ =	shalt  }
0x63: {  	_ =	shalt  }
0x64: {  	_ =	shalt  }
0x65: {  	_ =	shalt  }
0x66: {  	_ =	shalt  }
0x67: {  	_ =	shalt  }
0x68: {  	_ =	shalt  }
0x69: {  	_ =	shalt  }
0x6a: {  	_ =	shalt  }
0x6b: {  	_ =	shalt  }
0x6c: {  	_ =	shalt  }
0x6d: {  	_ =	shalt  }
0x6e: {  	_ =	shalt  }
0x6f: {  	_ =	shalt  }
0x70: {  	_ =	shalt  }
0x71: {  	_ =	shalt  }
0x72: {  	_ =	shalt  }
0x73: {  	_ =	shalt  }
0x74: {  	_ =	shalt  }
0x75: {  	_ =	shalt  }
0x76: {  	_ =	shalt  }
0x77: {  	_ =	shalt  }
0x78: {  	_ =	shalt  }
0x79: {  	_ =	shalt  }
0x7a: {  	_ =	shalt  }
0x7b: {  	_ =	shalt  }
0x7c: {  	_ =	shalt  }
0x7d: {  	_ =	shalt  }
0x7e: {  	_ =	shalt  }
0x7f: {  	_ =	shalt  }
0x80: {  	_ =	shalt  }
0x81: {  	_ =	shalt  }
0x82: {  	_ =	shalt  }
0x83: {  	_ =	shalt  }
0x84: {  	_ =	shalt  }
0x85: {  	_ =	shalt  }
0x86: {  	_ =	shalt  }
0x87: {  	_ =	shalt  }
.Lfunc_end0:
.L_simem_size_0:
called_computation.3_lowered:
.L_overlay_start_0:
0x88: {  	s2 =	sld [smem:$0x3FD9]  }
0x89: {  	s3 =	sld [smem:$0x3FFE];
	_ =	sdelay $0x1  }
0x8a: {  	s1 =	srdreg.scid  }
0x8b: {  	s0 =	sand.u32 $0x1, s1  }
0x8c: {  	s17 =	sshll.u32 s0, $0xA;
	s2 =	sadd.s32 s3, s2  }
0x8d: {  	s2 =	sadd.s32 s2, s17  }
0x8e: {  	[smem:$0x3FA5] =	sst s2  }
0x8f: {  	_ = 	snop  }
0x90: {  	s2 =	sld [smem:$0x3FD0];
	(tm) =	ssettm $0x1  }
0x91: {  	s18 =	sld [smem:$0x3FFB];
	_ =	sdelay $0x3  }
0x92: {  	_ =	strace s18  }
0x93: {  	s3 =	sld [smem:$0x3FFC];
	_ =	sdelay $0x3  }
0x94: {  	_ =	strace s3  }
0x95: {  	s3 =	sld [smem:$0x3FFD];
	_ =	sdelay $0x3  }
0x96: {  	_ =	strace s3  }
0x97: {  	_ =	strace $0x8FFFFFFF  }
0x98: {  	s19 =	sld [smem:$0x3FDB];
	_ =	sdelay $0x1  }
0x99: {  	s4 =	simm.s32 $_scs_section_size  }
0x9a: {  	s5 =	simm.s32 $_size__tile_overlayer_lowered;
	s6 =	simm.s32 $_tile_overlayer_lowered  }
0x9b: {  	s22 =	simm.s32 $0x1BFF;
	s21 =	sshll.u32 s6, $0x1;
	s3 =	sadd.s32 s4, s19  }
0x9c: {  	s7 =	simm.s32 $0x0;
	s20 =	sshll.u32 s5, $0x1;
	s5 =	sadd.s32 s21, s3  }
0x9d: {  	[timem:s7], [sflag:s22] =	dma.local [hbm:s5], s20  }
0x9e: {  	_ =	swait.ge [sflag:s22], s20  }
0x9f: {  	s4 =	ssub.s32 $0x0, s20;
	[sflag:s22] =	ssyncset.done $0x0  }
0xa0: {  	[sflag:s22] =	ssyncadd.s32 s4;
	_ =	sdelay $0x1  }
0xa1: {  	s23 =	simm.s32 $0x1B8B  }
0xa2: {  	_ =	swait.ge [sflag:s23], $0x1  }
0xa3: {  	[sflag:s23] =	ssyncset.done $0x0  }
0xa4: {  	s25 =	simm.s32 $0x1B8E;
	s24 =	sld [smem:$0x3FFE];
	[sflag:s23] =	ssyncadd.s32 $0xFFFFFFFF  }
0xa5: {  	s26 =	simm.s32 $execute0_lowered;
	[smem:$0x3FD2] =	sst s25  }
0xa6: {  	s5 =	sshll.u32 s26, $0x1;
	_ =	strace $0x8000004F;
	[dreg:$0x1] =	wrdreg $0xFFFFFFFF  }
0xa7: {  	s28 =	simm.s32 $_size_execute0_lowered;
	s3 =	sadd.s32 s3, s5;
	[dreg:$0x0] =	wrdreg $0x0  }
0xa8: {  	s5 =	sshll.u32 s28, $0x1;
	[dreg:$0x2] =	wrdreg s3  }
0xa9: {  	[dreg:$0x3] =	wrdreg s5  }
0xaa: {  	[dreg:$0x4] =	wrdreg $0xC0  }
0xab: {  	_ =	task [dreg:s7], $0x5FFFF  }
0xac: {  	[dreg:$0x1] =	wrdreg $0xFFFFFFFF  }
0xad: {  	[dreg:$0x0] =	wrdreg $0x60  }
0xae: {  	[dreg:$0x2] =	wrdreg s2  }
0xaf: {  	[dreg:$0x3] =	wrdreg s24  }
0xb0: {  	[dreg:$0x4] =	wrdreg $0x0  }
0xb1: {  	[dreg:$0x5] =	wrdreg $0x9  }
0xb2: {  	_ =	task.clear_ibuf [dreg:s7], $0x6FFFF;
	_ =	strace $0x9000004F  }
0xb3: {  	s29 =	simm.s32 $0x9;
	_ =	strace $0x80000051  }
0xb4: {  	_ =	swait.ge [sflag:s29], $0x1  }
0xb5: {  	[sflag:s29] =	ssyncadd.s32 $0xFFFFFFFF  }
0xb6: {  	_ =	strace $0x90000051  }
0xb7: {  	_ =	sfence  }
0xb8: {  	s30 =	sld [smem:$0x0];
	_ =	sdelay $0x2  }
0xb9: {  	s31 =	sshll.u32 s1, $0xD;
	s1 =	sshrl.u32 s1, $0x2  }
0xba: {  	s3 =	sand.u32 $0x4000, s31;
	s1 =	sadd.s32 s1, s30  }
0xbb: {  	s0 =	sor.u32 s3, s0;
	s1 =	sshll.u32 s1, $0x11  }
0xbc: {  	s0 =	sor.u32 s1, s0  }
0xbd: {  	s0 =	sadd.s32 $0x8F2B, s0  }
0xbe: {  	[sflag:s0] =	ssyncadd.remote.s32 $0x1  }
0xbf: {  	_ =	sfence.sel $0xFFFF  }
0xc0: {  	[dreg:$0x0] =	wrdreg $0xFFFFFFFF;
	(pc) =	sbr.abs _section_cstart, $3  }
0xc1: {  	[dreg:$0x1] =	wrdreg $0xFFFFFFFF  }
0xc2: {  	_ =	task.clear_ibuf [dreg:s7], $0x2FFFF;
	_ =	strace $0x9FFFFFFF  }
0xc3: {  	(tm) =	ssettm $0x7FFFFFFF  }
tec
execute0_lowered:
.L_overlay_start_1:
0x0: {  	(tag) =	ssettag $0x1  }
0x1: {  	s0 =	rddreg [dreg:$0x0]  }
0x2: {  	s4 =	rddreg [dreg:$0x1];
	s1 =	srdreg.scid  }
0x3: {  	s8 =	stileid.u32;
	s2 =	rddreg [dreg:$0x2];
	s3 =	simm.s32 $0x0  }
0x4: {  	s15 =	simm.s32 $0x1;
	s16 =	simm.s32 $0x14C00;
	s17 =	simm.s32 $0x2  }
0x5: {  	s18 =	simm.s32 $0x10980;
	s19 =	simm.s32 $0x0;
	s26 =	smul.u32 $0xA0000, s8  }
0x6: {  	s7 =	sand.u32 $0x1, s1;
	s1 =	rddreg [dreg:$0x3];
	s30 =	smul.u32 $0x14000, s8  }
0x7: {  	s5 =	sshll.u32 s8, $0x1;
	[smem:$0x7FF] =	sst s3;
	s29 =	smul.u32 $0x50000, s7  }
0x8: {  	s13 =	sadd.s32 $0x7C00, s4;
	s5 =	sor.u32 s7, s5;
	s14 =	smul.u32 $0xA000, s7  }
0x9: {  	p0 =	sne.s32 s8, $0x0;
	s9 =	ssub.s32 $0x2, s7;
	s6 =	smul.u32 $0x180, s5  }
0xa: {  	_ =	strace $0x80000050;
	s10 =	smul.u32 $0x50000, s5;
	s11 =	sshrl.u32 s9, $0x1  }
0xb: {  	s12 =	smul.u32 $0xA000, s5;
	s31 =	sadd.s32 s30, s13;
	s25 =	ssub.s32 s9, s11  }
0xc: {  	s9 =	sadd.s32 s29, s26;
	s11 =	simm.s32 $0x10000;
	s6 =	sadd.s32 s6, s4  }
0xd: {  	s28 =	sshrl.u32 s10, $0x3;
	s5 =	smax.u32 s25, $0x1;
	s12 =	sadd.s32 s13, s12  }
0xe: {  	s9 =	sshrl.u32 s9, $0x3;
	s10 =	sadd.s32 s14, s31;
	s14 =	simm.s32 $0x10C00  }
0xf: {  	s4 =	sadd.s32 $0x4C00, s6;
	s6 =	sadd.s32 s13, s28;
	s7 =	sadd.s32 $0x9800, s12  }
0x10: {  	s8 =	sadd.s32 s9, s13;
	s9 =	sadd.s32 $0x800, s10;
	s10 =	sshrl.u32 @!p0 s2, $0x3  }
0x11: {  	s12 =	simm.s32 $0x3;
	s13 =	simm.s32 $0x80;
	s6 =	sadd.s32 $0x9000, s6  }
.LBB2_1:
0x12: {  	s20 =	simm.s32 @!p0 $0x1C03  }
0x13: {  	[spmem:s10], [sflag:s20] =	dma.local @!p0 [hbm:s0], $0x20000  }
0x14: {  	s20 =	simm.s32 @!p0 $0x3  }
0x15: {  	_ =	swait.ge @!p0 [sflag:s20], $0x20000  }
0x16: {  	[sflag:s20] =	ssyncset.done @!p0 $0x0  }
0x17: {  	[sflag:s20] =	ssyncadd.s32 @!p0 $0xFFFE0000  }
0x18: {  	[tilespmem:s11], [sflag:$0x3] =	stream.linear.gather [hbm4b:s4+s3], $0xA00, $0x38;
	[tilespmem:$0x18C00] =	vst v63  }
0x19: {  	_ =	swait.ge [sflag:s12], $0xA00  }
0x1a: {  	[sflag:s12] =	ssyncset.done $0x0  }
0x1b: {  	[sflag:s12] =	ssyncadd.s32 $0xFFFFF600  }
0x1c: {  	[bflag:$0x0] =	sbarrier.arrive $0xFFFF  }
0x1d: {  	[tilespmem:s14], [sflag:$0x1] =	stream.indirect.gather [spmem:s2], $0x80, s11, s13, $0xb8;
	[tilespmem:$0x18C00] =	vst v63  }
0x1e: {  	_ =	swait.ge [sflag:s15], $0x4000  }
0x1f: {  	[sflag:s15] =	ssyncset.done $0x0  }
0x20: {  	s20 =	simm.s32 $0x10080;
	[sflag:s15] =	ssyncadd.s32 $0xFFFFC000  }
0x21: {  	[tilespmem:s16], [sflag:$0x2] =	stream.indirect.gather [spmem:s2], $0x80, s20, s13, $0xb8;
	[tilespmem:$0x18C00] =	vst v63  }
0x22: {  	s21 =	sadd.s32 $0x0, s8  }
0x23: {  	[hbm4b:s21+s3] =	stream.linear.scatter [tilespmem:s14], [sflag:$0x3], $0x4000, $0x38;
	[tilespmem:$0x18C00] =	vst v63  }
0x24: {  	_ =	swait.ge [sflag:s12], $0x4000  }
0x25: {  	[sflag:s12] =	ssyncset.done $0x0  }
0x26: {  	[sflag:s12] =	ssyncadd.s32 $0xFFFFC000  }
0x27: {  	_ =	swait.ge [sflag:s17], $0x4000  }
0x28: {  	[sflag:s17] =	ssyncset.done $0x0  }
0x29: {  	s30 =	simm.s32 $0x10100;
	[sflag:s17] =	ssyncadd.s32 $0xFFFFC000  }
0x2a: {  	[tilespmem:s14], [sflag:$0x1] =	stream.indirect.gather [spmem:s2], $0x80, s30, s13, $0xb8;
	[tilespmem:$0x18C00] =	vst v63  }
0x2b: {  	s31 =	sadd.s32 $0x0, s9  }
0x2c: {  	[hbm4b:s31+s3] =	stream.linear.scatter [tilespmem:s16], [sflag:$0x3], $0x4000, $0x38;
	[tilespmem:$0x18C00] =	vst v63  }
0x2d: {  	_ =	swait.ge [sflag:s12], $0x4000  }
0x2e: {  	s21 =	simm.s32 $0x1000;
	[sflag:s12] =	ssyncset.done $0x0  }
.LBB2_2:
0x2f: {  	p1 =	sne.s32 s21, $0x8000;
	[sflag:s12] =	ssyncadd.s32 $0xFFFFC000;
	s20 =	sadd.s32 $0x100, s20  }
0x30: {  	s22 =	smov.u32 s21;
	s21 =	sadd.s32 $0x1000, s21  }
0x31: {  	_ =	swait.ge [sflag:s15], $0x4000  }
0x32: {  	[sflag:s15] =	ssyncset.done $0x0  }
0x33: {  	[sflag:s15] =	ssyncadd.s32 $0xFFFFC000  }
0x34: {  	[tilespmem:s16], [sflag:$0x2] =	stream.indirect.gather [spmem:s2], $0x80, s20, s13, $0xb8;
	[tilespmem:$0x18C00] =	vst v63  }
0x35: {  	s23 =	sadd.s32 s22, s8  }
0x36: {  	[hbm4b:s23+s3] =	stream.linear.scatter [tilespmem:s14], [sflag:$0x3], $0x4000, $0x38;
	[tilespmem:$0x18C00] =	vst v63  }
0x37: {  	_ =	swait.ge [sflag:s12], $0x4000  }
0x38: {  	[sflag:s12] =	ssyncset.done $0x0  }
0x39: {  	[sflag:s12] =	ssyncadd.s32 $0xFFFFC000  }
0x3a: {  	_ =	swait.ge [sflag:s17], $0x4000  }
0x3b: {  	[sflag:s17] =	ssyncset.done $0x0  }
0x3c: {  	s23 =	sadd.s32 $0x80, s20;
	[sflag:s17] =	ssyncadd.s32 $0xFFFFC000  }
0x3d: {  	[tilespmem:s14], [sflag:$0x1] =	stream.indirect.gather [spmem:s2], $0x80, s23, s13, $0xb8;
	[tilespmem:$0x18C00] =	vst v63  }
.Ltmp0:
0x3e: {  	_ = 	snop;
	(pc) =	sbr.rel @p1 .LBB2_2-.Ltmp0, $4  }
0x3f: {  	s22 =	sadd.s32 s22, s9  }
0x40: {  	[hbm4b:s22+s3] =	stream.linear.scatter [tilespmem:s16], [sflag:$0x3], $0x4000, $0x38;
	[tilespmem:$0x18C00] =	vst v63  }
0x41: {  	_ =	swait.ge [sflag:s12], $0x4000  }
0x42: {  	[sflag:s12] =	ssyncset.done $0x0  }
0x43: {  	[sflag:s12] =	ssyncadd.s32 $0xFFFFC000  }
0x44: {  	_ =	swait.ge [sflag:s15], $0x4000  }
0x45: {  	[sflag:s15] =	ssyncset.done $0x0  }
0x46: {  	[sflag:s15] =	ssyncadd.s32 $0xFFFFC000  }
0x47: {  	[tilespmem:s16], [sflag:$0x2] =	stream.indirect.gather [spmem:s2], $0x80, s18, s13, $0xb8;
	[tilespmem:$0x18C00] =	vst v63  }
0x48: {  	_ = 	snop  }
0x49: {  	[hbm4b:s6+s3] =	stream.linear.scatter [tilespmem:s14], [sflag:$0x3], $0x4000, $0x38;
	[tilespmem:$0x18C00] =	vst v63  }
0x4a: {  	_ =	swait.ge [sflag:s12], $0x4000  }
0x4b: {  	[sflag:s12] =	ssyncset.done $0x0  }
0x4c: {  	[sflag:s12] =	ssyncadd.s32 $0xFFFFC000  }
0x4d: {  	s19 =	sadd.s32 $0x1, s19;
	_ =	swait.ge [sflag:s17], $0x4000  }
0x4e: {  	p1 =	sne.s32 s19, s5;
	[sflag:s17] =	ssyncset.done $0x0  }
.Ltmp1:
0x4f: {  	[sflag:s17] =	ssyncadd.s32 $0xFFFFC000;
	(pc) =	sbr.rel @p1 .LBB2_1-.Ltmp1, $4  }
0x50: {  	[hbm4b:s7+s3] =	stream.linear.scatter [tilespmem:s16], [sflag:$0x3], $0x4000, $0x38;
	[tilespmem:$0x18C00] =	vst v63  }
0x51: {  	_ =	swait.ge [sflag:s12], $0x4000  }
0x52: {  	[sflag:s12] =	ssyncset.done $0x0  }
0x53: {  	[sflag:s12] =	ssyncadd.s32 $0xFFFFC000  }
0x54: {  	_ =	sfence.sel $0x180000  }
0x55: {  	[bflag:$0x0] =	sbarrier.arrive $0xFFFF  }
0x56: {  	_ =	strace $0x90000050  }
0x57: {  	s0 =	sadd.s32 @!p0 $0x100000, s1;
	[bflag:$0x2] =	sbarrier.arrive $0xFFFF  }
0x58: {  	[sflag:s0] =	ssyncadd.tile.s32 @!p0 $0x1;
	_ =	shalt  }
.Lfunc_end2:
_tile_overlayer_lowered:
.L_overlay_start_2:
0x59: {  	(tag) =	ssettag $0x2  }
0x5a: {  	s0 =	rddreg [dreg:$0x0];
	s2 =	stileid.u32  }
0x5b: {  	s1 =	rddreg [dreg:$0x1];
	p0 =	sne.s32 s2, $0x0  }
0x5c: {  	s3 =	rddreg [dreg:$0x2];
	[bflag:$0x3] =	sbarrier.arrive $0xFFFF;
	s2 =	simm.s32 @!p0 $0x1C03  }
0x5d: {  	[timem:s3], [sflag:s2] =	dma.local @!p0 [hbm:s0], s1  }
0x5e: {  	s0 =	simm.s32 @!p0 $0x3  }
0x5f: {  	_ =	swait.ge @!p0 [sflag:s0], s1  }
0x60: {  	s1 =	ssub.s32 @!p0 $0x0, s1;
	[sflag:s0] =	ssyncset.done @!p0 $0x0  }
0x61: {  	[sflag:s0] =	ssyncadd.s32 @!p0 s1  }
0x62: {  	[bflag:$0x3] =	sbarrier.arrive $0xFFFF  }
0x63: {  	_ =	shalt  }

</sc_bundles>
